<compile_context>
chip_gen: v7x
topology: tpu7x:2x2x1
jax: 0.10.2.dev20260603
libtpu: 0.0.44.dev20260713+nightly
codegen_flags: <defaults>
</compile_context>

<pallas_src>
import functools

import numpy as np

import jax
import jax.numpy as jnp
from jax import lax
from jax.experimental import pallas as pl
from jax.experimental.pallas import tpu as pltpu
from jax.experimental.pallas import tpu_sc as plsc

B = 4096
L = 200
H = 64
NC = 2
NS = 16
NW = NC * NS
SW = B // NW
IC0 = 128
IC1 = L - IC0


def _make_kernel():
    mesh = plsc.VectorSubcoreMesh(core_axis_name="c", subcore_axis_name="s")

    @functools.partial(
        pl.kernel,
        mesh=mesh,
        out_type=jax.ShapeDtypeStruct((B, L, 2 * H), jnp.float32),
        scratch_types=[
            pltpu.VMEM((SW * L,), jnp.int32),
            pltpu.VMEM((2, IC0), jnp.int32),
            pltpu.VMEM((2, IC1), jnp.int32),
            pltpu.VMEM((2, L, 2 * H), jnp.float32),
            pltpu.VMEM((2, L, 2 * H), jnp.float32),
            pltpu.SemaphoreType.DMA,
            pltpu.SemaphoreType.DMA,
            pltpu.SemaphoreType.DMA,
            pltpu.SemaphoreType.DMA,
        ],
    )
    def embed(idx_hbm, table_hbm, pre_hbm, out_hbm, idx_v, cidx_a, cidx_b,
              rows_v, out_v, sem_g0, sem_g1, sem_w0, sem_w1):
        wid = lax.axis_index("c") * NS + lax.axis_index("s")
        base = wid * SW
        sem_g = (sem_g0, sem_g1)
        sem_w = (sem_w0, sem_w1)

        pltpu.sync_copy(idx_hbm.at[pl.ds(base * L, SW * L)], idx_v)

        for b in range(2):
            pltpu.sync_copy(pre_hbm, out_v.at[b])

        def build_idx_lists(s, b):
            for r0 in range(0, IC0, 16):
                cidx_a[b, pl.ds(r0, 16)] = idx_v[pl.ds(s * L + r0, 16)]
            for r0 in (0, 16, 32, 48, IC1 - 16):
                cidx_b[b, pl.ds(r0, 16)] = idx_v[pl.ds(s * L + IC0 + r0, 16)]

        def gather_copies(s, b):
            return (
                pltpu.make_async_copy(
                    table_hbm.at[cidx_a.at[b]],
                    rows_v.at[b].at[pl.ds(0, IC0)],
                    sem_g[b],
                ),
                pltpu.make_async_copy(
                    table_hbm.at[cidx_b.at[b]],
                    rows_v.at[b].at[pl.ds(IC0, IC1)],
                    sem_g[b],
                ),
            )

        def wb_copy(s, b):
            return pltpu.make_async_copy(
                out_v.at[b],
                out_hbm.at[base + s],
                sem_w[b],
            )

        def issue_gathers(s, b):
            build_idx_lists(s, b)
            for c in gather_copies(s, b):
                c.start()

        def interleave(b):
            def il(i, carry):
                for r in range(2):
                    row = i * 2 + r
                    for j in range(H // 16):
                        out_v[b, row, pl.ds(H + j * 16, 16)] = (
                            rows_v[b, row, pl.ds(j * 16, 16)]
                        )
                return carry

            lax.fori_loop(0, L // 2, il, 0)

        issue_gathers(0, 0)
        issue_gathers(1, 1)

        for b in range(2):
            for c in gather_copies(b, b):
                c.wait()
            interleave(b)
            wb_copy(b, b).start()
            issue_gathers(b + 2, b)

        def pair_body(g, carry):
            for b in range(2):
                s = 2 * g + b
                for c in gather_copies(s, b):
                    c.wait()
                wb_copy(s - 2, b).wait()
                interleave(b)
                wb_copy(s, b).start()

                @pl.when(s + 2 < SW)
                def _():
                    issue_gathers(s + 2, b)

            return carry

        lax.fori_loop(1, SW // 2, pair_body, 0)

        for b in range(2):
            wb_copy(SW - 2 + b, b).wait()

    return embed


_embed = _make_kernel()


def kernel(inputs, embedding, position_embedding):
    idx = inputs.astype(jnp.int32).reshape(B * L)
    eye_pad = jnp.asarray(
        np.concatenate(
            [np.eye(H, dtype=np.float32), np.zeros((H, H), np.float32)],
            axis=1,
        )
    )
    padded = jax.lax.dot(embedding, eye_pad)
    prefill = jnp.concatenate(
        [position_embedding[:L], jnp.zeros((L, H), jnp.float32)], axis=1
    )
    return _embed(idx, padded, prefill)

# --- scband reference (transcript-rebuilt; emitter-appended) ---
"""Pipeline reference for scband-index-position-embedding-23459111371129 (READ-ONLY COPY).

The authoritative reference and input builder live on the scoring server;
editing this copy changes nothing except your own understanding.
"""

import jax, jax.numpy as jnp
import numpy as np

VOCAB = 1000000
HIDDEN = 64
MAX_LEN = 500
B = 4096
L = 200

def setup_inputs(seed: int = 0) -> dict:
    key = jax.random.key(seed)
    k1, k2, k3 = jax.random.split(key, 3)
    inputs = jax.random.randint(k1, (B, L), 0, VOCAB, dtype=jnp.int64 if jax.config.jax_enable_x64 else jnp.int32)
    embedding = jax.random.normal(k2, (VOCAB, HIDDEN), dtype=jnp.float32)
    position_embedding = jax.random.normal(k3, (MAX_LEN, HIDDEN), dtype=jnp.float32)
    return {"inputs": inputs, "embedding": embedding, "position_embedding": position_embedding}

def reference(inputs, embedding, position_embedding):
    batch_size, seq_len = inputs.shape
    start_index = 0
    # content embedding lookup
    embedded_input = jnp.take(embedding, inputs, axis=0)  # [B, L, H]
    # position indices (input_mask is None in this configuration)
    position_input_index = jnp.broadcast_to(
        jnp.arange(start_index, start_index + seq_len)[None, :], (batch_size, seq_len)
    )
    position_input_embedded = jnp.take(position_embedding, position_input_index, axis=0)  # [B, L, H]
    position_input = jnp.concatenate([position_input_embedded, embedded_input], axis=-1)  # [B, L, 2H]
    return position_input

if __name__ == "__main__":
    import jax
    _d = setup_inputs()
    print(jax.jit(kernel)(*tuple(_d.values())))

</pallas_src>

<mosaic_0001>
#map = affine_map<(d0, d1) -> (0)>
#map1 = affine_map<(d0, d1) -> (0, 0)>
#map2 = affine_map<(d0, d1) -> (0, 0, 0)>
module attributes {stable_mosaic.version = 14 : i64} {
  func.func @embed(%arg0: i32, %arg1: i32, %arg2: memref<819200xi32, #tpu.memory_space<hbm>>, %arg3: memref<1000000x128xf32, #tpu.memory_space<hbm>>, %arg4: memref<200x128xf32, #tpu.memory_space<hbm>>, %arg5: memref<4096x200x128xf32, #tpu.memory_space<hbm>>, %arg6: memref<25600xi32, #tpu.memory_space<vmem>>, %arg7: memref<2x128xi32, #tpu.memory_space<vmem>>, %arg8: memref<2x72xi32, #tpu.memory_space<vmem>>, %arg9: memref<2x200x128xf32, #tpu.memory_space<vmem>>, %arg10: memref<2x200x128xf32, #tpu.memory_space<vmem>>, %arg11: memref<!tpu.dma_semaphore, #tpu.memory_space<semaphore_mem>>, %arg12: memref<!tpu.dma_semaphore, #tpu.memory_space<semaphore_mem>>, %arg13: memref<!tpu.dma_semaphore, #tpu.memory_space<semaphore_mem>>, %arg14: memref<!tpu.dma_semaphore, #tpu.memory_space<semaphore_mem>>) attributes {dimension_semantics = [#tpu.dimension_semantics<core_parallel>, #tpu.dimension_semantics<subcore_parallel>], iteration_bounds = array<i64: 2, 16>, scalar_prefetch = 0 : i64, scratch_operands = 9 : i64, tpu.core_type = #tpu.core_type<sc_vector_subcore>, window_params = [{transform_indices = #map}, {transform_indices = #map1}, {transform_indices = #map1}, {transform_indices = #map2}]} {
    %mul3A = arith.constant 16 : i32
    %mul3A_0 = arith.muli %arg0, %mul3A : i32
    %add3A = arith.addi %mul3A_0, %arg1 : i32
    %mul3A_1 = arith.constant 128 : i32
    %mul3A_2 = arith.muli %add3A, %mul3A_1 : i32
    %mul3A_3 = arith.constant 200 : i32
    %mul3A_4 = arith.muli %mul3A_2, %mul3A_3 : i32
    "tpu.region"() ({
      %run_scoped3A_743 = tpu.sem_alloc : memref<!tpu.dma_semaphore, #tpu.memory_space<semaphore_mem>>
      %dma_start3A_744 = tpu.memref_slice %arg2[%mul3A_4] : memref<819200xi32, #tpu.memory_space<hbm>> -> memref<25600xi32, #tpu.memory_space<hbm>>
      %dma_start3A_745 = tpu.memref_slice %arg2[%mul3A_4] : memref<819200xi32, #tpu.memory_space<hbm>> -> memref<25600xi32, #tpu.memory_space<hbm>>
      tpu.enqueue_dma source(%dma_start3A_745 : memref<25600xi32, #tpu.memory_space<hbm>>) target(%arg6 : memref<25600xi32, #tpu.memory_space<vmem>>) target_semaphore(%run_scoped3A_743 : memref<!tpu.dma_semaphore, #tpu.memory_space<semaphore_mem>>)
      %dma_wait3A_746 = tpu.memref_slice %arg2[%mul3A_4] : memref<819200xi32, #tpu.memory_space<hbm>> -> memref<25600xi32, #tpu.memory_space<hbm>>
      %dma_wait3A_747 = tpu.memref_slice %arg2[%mul3A_4] : memref<819200xi32, #tpu.memory_space<hbm>> -> memref<25600xi32, #tpu.memory_space<hbm>>
      tpu.wait_dma2 semaphore(%run_scoped3A_743 : memref<!tpu.dma_semaphore, #tpu.memory_space<semaphore_mem>>) src(%dma_wait3A_747 : memref<25600xi32, #tpu.memory_space<hbm>>) dst(%arg6 : memref<25600xi32, #tpu.memory_space<vmem>>)
      tpu.yield
    }) : () -> ()
    %run_scoped3A = arith.constant 0 : i32
    "tpu.region"() ({
      %run_scoped3A_743 = tpu.sem_alloc : memref<!tpu.dma_semaphore, #tpu.memory_space<semaphore_mem>>
      %dma_start3A_744 = arith.constant 0 : i32
      %dma_start3A_745 = arith.constant 0 : i32
      %dma_start3A_746 = tpu.memref_slice %arg10[%run_scoped3A, %dma_start3A_744, %dma_start3A_745] : memref<2x200x128xf32, #tpu.memory_space<vmem>> -> memref<1x200x128xf32, #tpu.memory_space<vmem>>
      %dma_start3A_747 = tpu.memref_squeeze %dma_start3A_746 : memref<1x200x128xf32, #tpu.memory_space<vmem>> -> memref<200x128xf32, #tpu.memory_space<vmem>>
      %dma_start3A_748 = arith.constant 0 : i32
      %dma_start3A_749 = arith.constant 0 : i32
      %dma_start3A_750 = tpu.memref_slice %arg10[%run_scoped3A, %dma_start3A_748, %dma_start3A_749] : memref<2x200x128xf32, #tpu.memory_space<vmem>> -> memref<1x200x128xf32, #tpu.memory_space<vmem>>
      %dma_start3A_751 = tpu.memref_squeeze %dma_start3A_750 : memref<1x200x128xf32, #tpu.memory_space<vmem>> -> memref<200x128xf32, #tpu.memory_space<vmem>>
      tpu.enqueue_dma source(%arg4 : memref<200x128xf32, #tpu.memory_space<hbm>>) target(%dma_start3A_751 : memref<200x128xf32, #tpu.memory_space<vmem>>) target_semaphore(%run_scoped3A_743 : memref<!tpu.dma_semaphore, #tpu.memory_space<semaphore_mem>>)
      %dma_wait3A_752 = arith.constant 0 : i32
      %dma_wait3A_753 = arith.constant 0 : i32
      %dma_wait3A_754 = tpu.memref_slice %arg10[%run_scoped3A, %dma_wait3A_752, %dma_wait3A_753] : memref<2x200x128xf32, #tpu.memory_space<vmem>> -> memref<1x200x128xf32, #tpu.memory_space<vmem>>
      %dma_wait3A_755 = tpu.memref_squeeze %dma_wait3A_754 : memref<1x200x128xf32, #tpu.memory_space<vmem>> -> memref<200x128xf32, #tpu.memory_space<vmem>>
      %dma_wait3A_756 = arith.constant 0 : i32
      %dma_wait3A_757 = arith.constant 0 : i32
      %dma_wait3A_758 = tpu.memref_slice %arg10[%run_scoped3A, %dma_wait3A_756, %dma_wait3A_757] : memref<2x200x128xf32, #tpu.memory_space<vmem>> -> memref<1x200x128xf32, #tpu.memory_space<vmem>>
      %dma_wait3A_759 = tpu.memref_squeeze %dma_wait3A_758 : memref<1x200x128xf32, #tpu.memory_space<vmem>> -> memref<200x128xf32, #tpu.memory_space<vmem>>
      tpu.wait_dma2 semaphore(%run_scoped3A_743 : memref<!tpu.dma_semaphore, #tpu.memory_space<semaphore_mem>>) src(%arg4 : memref<200x128xf32, #tpu.memory_space<hbm>>) dst(%dma_wait3A_759 : memref<200x128xf32, #tpu.memory_space<vmem>>)
      tpu.yield
    }) : () -> ()
    %run_scoped3A_5 = arith.constant 1 : i32
    "tpu.region"() ({
      %run_scoped3A_743 = tpu.sem_alloc : memref<!tpu.dma_semaphore, #tpu.memory_space<semaphore_mem>>
      %dma_start3A_744 = arith.constant 0 : i32
      %dma_start3A_745 = arith.constant 0 : i32
      %dma_start3A_746 = tpu.memref_slice %arg10[%run_scoped3A_5, %dma_start3A_744, %dma_start3A_745] : memref<2x200x128xf32, #tpu.memory_space<vmem>> -> memref<1x200x128xf32, #tpu.memory_space<vmem>>
      %dma_start3A_747 = tpu.memref_squeeze %dma_start3A_746 : memref<1x200x128xf32, #tpu.memory_space<vmem>> -> memref<200x128xf32, #tpu.memory_space<vmem>>
      %dma_start3A_748 = arith.constant 0 : i32
      %dma_start3A_749 = arith.constant 0 : i32
      %dma_start3A_750 = tpu.memref_slice %arg10[%run_scoped3A_5, %dma_start3A_748, %dma_start3A_749] : memref<2x200x128xf32, #tpu.memory_space<vmem>> -> memref<1x200x128xf32, #tpu.memory_space<vmem>>
      %dma_start3A_751 = tpu.memref_squeeze %dma_start3A_750 : memref<1x200x128xf32, #tpu.memory_space<vmem>> -> memref<200x128xf32, #tpu.memory_space<vmem>>
      tpu.enqueue_dma source(%arg4 : memref<200x128xf32, #tpu.memory_space<hbm>>) target(%dma_start3A_751 : memref<200x128xf32, #tpu.memory_space<vmem>>) target_semaphore(%run_scoped3A_743 : memref<!tpu.dma_semaphore, #tpu.memory_space<semaphore_mem>>)
      %dma_wait3A_752 = arith.constant 0 : i32
      %dma_wait3A_753 = arith.constant 0 : i32
      %dma_wait3A_754 = tpu.memref_slice %arg10[%run_scoped3A_5, %dma_wait3A_752, %dma_wait3A_753] : memref<2x200x128xf32, #tpu.memory_space<vmem>> -> memref<1x200x128xf32, #tpu.memory_space<vmem>>
      %dma_wait3A_755 = tpu.memref_squeeze %dma_wait3A_754 : memref<1x200x128xf32, #tpu.memory_space<vmem>> -> memref<200x128xf32, #tpu.memory_space<vmem>>
      %dma_wait3A_756 = arith.constant 0 : i32
      %dma_wait3A_757 = arith.constant 0 : i32
      %dma_wait3A_758 = tpu.memref_slice %arg10[%run_scoped3A_5, %dma_wait3A_756, %dma_wait3A_757] : memref<2x200x128xf32, #tpu.memory_space<vmem>> -> memref<1x200x128xf32, #tpu.memory_space<vmem>>
      %dma_wait3A_759 = tpu.memref_squeeze %dma_wait3A_758 : memref<1x200x128xf32, #tpu.memory_space<vmem>> -> memref<200x128xf32, #tpu.memory_space<vmem>>
      tpu.wait_dma2 semaphore(%run_scoped3A_743 : memref<!tpu.dma_semaphore, #tpu.memory_space<semaphore_mem>>) src(%arg4 : memref<200x128xf32, #tpu.memory_space<hbm>>) dst(%dma_wait3A_759 : memref<200x128xf32, #tpu.memory_space<vmem>>)
      tpu.yield
    }) : () -> ()
    %get3A = arith.constant 0 : index
    %get3A_6 = tpu.vector_load %arg6[%get3A] {strides = array<i32>} : memref<25600xi32, #tpu.memory_space<vmem>>, vector<16xi32>,
    %get3A_7 = vector.shape_cast %get3A_6 : vector<16xi32> to vector<16xi32>
    %swap3A = arith.constant 0 : i32
    %swap3A_8 = arith.index_cast %swap3A : i32 to index
    %swap3A_9 = arith.constant 0 : index
    %swap3A_10 = tpu.vector_load %arg7[%swap3A_8, %swap3A_9] {strides = array<i32>} : memref<2x128xi32, #tpu.memory_space<vmem>>, vector<1x16xi32>,
    %swap3A_11 = vector.shape_cast %swap3A_10 : vector<1x16xi32> to vector<16xi32>
    %swap3A_12 = vector.shape_cast %get3A_7 : vector<16xi32> to vector<1x16xi32>
    tpu.vector_store %arg7[%swap3A_8, %swap3A_9], %swap3A_12 {strides = array<i32>} : memref<2x128xi32, #tpu.memory_space<vmem>>, vector<1x16xi32>,
    %get3A_13 = arith.constant 16 : index
    %get3A_14 = tpu.vector_load %arg6[%get3A_13] {strides = array<i32>} : memref<25600xi32, #tpu.memory_space<vmem>>, vector<16xi32>,
    %get3A_15 = vector.shape_cast %get3A_14 : vector<16xi32> to vector<16xi32>
    %swap3A_16 = arith.constant 0 : i32
    %swap3A_17 = arith.index_cast %swap3A_16 : i32 to index
    %swap3A_18 = arith.constant 16 : index
    %swap3A_19 = tpu.vector_load %arg7[%swap3A_17, %swap3A_18] {strides = array<i32>} : memref<2x128xi32, #tpu.memory_space<vmem>>, vector<1x16xi32>,
    %swap3A_20 = vector.shape_cast %swap3A_19 : vector<1x16xi32> to vector<16xi32>
    %swap3A_21 = vector.shape_cast %get3A_15 : vector<16xi32> to vector<1x16xi32>
    tpu.vector_store %arg7[%swap3A_17, %swap3A_18], %swap3A_21 {strides = array<i32>} : memref<2x128xi32, #tpu.memory_space<vmem>>, vector<1x16xi32>,
    %get3A_22 = arith.constant 32 : index
    %get3A_23 = tpu.vector_load %arg6[%get3A_22] {strides = array<i32>} : memref<25600xi32, #tpu.memory_space<vmem>>, vector<16xi32>,
    %get3A_24 = vector.shape_cast %get3A_23 : vector<16xi32> to vector<16xi32>
    %swap3A_25 = arith.constant 0 : i32
    %swap3A_26 = arith.index_cast %swap3A_25 : i32 to index
    %swap3A_27 = arith.constant 32 : index
    %swap3A_28 = tpu.vector_load %arg7[%swap3A_26, %swap3A_27] {strides = array<i32>} : memref<2x128xi32, #tpu.memory_space<vmem>>, vector<1x16xi32>,
    %swap3A_29 = vector.shape_cast %swap3A_28 : vector<1x16xi32> to vector<16xi32>
    %swap3A_30 = vector.shape_cast %get3A_24 : vector<16xi32> to vector<1x16xi32>
    tpu.vector_store %arg7[%swap3A_26, %swap3A_27], %swap3A_30 {strides = array<i32>} : memref<2x128xi32, #tpu.memory_space<vmem>>, vector<1x16xi32>,
    %get3A_31 = arith.constant 48 : index
    %get3A_32 = tpu.vector_load %arg6[%get3A_31] {strides = array<i32>} : memref<25600xi32, #tpu.memory_space<vmem>>, vector<16xi32>,
    %get3A_33 = vector.shape_cast %get3A_32 : vector<16xi32> to vector<16xi32>
    %swap3A_34 = arith.constant 0 : i32
    %swap3A_35 = arith.index_cast %swap3A_34 : i32 to index
    %swap3A_36 = arith.constant 48 : index
    %swap3A_37 = tpu.vector_load %arg7[%swap3A_35, %swap3A_36] {strides = array<i32>} : memref<2x128xi32, #tpu.memory_space<vmem>>, vector<1x16xi32>,
    %swap3A_38 = vector.shape_cast %swap3A_37 : vector<1x16xi32> to vector<16xi32>
    %swap3A_39 = vector.shape_cast %get3A_33 : vector<16xi32> to vector<1x16xi32>
    tpu.vector_store %arg7[%swap3A_35, %swap3A_36], %swap3A_39 {strides = array<i32>} : memref<2x128xi32, #tpu.memory_space<vmem>>, vector<1x16xi32>,
    %get3A_40 = arith.constant 64 : index
    %get3A_41 = tpu.vector_load %arg6[%get3A_40] {strides = array<i32>} : memref<25600xi32, #tpu.memory_space<vmem>>, vector<16xi32>,
    %get3A_42 = vector.shape_cast %get3A_41 : vector<16xi32> to vector<16xi32>
    %swap3A_43 = arith.constant 0 : i32
    %swap3A_44 = arith.index_cast %swap3A_43 : i32 to index
    %swap3A_45 = arith.constant 64 : index
    %swap3A_46 = tpu.vector_load %arg7[%swap3A_44, %swap3A_45] {strides = array<i32>} : memref<2x128xi32, #tpu.memory_space<vmem>>, vector<1x16xi32>,
    %swap3A_47 = vector.shape_cast %swap3A_46 : vector<1x16xi32> to vector<16xi32>
    %swap3A_48 = vector.shape_cast %get3A_42 : vector<16xi32> to vector<1x16xi32>
    tpu.vector_store %arg7[%swap3A_44, %swap3A_45], %swap3A_48 {strides = array<i32>} : memref<2x128xi32, #tpu.memory_space<vmem>>, vector<1x16xi32>,
    %get3A_49 = arith.constant 80 : index
    %get3A_50 = tpu.vector_load %arg6[%get3A_49] {strides = array<i32>} : memref<25600xi32, #tpu.memory_space<vmem>>, vector<16xi32>,
    %get3A_51 = vector.shape_cast %get3A_50 : vector<16xi32> to vector<16xi32>
    %swap3A_52 = arith.constant 0 : i32
    %swap3A_53 = arith.index_cast %swap3A_52 : i32 to index
    %swap3A_54 = arith.constant 80 : index
    %swap3A_55 = tpu.vector_load %arg7[%swap3A_53, %swap3A_54] {strides = array<i32>} : memref<2x128xi32, #tpu.memory_space<vmem>>, vector<1x16xi32>,
    %swap3A_56 = vector.shape_cast %swap3A_55 : vector<1x16xi32> to vector<16xi32>
    %swap3A_57 = vector.shape_cast %get3A_51 : vector<16xi32> to vector<1x16xi32>
    tpu.vector_store %arg7[%swap3A_53, %swap3A_54], %swap3A_57 {strides = array<i32>} : memref<2x128xi32, #tpu.memory_space<vmem>>, vector<1x16xi32>,
    %get3A_58 = arith.constant 96 : index
    %get3A_59 = tpu.vector_load %arg6[%get3A_58] {strides = array<i32>} : memref<25600xi32, #tpu.memory_space<vmem>>, vector<16xi32>,
    %get3A_60 = vector.shape_cast %get3A_59 : vector<16xi32> to vector<16xi32>
    %swap3A_61 = arith.constant 0 : i32
    %swap3A_62 = arith.index_cast %swap3A_61 : i32 to index
    %swap3A_63 = arith.constant 96 : index
    %swap3A_64 = tpu.vector_load %arg7[%swap3A_62, %swap3A_63] {strides = array<i32>} : memref<2x128xi32, #tpu.memory_space<vmem>>, vector<1x16xi32>,
    %swap3A_65 = vector.shape_cast %swap3A_64 : vector<1x16xi32> to vector<16xi32>
    %swap3A_66 = vector.shape_cast %get3A_60 : vector<16xi32> to vector<1x16xi32>
    tpu.vector_store %arg7[%swap3A_62, %swap3A_63], %swap3A_66 {strides = array<i32>} : memref<2x128xi32, #tpu.memory_space<vmem>>, vector<1x16xi32>,
    %get3A_67 = arith.constant 112 : index
    %get3A_68 = tpu.vector_load %arg6[%get3A_67] {strides = array<i32>} : memref<25600xi32, #tpu.memory_space<vmem>>, vector<16xi32>,
    %get3A_69 = vector.shape_cast %get3A_68 : vector<16xi32> to vector<16xi32>
    %swap3A_70 = arith.constant 0 : i32
    %swap3A_71 = arith.index_cast %swap3A_70 : i32 to index
    %swap3A_72 = arith.constant 112 : index
    %swap3A_73 = tpu.vector_load %arg7[%swap3A_71, %swap3A_72] {strides = array<i32>} : memref<2x128xi32, #tpu.memory_space<vmem>>, vector<1x16xi32>,
    %swap3A_74 = vector.shape_cast %swap3A_73 : vector<1x16xi32> to vector<16xi32>
    %swap3A_75 = vector.shape_cast %get3A_69 : vector<16xi32> to vector<1x16xi32>
    tpu.vector_store %arg7[%swap3A_71, %swap3A_72], %swap3A_75 {strides = array<i32>} : memref<2x128xi32, #tpu.memory_space<vmem>>, vector<1x16xi32>,
    %get3A_76 = arith.constant 128 : index
    %get3A_77 = tpu.vector_load %arg6[%get3A_76] {strides = array<i32>} : memref<25600xi32, #tpu.memory_space<vmem>>, vector<16xi32>,
    %get3A_78 = vector.shape_cast %get3A_77 : vector<16xi32> to vector<16xi32>
    %swap3A_79 = arith.constant 0 : i32
    %swap3A_80 = arith.index_cast %swap3A_79 : i32 to index
    %swap3A_81 = arith.constant 0 : index
    %swap3A_82 = tpu.vector_load %arg8[%swap3A_80, %swap3A_81] {strides = array<i32>} : memref<2x72xi32, #tpu.memory_space<vmem>>, vector<1x16xi32>,
    %swap3A_83 = vector.shape_cast %swap3A_82 : vector<1x16xi32> to vector<16xi32>
    %swap3A_84 = vector.shape_cast %get3A_78 : vector<16xi32> to vector<1x16xi32>
    tpu.vector_store %arg8[%swap3A_80, %swap3A_81], %swap3A_84 {strides = array<i32>} : memref<2x72xi32, #tpu.memory_space<vmem>>, vector<1x16xi32>,
    %get3A_85 = arith.constant 144 : index
    %get3A_86 = tpu.vector_load %arg6[%get3A_85] {strides = array<i32>} : memref<25600xi32, #tpu.memory_space<vmem>>, vector<16xi32>,
    %get3A_87 = vector.shape_cast %get3A_86 : vector<16xi32> to vector<16xi32>
    %swap3A_88 = arith.constant 0 : i32
    %swap3A_89 = arith.index_cast %swap3A_88 : i32 to index
    %swap3A_90 = arith.constant 16 : index
    %swap3A_91 = tpu.vector_load %arg8[%swap3A_89, %swap3A_90] {strides = array<i32>} : memref<2x72xi32, #tpu.memory_space<vmem>>, vector<1x16xi32>,
    %swap3A_92 = vector.shape_cast %swap3A_91 : vector<1x16xi32> to vector<16xi32>
    %swap3A_93 = vector.shape_cast %get3A_87 : vector<16xi32> to vector<1x16xi32>
    tpu.vector_store %arg8[%swap3A_89, %swap3A_90], %swap3A_93 {strides = array<i32>} : memref<2x72xi32, #tpu.memory_space<vmem>>, vector<1x16xi32>,
    %get3A_94 = arith.constant 160 : index
    %get3A_95 = tpu.vector_load %arg6[%get3A_94] {strides = array<i32>} : memref<25600xi32, #tpu.memory_space<vmem>>, vector<16xi32>,
    %get3A_96 = vector.shape_cast %get3A_95 : vector<16xi32> to vector<16xi32>
    %swap3A_97 = arith.constant 0 : i32
    %swap3A_98 = arith.index_cast %swap3A_97 : i32 to index
    %swap3A_99 = arith.constant 32 : index
    %swap3A_100 = tpu.vector_load %arg8[%swap3A_98, %swap3A_99] {strides = array<i32>} : memref<2x72xi32, #tpu.memory_space<vmem>>, vector<1x16xi32>,
    %swap3A_101 = vector.shape_cast %swap3A_100 : vector<1x16xi32> to vector<16xi32>
    %swap3A_102 = vector.shape_cast %get3A_96 : vector<16xi32> to vector<1x16xi32>
    tpu.vector_store %arg8[%swap3A_98, %swap3A_99], %swap3A_102 {strides = array<i32>} : memref<2x72xi32, #tpu.memory_space<vmem>>, vector<1x16xi32>,
    %get3A_103 = arith.constant 176 : index
    %get3A_104 = tpu.vector_load %arg6[%get3A_103] {strides = array<i32>} : memref<25600xi32, #tpu.memory_space<vmem>>, vector<16xi32>,
    %get3A_105 = vector.shape_cast %get3A_104 : vector<16xi32> to vector<16xi32>
    %swap3A_106 = arith.constant 0 : i32
    %swap3A_107 = arith.index_cast %swap3A_106 : i32 to index
    %swap3A_108 = arith.constant 48 : index
    %swap3A_109 = tpu.vector_load %arg8[%swap3A_107, %swap3A_108] {strides = array<i32>} : memref<2x72xi32, #tpu.memory_space<vmem>>, vector<1x16xi32>,
    %swap3A_110 = vector.shape_cast %swap3A_109 : vector<1x16xi32> to vector<16xi32>
    %swap3A_111 = vector.shape_cast %get3A_105 : vector<16xi32> to vector<1x16xi32>
    tpu.vector_store %arg8[%swap3A_107, %swap3A_108], %swap3A_111 {strides = array<i32>} : memref<2x72xi32, #tpu.memory_space<vmem>>, vector<1x16xi32>,
    %get3A_112 = arith.constant 184 : index
    %get3A_113 = tpu.vector_load %arg6[%get3A_112] {strides = array<i32>} : memref<25600xi32, #tpu.memory_space<vmem>>, vector<16xi32>,
    %get3A_114 = vector.shape_cast %get3A_113 : vector<16xi32> to vector<16xi32>
    %swap3A_115 = arith.constant 0 : i32
    %swap3A_116 = arith.index_cast %swap3A_115 : i32 to index
    %swap3A_117 = arith.constant 56 : index
    %swap3A_118 = tpu.vector_load %arg8[%swap3A_116, %swap3A_117] {strides = array<i32>} : memref<2x72xi32, #tpu.memory_space<vmem>>, vector<1x16xi32>,
    %swap3A_119 = vector.shape_cast %swap3A_118 : vector<1x16xi32> to vector<16xi32>
    %swap3A_120 = vector.shape_cast %get3A_114 : vector<16xi32> to vector<1x16xi32>
    tpu.vector_store %arg8[%swap3A_116, %swap3A_117], %swap3A_120 {strides = array<i32>} : memref<2x72xi32, #tpu.memory_space<vmem>>, vector<1x16xi32>,
    %dma_start3A = arith.constant 0 : i32
    %dma_start3A_121 = arith.constant 0 : i32
    %dma_start3A_122 = arith.constant 0 : i32
    %dma_start3A_123 = arith.constant 0 : i32
    %dma_start3A_124 = tpu.memref_slice %arg9[%dma_start3A_121, %dma_start3A_122, %dma_start3A_123] : memref<2x200x128xf32, #tpu.memory_space<vmem>> -> memref<1x200x128xf32, #tpu.memory_space<vmem>>
    %dma_start3A_125 = tpu.memref_squeeze %dma_start3A_124 : memref<1x200x128xf32, #tpu.memory_space<vmem>> -> memref<200x128xf32, #tpu.memory_space<vmem>>
    %dma_start3A_126 = arith.constant 0 : i32
    %dma_start3A_127 = arith.constant 0 : i32
    %dma_start3A_128 = tpu.memref_slice %dma_start3A_125[%dma_start3A_126, %dma_start3A_127] : memref<200x128xf32, #tpu.memory_space<vmem>> -> memref<128x128xf32, #tpu.memory_space<vmem>>
    %dma_start3A_129 = arith.constant 0 : i32
    %dma_start3A_130 = tpu.memref_slice %arg7[%dma_start3A, %dma_start3A_129] : memref<2x128xi32, #tpu.memory_space<vmem>> -> memref<1x128xi32, #tpu.memory_space<vmem>>
    %dma_start3A_131 = tpu.memref_squeeze %dma_start3A_130 : memref<1x128xi32, #tpu.memory_space<vmem>> -> memref<128xi32, #tpu.memory_space<vmem>>
    %dma_start3A_132 = arith.constant 0 : i32
    %dma_start3A_133 = arith.constant 0 : i32
    %dma_start3A_134 = tpu.memref_slice %arg3[%dma_start3A_132, %dma_start3A_133] : memref<1000000x128xf32, #tpu.memory_space<hbm>> -> memref<1000000x128xf32, #tpu.memory_space<hbm>>
    tpu.enqueue_indirect_dma source(%dma_start3A_134 : memref<1000000x128xf32, #tpu.memory_space<hbm>>) target(%dma_start3A_128 : memref<128x128xf32, #tpu.memory_space<vmem>>) offsets(%dma_start3A_131 : memref<128xi32, #tpu.memory_space<vmem>>) semaphore(%arg11 : memref<!tpu.dma_semaphore, #tpu.memory_space<semaphore_mem>>)
    %dma_start3A_135 = arith.constant 0 : i32
    %dma_start3A_136 = arith.constant 0 : i32
    %dma_start3A_137 = arith.constant 0 : i32
    %dma_start3A_138 = arith.constant 0 : i32
    %dma_start3A_139 = tpu.memref_slice %arg9[%dma_start3A_136, %dma_start3A_137, %dma_start3A_138] : memref<2x200x128xf32, #tpu.memory_space<vmem>> -> memref<1x200x128xf32, #tpu.memory_space<vmem>>
    %dma_start3A_140 = tpu.memref_squeeze %dma_start3A_139 : memref<1x200x128xf32, #tpu.memory_space<vmem>> -> memref<200x128xf32, #tpu.memory_space<vmem>>
    %dma_start3A_141 = arith.constant 128 : i32
    %dma_start3A_142 = arith.constant 0 : i32
    %dma_start3A_143 = tpu.memref_slice %dma_start3A_140[%dma_start3A_141, %dma_start3A_142] : memref<200x128xf32, #tpu.memory_space<vmem>> -> memref<72x128xf32, #tpu.memory_space<vmem>>
    %dma_start3A_144 = arith.constant 0 : i32
    %dma_start3A_145 = tpu.memref_slice %arg8[%dma_start3A_135, %dma_start3A_144] : memref<2x72xi32, #tpu.memory_space<vmem>> -> memref<1x72xi32, #tpu.memory_space<vmem>>
    %dma_start3A_146 = tpu.memref_squeeze %dma_start3A_145 : memref<1x72xi32, #tpu.memory_space<vmem>> -> memref<72xi32, #tpu.memory_space<vmem>>
    %dma_start3A_147 = arith.constant 0 : i32
    %dma_start3A_148 = arith.constant 0 : i32
    %dma_start3A_149 = tpu.memref_slice %arg3[%dma_start3A_147, %dma_start3A_148] : memref<1000000x128xf32, #tpu.memory_space<hbm>> -> memref<1000000x128xf32, #tpu.memory_space<hbm>>
    tpu.enqueue_indirect_dma source(%dma_start3A_149 : memref<1000000x128xf32, #tpu.memory_space<hbm>>) target(%dma_start3A_143 : memref<72x128xf32, #tpu.memory_space<vmem>>) offsets(%dma_start3A_146 : memref<72xi32, #tpu.memory_space<vmem>>) semaphore(%arg11 : memref<!tpu.dma_semaphore, #tpu.memory_space<semaphore_mem>>)
    %get3A_150 = arith.constant 200 : index
    %get3A_151 = tpu.vector_load %arg6[%get3A_150] {strides = array<i32>} : memref<25600xi32, #tpu.memory_space<vmem>>, vector<16xi32>,
    %get3A_152 = vector.shape_cast %get3A_151 : vector<16xi32> to vector<16xi32>
    %swap3A_153 = arith.constant 1 : i32
    %swap3A_154 = arith.index_cast %swap3A_153 : i32 to index
    %swap3A_155 = arith.constant 0 : index
    %swap3A_156 = tpu.vector_load %arg7[%swap3A_154, %swap3A_155] {strides = array<i32>} : memref<2x128xi32, #tpu.memory_space<vmem>>, vector<1x16xi32>,
    %swap3A_157 = vector.shape_cast %swap3A_156 : vector<1x16xi32> to vector<16xi32>
    %swap3A_158 = vector.shape_cast %get3A_152 : vector<16xi32> to vector<1x16xi32>
    tpu.vector_store %arg7[%swap3A_154, %swap3A_155], %swap3A_158 {strides = array<i32>} : memref<2x128xi32, #tpu.memory_space<vmem>>, vector<1x16xi32>,
    %get3A_159 = arith.constant 216 : index
    %get3A_160 = tpu.vector_load %arg6[%get3A_159] {strides = array<i32>} : memref<25600xi32, #tpu.memory_space<vmem>>, vector<16xi32>,
    %get3A_161 = vector.shape_cast %get3A_160 : vector<16xi32> to vector<16xi32>
    %swap3A_162 = arith.constant 1 : i32
    %swap3A_163 = arith.index_cast %swap3A_162 : i32 to index
    %swap3A_164 = arith.constant 16 : index
    %swap3A_165 = tpu.vector_load %arg7[%swap3A_163, %swap3A_164] {strides = array<i32>} : memref<2x128xi32, #tpu.memory_space<vmem>>, vector<1x16xi32>,
    %swap3A_166 = vector.shape_cast %swap3A_165 : vector<1x16xi32> to vector<16xi32>
    %swap3A_167 = vector.shape_cast %get3A_161 : vector<16xi32> to vector<1x16xi32>
    tpu.vector_store %arg7[%swap3A_163, %swap3A_164], %swap3A_167 {strides = array<i32>} : memref<2x128xi32, #tpu.memory_space<vmem>>, vector<1x16xi32>,
    %get3A_168 = arith.constant 232 : index
    %get3A_169 = tpu.vector_load %arg6[%get3A_168] {strides = array<i32>} : memref<25600xi32, #tpu.memory_space<vmem>>, vector<16xi32>,
    %get3A_170 = vector.shape_cast %get3A_169 : vector<16xi32> to vector<16xi32>
    %swap3A_171 = arith.constant 1 : i32
    %swap3A_172 = arith.index_cast %swap3A_171 : i32 to index
    %swap3A_173 = arith.constant 32 : index
    %swap3A_174 = tpu.vector_load %arg7[%swap3A_172, %swap3A_173] {strides = array<i32>} : memref<2x128xi32, #tpu.memory_space<vmem>>, vector<1x16xi32>,
    %swap3A_175 = vector.shape_cast %swap3A_174 : vector<1x16xi32> to vector<16xi32>
    %swap3A_176 = vector.shape_cast %get3A_170 : vector<16xi32> to vector<1x16xi32>
    tpu.vector_store %arg7[%swap3A_172, %swap3A_173], %swap3A_176 {strides = array<i32>} : memref<2x128xi32, #tpu.memory_space<vmem>>, vector<1x16xi32>,
    %get3A_177 = arith.constant 248 : index
    %get3A_178 = tpu.vector_load %arg6[%get3A_177] {strides = array<i32>} : memref<25600xi32, #tpu.memory_space<vmem>>, vector<16xi32>,
    %get3A_179 = vector.shape_cast %get3A_178 : vector<16xi32> to vector<16xi32>
    %swap3A_180 = arith.constant 1 : i32
    %swap3A_181 = arith.index_cast %swap3A_180 : i32 to index
    %swap3A_182 = arith.constant 48 : index
    %swap3A_183 = tpu.vector_load %arg7[%swap3A_181, %swap3A_182] {strides = array<i32>} : memref<2x128xi32, #tpu.memory_space<vmem>>, vector<1x16xi32>,
    %swap3A_184 = vector.shape_cast %swap3A_183 : vector<1x16xi32> to vector<16xi32>
    %swap3A_185 = vector.shape_cast %get3A_179 : vector<16xi32> to vector<1x16xi32>
    tpu.vector_store %arg7[%swap3A_181, %swap3A_182], %swap3A_185 {strides = array<i32>} : memref<2x128xi32, #tpu.memory_space<vmem>>, vector<1x16xi32>,
    %get3A_186 = arith.constant 264 : index
    %get3A_187 = tpu.vector_load %arg6[%get3A_186] {strides = array<i32>} : memref<25600xi32, #tpu.memory_space<vmem>>, vector<16xi32>,
    %get3A_188 = vector.shape_cast %get3A_187 : vector<16xi32> to vector<16xi32>
    %swap3A_189 = arith.constant 1 : i32
    %swap3A_190 = arith.index_cast %swap3A_189 : i32 to index
    %swap3A_191 = arith.constant 64 : index
    %swap3A_192 = tpu.vector_load %arg7[%swap3A_190, %swap3A_191] {strides = array<i32>} : memref<2x128xi32, #tpu.memory_space<vmem>>, vector<1x16xi32>,
    %swap3A_193 = vector.shape_cast %swap3A_192 : vector<1x16xi32> to vector<16xi32>
    %swap3A_194 = vector.shape_cast %get3A_188 : vector<16xi32> to vector<1x16xi32>
    tpu.vector_store %arg7[%swap3A_190, %swap3A_191], %swap3A_194 {strides = array<i32>} : memref<2x128xi32, #tpu.memory_space<vmem>>, vector<1x16xi32>,
    %get3A_195 = arith.constant 280 : index
    %get3A_196 = tpu.vector_load %arg6[%get3A_195] {strides = array<i32>} : memref<25600xi32, #tpu.memory_space<vmem>>, vector<16xi32>,
    %get3A_197 = vector.shape_cast %get3A_196 : vector<16xi32> to vector<16xi32>
    %swap3A_198 = arith.constant 1 : i32
    %swap3A_199 = arith.index_cast %swap3A_198 : i32 to index
    %swap3A_200 = arith.constant 80 : index
    %swap3A_201 = tpu.vector_load %arg7[%swap3A_199, %swap3A_200] {strides = array<i32>} : memref<2x128xi32, #tpu.memory_space<vmem>>, vector<1x16xi32>,
    %swap3A_202 = vector.shape_cast %swap3A_201 : vector<1x16xi32> to vector<16xi32>
    %swap3A_203 = vector.shape_cast %get3A_197 : vector<16xi32> to vector<1x16xi32>
    tpu.vector_store %arg7[%swap3A_199, %swap3A_200], %swap3A_203 {strides = array<i32>} : memref<2x128xi32, #tpu.memory_space<vmem>>, vector<1x16xi32>,
    %get3A_204 = arith.constant 296 : index
    %get3A_205 = tpu.vector_load %arg6[%get3A_204] {strides = array<i32>} : memref<25600xi32, #tpu.memory_space<vmem>>, vector<16xi32>,
    %get3A_206 = vector.shape_cast %get3A_205 : vector<16xi32> to vector<16xi32>
    %swap3A_207 = arith.constant 1 : i32
    %swap3A_208 = arith.index_cast %swap3A_207 : i32 to index
    %swap3A_209 = arith.constant 96 : index
    %swap3A_210 = tpu.vector_load %arg7[%swap3A_208, %swap3A_209] {strides = array<i32>} : memref<2x128xi32, #tpu.memory_space<vmem>>, vector<1x16xi32>,
    %swap3A_211 = vector.shape_cast %swap3A_210 : vector<1x16xi32> to vector<16xi32>
    %swap3A_212 = vector.shape_cast %get3A_206 : vector<16xi32> to vector<1x16xi32>
    tpu.vector_store %arg7[%swap3A_208, %swap3A_209], %swap3A_212 {strides = array<i32>} : memref<2x128xi32, #tpu.memory_space<vmem>>, vector<1x16xi32>,
    %get3A_213 = arith.constant 312 : index
    %get3A_214 = tpu.vector_load %arg6[%get3A_213] {strides = array<i32>} : memref<25600xi32, #tpu.memory_space<vmem>>, vector<16xi32>,
    %get3A_215 = vector.shape_cast %get3A_214 : vector<16xi32> to vector<16xi32>
    %swap3A_216 = arith.constant 1 : i32
    %swap3A_217 = arith.index_cast %swap3A_216 : i32 to index
    %swap3A_218 = arith.constant 112 : index
    %swap3A_219 = tpu.vector_load %arg7[%swap3A_217, %swap3A_218] {strides = array<i32>} : memref<2x128xi32, #tpu.memory_space<vmem>>, vector<1x16xi32>,
    %swap3A_220 = vector.shape_cast %swap3A_219 : vector<1x16xi32> to vector<16xi32>
    %swap3A_221 = vector.shape_cast %get3A_215 : vector<16xi32> to vector<1x16xi32>
    tpu.vector_store %arg7[%swap3A_217, %swap3A_218], %swap3A_221 {strides = array<i32>} : memref<2x128xi32, #tpu.memory_space<vmem>>, vector<1x16xi32>,
    %get3A_222 = arith.constant 328 : index
    %get3A_223 = tpu.vector_load %arg6[%get3A_222] {strides = array<i32>} : memref<25600xi32, #tpu.memory_space<vmem>>, vector<16xi32>,
    %get3A_224 = vector.shape_cast %get3A_223 : vector<16xi32> to vector<16xi32>
    %swap3A_225 = arith.constant 1 : i32
    %swap3A_226 = arith.index_cast %swap3A_225 : i32 to index
    %swap3A_227 = arith.constant 0 : index
    %swap3A_228 = tpu.vector_load %arg8[%swap3A_226, %swap3A_227] {strides = array<i32>} : memref<2x72xi32, #tpu.memory_space<vmem>>, vector<1x16xi32>,
    %swap3A_229 = vector.shape_cast %swap3A_228 : vector<1x16xi32> to vector<16xi32>
    %swap3A_230 = vector.shape_cast %get3A_224 : vector<16xi32> to vector<1x16xi32>
    tpu.vector_store %arg8[%swap3A_226, %swap3A_227], %swap3A_230 {strides = array<i32>} : memref<2x72xi32, #tpu.memory_space<vmem>>, vector<1x16xi32>,
    %get3A_231 = arith.constant 344 : index
    %get3A_232 = tpu.vector_load %arg6[%get3A_231] {strides = array<i32>} : memref<25600xi32, #tpu.memory_space<vmem>>, vector<16xi32>,
    %get3A_233 = vector.shape_cast %get3A_232 : vector<16xi32> to vector<16xi32>
    %swap3A_234 = arith.constant 1 : i32
    %swap3A_235 = arith.index_cast %swap3A_234 : i32 to index
    %swap3A_236 = arith.constant 16 : index
    %swap3A_237 = tpu.vector_load %arg8[%swap3A_235, %swap3A_236] {strides = array<i32>} : memref<2x72xi32, #tpu.memory_space<vmem>>, vector<1x16xi32>,
    %swap3A_238 = vector.shape_cast %swap3A_237 : vector<1x16xi32> to vector<16xi32>
    %swap3A_239 = vector.shape_cast %get3A_233 : vector<16xi32> to vector<1x16xi32>
    tpu.vector_store %arg8[%swap3A_235, %swap3A_236], %swap3A_239 {strides = array<i32>} : memref<2x72xi32, #tpu.memory_space<vmem>>, vector<1x16xi32>,
    %get3A_240 = arith.constant 360 : index
    %get3A_241 = tpu.vector_load %arg6[%get3A_240] {strides = array<i32>} : memref<25600xi32, #tpu.memory_space<vmem>>, vector<16xi32>,
    %get3A_242 = vector.shape_cast %get3A_241 : vector<16xi32> to vector<16xi32>
    %swap3A_243 = arith.constant 1 : i32
    %swap3A_244 = arith.index_cast %swap3A_243 : i32 to index
    %swap3A_245 = arith.constant 32 : index
    %swap3A_246 = tpu.vector_load %arg8[%swap3A_244, %swap3A_245] {strides = array<i32>} : memref<2x72xi32, #tpu.memory_space<vmem>>, vector<1x16xi32>,
    %swap3A_247 = vector.shape_cast %swap3A_246 : vector<1x16xi32> to vector<16xi32>
    %swap3A_248 = vector.shape_cast %get3A_242 : vector<16xi32> to vector<1x16xi32>
    tpu.vector_store %arg8[%swap3A_244, %swap3A_245], %swap3A_248 {strides = array<i32>} : memref<2x72xi32, #tpu.memory_space<vmem>>, vector<1x16xi32>,
    %get3A_249 = arith.constant 376 : index
    %get3A_250 = tpu.vector_load %arg6[%get3A_249] {strides = array<i32>} : memref<25600xi32, #tpu.memory_space<vmem>>, vector<16xi32>,
    %get3A_251 = vector.shape_cast %get3A_250 : vector<16xi32> to vector<16xi32>
    %swap3A_252 = arith.constant 1 : i32
    %swap3A_253 = arith.index_cast %swap3A_252 : i32 to index
    %swap3A_254 = arith.constant 48 : index
    %swap3A_255 = tpu.vector_load %arg8[%swap3A_253, %swap3A_254] {strides = array<i32>} : memref<2x72xi32, #tpu.memory_space<vmem>>, vector<1x16xi32>,
    %swap3A_256 = vector.shape_cast %swap3A_255 : vector<1x16xi32> to vector<16xi32>
    %swap3A_257 = vector.shape_cast %get3A_251 : vector<16xi32> to vector<1x16xi32>
    tpu.vector_store %arg8[%swap3A_253, %swap3A_254], %swap3A_257 {strides = array<i32>} : memref<2x72xi32, #tpu.memory_space<vmem>>, vector<1x16xi32>,
    %get3A_258 = arith.constant 384 : index
    %get3A_259 = tpu.vector_load %arg6[%get3A_258] {strides = array<i32>} : memref<25600xi32, #tpu.memory_space<vmem>>, vector<16xi32>,
    %get3A_260 = vector.shape_cast %get3A_259 : vector<16xi32> to vector<16xi32>
    %swap3A_261 = arith.constant 1 : i32
    %swap3A_262 = arith.index_cast %swap3A_261 : i32 to index
    %swap3A_263 = arith.constant 56 : index
    %swap3A_264 = tpu.vector_load %arg8[%swap3A_262, %swap3A_263] {strides = array<i32>} : memref<2x72xi32, #tpu.memory_space<vmem>>, vector<1x16xi32>,
    %swap3A_265 = vector.shape_cast %swap3A_264 : vector<1x16xi32> to vector<16xi32>
    %swap3A_266 = vector.shape_cast %get3A_260 : vector<16xi32> to vector<1x16xi32>
    tpu.vector_store %arg8[%swap3A_262, %swap3A_263], %swap3A_266 {strides = array<i32>} : memref<2x72xi32, #tpu.memory_space<vmem>>, vector<1x16xi32>,
    %dma_start3A_267 = arith.constant 1 : i32
    %dma_start3A_268 = arith.constant 1 : i32
    %dma_start3A_269 = arith.constant 0 : i32
    %dma_start3A_270 = arith.constant 0 : i32
    %dma_start3A_271 = tpu.memref_slice %arg9[%dma_start3A_268, %dma_start3A_269, %dma_start3A_270] : memref<2x200x128xf32, #tpu.memory_space<vmem>> -> memref<1x200x128xf32, #tpu.memory_space<vmem>>
    %dma_start3A_272 = tpu.memref_squeeze %dma_start3A_271 : memref<1x200x128xf32, #tpu.memory_space<vmem>> -> memref<200x128xf32, #tpu.memory_space<vmem>>
    %dma_start3A_273 = arith.constant 0 : i32
    %dma_start3A_274 = arith.constant 0 : i32
    %dma_start3A_275 = tpu.memref_slice %dma_start3A_272[%dma_start3A_273, %dma_start3A_274] : memref<200x128xf32, #tpu.memory_space<vmem>> -> memref<128x128xf32, #tpu.memory_space<vmem>>
    %dma_start3A_276 = arith.constant 0 : i32
    %dma_start3A_277 = tpu.memref_slice %arg7[%dma_start3A_267, %dma_start3A_276] : memref<2x128xi32, #tpu.memory_space<vmem>> -> memref<1x128xi32, #tpu.memory_space<vmem>>
    %dma_start3A_278 = tpu.memref_squeeze %dma_start3A_277 : memref<1x128xi32, #tpu.memory_space<vmem>> -> memref<128xi32, #tpu.memory_space<vmem>>
    %dma_start3A_279 = arith.constant 0 : i32
    %dma_start3A_280 = arith.constant 0 : i32
    %dma_start3A_281 = tpu.memref_slice %arg3[%dma_start3A_279, %dma_start3A_280] : memref<1000000x128xf32, #tpu.memory_space<hbm>> -> memref<1000000x128xf32, #tpu.memory_space<hbm>>
    tpu.enqueue_indirect_dma source(%dma_start3A_281 : memref<1000000x128xf32, #tpu.memory_space<hbm>>) target(%dma_start3A_275 : memref<128x128xf32, #tpu.memory_space<vmem>>) offsets(%dma_start3A_278 : memref<128xi32, #tpu.memory_space<vmem>>) semaphore(%arg12 : memref<!tpu.dma_semaphore, #tpu.memory_space<semaphore_mem>>)
    %dma_start3A_282 = arith.constant 1 : i32
    %dma_start3A_283 = arith.constant 1 : i32
    %dma_start3A_284 = arith.constant 0 : i32
    %dma_start3A_285 = arith.constant 0 : i32
    %dma_start3A_286 = tpu.memref_slice %arg9[%dma_start3A_283, %dma_start3A_284, %dma_start3A_285] : memref<2x200x128xf32, #tpu.memory_space<vmem>> -> memref<1x200x128xf32, #tpu.memory_space<vmem>>
    %dma_start3A_287 = tpu.memref_squeeze %dma_start3A_286 : memref<1x200x128xf32, #tpu.memory_space<vmem>> -> memref<200x128xf32, #tpu.memory_space<vmem>>
    %dma_start3A_288 = arith.constant 128 : i32
    %dma_start3A_289 = arith.constant 0 : i32
    %dma_start3A_290 = tpu.memref_slice %dma_start3A_287[%dma_start3A_288, %dma_start3A_289] : memref<200x128xf32, #tpu.memory_space<vmem>> -> memref<72x128xf32, #tpu.memory_space<vmem>>
    %dma_start3A_291 = arith.constant 0 : i32
    %dma_start3A_292 = tpu.memref_slice %arg8[%dma_start3A_282, %dma_start3A_291] : memref<2x72xi32, #tpu.memory_space<vmem>> -> memref<1x72xi32, #tpu.memory_space<vmem>>
    %dma_start3A_293 = tpu.memref_squeeze %dma_start3A_292 : memref<1x72xi32, #tpu.memory_space<vmem>> -> memref<72xi32, #tpu.memory_space<vmem>>
    %dma_start3A_294 = arith.constant 0 : i32
    %dma_start3A_295 = arith.constant 0 : i32
    %dma_start3A_296 = tpu.memref_slice %arg3[%dma_start3A_294, %dma_start3A_295] : memref<1000000x128xf32, #tpu.memory_space<hbm>> -> memref<1000000x128xf32, #tpu.memory_space<hbm>>
    tpu.enqueue_indirect_dma source(%dma_start3A_296 : memref<1000000x128xf32, #tpu.memory_space<hbm>>) target(%dma_start3A_290 : memref<72x128xf32, #tpu.memory_space<vmem>>) offsets(%dma_start3A_293 : memref<72xi32, #tpu.memory_space<vmem>>) semaphore(%arg12 : memref<!tpu.dma_semaphore, #tpu.memory_space<semaphore_mem>>)
    %dma_wait3A = arith.constant 0 : i32
    %dma_wait3A_297 = arith.constant 0 : i32
    %dma_wait3A_298 = arith.constant 0 : i32
    %dma_wait3A_299 = arith.constant 0 : i32
    %dma_wait3A_300 = tpu.memref_slice %arg9[%dma_wait3A_297, %dma_wait3A_298, %dma_wait3A_299] : memref<2x200x128xf32, #tpu.memory_space<vmem>> -> memref<1x200x128xf32, #tpu.memory_space<vmem>>
    %dma_wait3A_301 = tpu.memref_squeeze %dma_wait3A_300 : memref<1x200x128xf32, #tpu.memory_space<vmem>> -> memref<200x128xf32, #tpu.memory_space<vmem>>
    %dma_wait3A_302 = arith.constant 0 : i32
    %dma_wait3A_303 = arith.constant 0 : i32
    %dma_wait3A_304 = tpu.memref_slice %dma_wait3A_301[%dma_wait3A_302, %dma_wait3A_303] : memref<200x128xf32, #tpu.memory_space<vmem>> -> memref<128x128xf32, #tpu.memory_space<vmem>>
    %dma_wait3A_305 = arith.constant 0 : i32
    %dma_wait3A_306 = tpu.memref_slice %arg7[%dma_wait3A, %dma_wait3A_305] : memref<2x128xi32, #tpu.memory_space<vmem>> -> memref<1x128xi32, #tpu.memory_space<vmem>>
    %dma_wait3A_307 = tpu.memref_squeeze %dma_wait3A_306 : memref<1x128xi32, #tpu.memory_space<vmem>> -> memref<128xi32, #tpu.memory_space<vmem>>
    %dma_wait3A_308 = arith.constant 0 : i32
    %dma_wait3A_309 = arith.constant 0 : i32
    %dma_wait3A_310 = tpu.memref_slice %arg3[%dma_wait3A_308, %dma_wait3A_309] : memref<1000000x128xf32, #tpu.memory_space<hbm>> -> memref<1000000x128xf32, #tpu.memory_space<hbm>>
    tpu.wait_indirect_dma semaphore(%arg11 : memref<!tpu.dma_semaphore, #tpu.memory_space<semaphore_mem>>) src(%dma_wait3A_310 : memref<1000000x128xf32, #tpu.memory_space<hbm>>) dst(%dma_wait3A_304 : memref<128x128xf32, #tpu.memory_space<vmem>>)
    %dma_wait3A_311 = arith.constant 0 : i32
    %dma_wait3A_312 = arith.constant 0 : i32
    %dma_wait3A_313 = arith.constant 0 : i32
    %dma_wait3A_314 = arith.constant 0 : i32
    %dma_wait3A_315 = tpu.memref_slice %arg9[%dma_wait3A_312, %dma_wait3A_313, %dma_wait3A_314] : memref<2x200x128xf32, #tpu.memory_space<vmem>> -> memref<1x200x128xf32, #tpu.memory_space<vmem>>
    %dma_wait3A_316 = tpu.memref_squeeze %dma_wait3A_315 : memref<1x200x128xf32, #tpu.memory_space<vmem>> -> memref<200x128xf32, #tpu.memory_space<vmem>>
    %dma_wait3A_317 = arith.constant 128 : i32
    %dma_wait3A_318 = arith.constant 0 : i32
    %dma_wait3A_319 = tpu.memref_slice %dma_wait3A_316[%dma_wait3A_317, %dma_wait3A_318] : memref<200x128xf32, #tpu.memory_space<vmem>> -> memref<72x128xf32, #tpu.memory_space<vmem>>
    %dma_wait3A_320 = arith.constant 0 : i32
    %dma_wait3A_321 = tpu.memref_slice %arg8[%dma_wait3A_311, %dma_wait3A_320] : memref<2x72xi32, #tpu.memory_space<vmem>> -> memref<1x72xi32, #tpu.memory_space<vmem>>
    %dma_wait3A_322 = tpu.memref_squeeze %dma_wait3A_321 : memref<1x72xi32, #tpu.memory_space<vmem>> -> memref<72xi32, #tpu.memory_space<vmem>>
    %dma_wait3A_323 = arith.constant 0 : i32
    %dma_wait3A_324 = arith.constant 0 : i32
    %dma_wait3A_325 = tpu.memref_slice %arg3[%dma_wait3A_323, %dma_wait3A_324] : memref<1000000x128xf32, #tpu.memory_space<hbm>> -> memref<1000000x128xf32, #tpu.memory_space<hbm>>
    tpu.wait_indirect_dma semaphore(%arg11 : memref<!tpu.dma_semaphore, #tpu.memory_space<semaphore_mem>>) src(%dma_wait3A_325 : memref<1000000x128xf32, #tpu.memory_space<hbm>>) dst(%dma_wait3A_319 : memref<72x128xf32, #tpu.memory_space<vmem>>)
    %scan3A = arith.constant 0 : i32
    %scan3A_326 = arith.constant 0 : i32
    %scan3A_327 = arith.constant 100 : i32
    %scan3A_328 = arith.addi %scan3A_326, %scan3A_327 : i32
    %scan3A_329 = arith.constant 1 : i32
    scf.for %scan3A_743 = %scan3A_326 to %scan3A_328 step %scan3A_329  : i32 {
      %mul3A_744 = arith.constant 2 : i32
      %mul3A_745 = arith.muli %scan3A_743, %mul3A_744 : i32
      %add3A_746 = arith.constant 0 : i32
      %add3A_747 = arith.addi %mul3A_745, %add3A_746 : i32
      %get3A_748 = arith.constant 0 : i32
      %get3A_749 = arith.index_cast %get3A_748 : i32 to index
      %get3A_750 = arith.index_cast %add3A_747 : i32 to index
      %get3A_751 = arith.constant 0 : index
      %get3A_752 = tpu.vector_load %arg9[%get3A_749, %get3A_750, %get3A_751] {strides = array<i32>} : memref<2x200x128xf32, #tpu.memory_space<vmem>>, vector<1x1x16xf32>,
      %get3A_753 = vector.shape_cast %get3A_752 : vector<1x1x16xf32> to vector<16xf32>
      %swap3A_754 = arith.constant 0 : i32
      %swap3A_755 = arith.index_cast %swap3A_754 : i32 to index
      %swap3A_756 = arith.index_cast %add3A_747 : i32 to index
      %swap3A_757 = arith.constant 64 : index
      %swap3A_758 = tpu.vector_load %arg10[%swap3A_755, %swap3A_756, %swap3A_757] {strides = array<i32>} : memref<2x200x128xf32, #tpu.memory_space<vmem>>, vector<1x1x16xf32>,
      %swap3A_759 = vector.shape_cast %swap3A_758 : vector<1x1x16xf32> to vector<16xf32>
      %swap3A_760 = vector.shape_cast %get3A_753 : vector<16xf32> to vector<1x1x16xf32>
      tpu.vector_store %arg10[%swap3A_755, %swap3A_756, %swap3A_757], %swap3A_760 {strides = array<i32>} : memref<2x200x128xf32, #tpu.memory_space<vmem>>, vector<1x1x16xf32>,
      %get3A_761 = arith.constant 0 : i32
      %get3A_762 = arith.index_cast %get3A_761 : i32 to index
      %get3A_763 = arith.index_cast %add3A_747 : i32 to index
      %get3A_764 = arith.constant 16 : index
      %get3A_765 = tpu.vector_load %arg9[%get3A_762, %get3A_763, %get3A_764] {strides = array<i32>} : memref<2x200x128xf32, #tpu.memory_space<vmem>>, vector<1x1x16xf32>,
      %get3A_766 = vector.shape_cast %get3A_765 : vector<1x1x16xf32> to vector<16xf32>
      %swap3A_767 = arith.constant 0 : i32
      %swap3A_768 = arith.index_cast %swap3A_767 : i32 to index
      %swap3A_769 = arith.index_cast %add3A_747 : i32 to index
      %swap3A_770 = arith.constant 80 : index
      %swap3A_771 = tpu.vector_load %arg10[%swap3A_768, %swap3A_769, %swap3A_770] {strides = array<i32>} : memref<2x200x128xf32, #tpu.memory_space<vmem>>, vector<1x1x16xf32>,
      %swap3A_772 = vector.shape_cast %swap3A_771 : vector<1x1x16xf32> to vector<16xf32>
      %swap3A_773 = vector.shape_cast %get3A_766 : vector<16xf32> to vector<1x1x16xf32>
      tpu.vector_store %arg10[%swap3A_768, %swap3A_769, %swap3A_770], %swap3A_773 {strides = array<i32>} : memref<2x200x128xf32, #tpu.memory_space<vmem>>, vector<1x1x16xf32>,
      %get3A_774 = arith.constant 0 : i32
      %get3A_775 = arith.index_cast %get3A_774 : i32 to index
      %get3A_776 = arith.index_cast %add3A_747 : i32 to index
      %get3A_777 = arith.constant 32 : index
      %get3A_778 = tpu.vector_load %arg9[%get3A_775, %get3A_776, %get3A_777] {strides = array<i32>} : memref<2x200x128xf32, #tpu.memory_space<vmem>>, vector<1x1x16xf32>,
      %get3A_779 = vector.shape_cast %get3A_778 : vector<1x1x16xf32> to vector<16xf32>
      %swap3A_780 = arith.constant 0 : i32
      %swap3A_781 = arith.index_cast %swap3A_780 : i32 to index
      %swap3A_782 = arith.index_cast %add3A_747 : i32 to index
      %swap3A_783 = arith.constant 96 : index
      %swap3A_784 = tpu.vector_load %arg10[%swap3A_781, %swap3A_782, %swap3A_783] {strides = array<i32>} : memref<2x200x128xf32, #tpu.memory_space<vmem>>, vector<1x1x16xf32>,
      %swap3A_785 = vector.shape_cast %swap3A_784 : vector<1x1x16xf32> to vector<16xf32>
      %swap3A_786 = vector.shape_cast %get3A_779 : vector<16xf32> to vector<1x1x16xf32>
      tpu.vector_store %arg10[%swap3A_781, %swap3A_782, %swap3A_783], %swap3A_786 {strides = array<i32>} : memref<2x200x128xf32, #tpu.memory_space<vmem>>, vector<1x1x16xf32>,
      %get3A_787 = arith.constant 0 : i32
      %get3A_788 = arith.index_cast %get3A_787 : i32 to index
      %get3A_789 = arith.index_cast %add3A_747 : i32 to index
      %get3A_790 = arith.constant 48 : index
      %get3A_791 = tpu.vector_load %arg9[%get3A_788, %get3A_789, %get3A_790] {strides = array<i32>} : memref<2x200x128xf32, #tpu.memory_space<vmem>>, vector<1x1x16xf32>,
      %get3A_792 = vector.shape_cast %get3A_791 : vector<1x1x16xf32> to vector<16xf32>
      %swap3A_793 = arith.constant 0 : i32
      %swap3A_794 = arith.index_cast %swap3A_793 : i32 to index
      %swap3A_795 = arith.index_cast %add3A_747 : i32 to index
      %swap3A_796 = arith.constant 112 : index
      %swap3A_797 = tpu.vector_load %arg10[%swap3A_794, %swap3A_795, %swap3A_796] {strides = array<i32>} : memref<2x200x128xf32, #tpu.memory_space<vmem>>, vector<1x1x16xf32>,
      %swap3A_798 = vector.shape_cast %swap3A_797 : vector<1x1x16xf32> to vector<16xf32>
      %swap3A_799 = vector.shape_cast %get3A_792 : vector<16xf32> to vector<1x1x16xf32>
      tpu.vector_store %arg10[%swap3A_794, %swap3A_795, %swap3A_796], %swap3A_799 {strides = array<i32>} : memref<2x200x128xf32, #tpu.memory_space<vmem>>, vector<1x1x16xf32>,
      %mul3A_800 = arith.constant 2 : i32
      %mul3A_801 = arith.muli %scan3A_743, %mul3A_800 : i32
      %add3A_802 = arith.constant 1 : i32
      %add3A_803 = arith.addi %mul3A_801, %add3A_802 : i32
      %get3A_804 = arith.constant 0 : i32
      %get3A_805 = arith.index_cast %get3A_804 : i32 to index
      %get3A_806 = arith.index_cast %add3A_803 : i32 to index
      %get3A_807 = arith.constant 0 : index
      %get3A_808 = tpu.vector_load %arg9[%get3A_805, %get3A_806, %get3A_807] {strides = array<i32>} : memref<2x200x128xf32, #tpu.memory_space<vmem>>, vector<1x1x16xf32>,
      %get3A_809 = vector.shape_cast %get3A_808 : vector<1x1x16xf32> to vector<16xf32>
      %swap3A_810 = arith.constant 0 : i32
      %swap3A_811 = arith.index_cast %swap3A_810 : i32 to index
      %swap3A_812 = arith.index_cast %add3A_803 : i32 to index
      %swap3A_813 = arith.constant 64 : index
      %swap3A_814 = tpu.vector_load %arg10[%swap3A_811, %swap3A_812, %swap3A_813] {strides = array<i32>} : memref<2x200x128xf32, #tpu.memory_space<vmem>>, vector<1x1x16xf32>,
      %swap3A_815 = vector.shape_cast %swap3A_814 : vector<1x1x16xf32> to vector<16xf32>
      %swap3A_816 = vector.shape_cast %get3A_809 : vector<16xf32> to vector<1x1x16xf32>
      tpu.vector_store %arg10[%swap3A_811, %swap3A_812, %swap3A_813], %swap3A_816 {strides = array<i32>} : memref<2x200x128xf32, #tpu.memory_space<vmem>>, vector<1x1x16xf32>,
      %get3A_817 = arith.constant 0 : i32
      %get3A_818 = arith.index_cast %get3A_817 : i32 to index
      %get3A_819 = arith.index_cast %add3A_803 : i32 to index
      %get3A_820 = arith.constant 16 : index
      %get3A_821 = tpu.vector_load %arg9[%get3A_818, %get3A_819, %get3A_820] {strides = array<i32>} : memref<2x200x128xf32, #tpu.memory_space<vmem>>, vector<1x1x16xf32>,
      %get3A_822 = vector.shape_cast %get3A_821 : vector<1x1x16xf32> to vector<16xf32>
      %swap3A_823 = arith.constant 0 : i32
      %swap3A_824 = arith.index_cast %swap3A_823 : i32 to index
      %swap3A_825 = arith.index_cast %add3A_803 : i32 to index
      %swap3A_826 = arith.constant 80 : index
      %swap3A_827 = tpu.vector_load %arg10[%swap3A_824, %swap3A_825, %swap3A_826] {strides = array<i32>} : memref<2x200x128xf32, #tpu.memory_space<vmem>>, vector<1x1x16xf32>,
      %swap3A_828 = vector.shape_cast %swap3A_827 : vector<1x1x16xf32> to vector<16xf32>
      %swap3A_829 = vector.shape_cast %get3A_822 : vector<16xf32> to vector<1x1x16xf32>
      tpu.vector_store %arg10[%swap3A_824, %swap3A_825, %swap3A_826], %swap3A_829 {strides = array<i32>} : memref<2x200x128xf32, #tpu.memory_space<vmem>>, vector<1x1x16xf32>,
      %get3A_830 = arith.constant 0 : i32
      %get3A_831 = arith.index_cast %get3A_830 : i32 to index
      %get3A_832 = arith.index_cast %add3A_803 : i32 to index
      %get3A_833 = arith.constant 32 : index
      %get3A_834 = tpu.vector_load %arg9[%get3A_831, %get3A_832, %get3A_833] {strides = array<i32>} : memref<2x200x128xf32, #tpu.memory_space<vmem>>, vector<1x1x16xf32>,
      %get3A_835 = vector.shape_cast %get3A_834 : vector<1x1x16xf32> to vector<16xf32>
      %swap3A_836 = arith.constant 0 : i32
      %swap3A_837 = arith.index_cast %swap3A_836 : i32 to index
      %swap3A_838 = arith.index_cast %add3A_803 : i32 to index
      %swap3A_839 = arith.constant 96 : index
      %swap3A_840 = tpu.vector_load %arg10[%swap3A_837, %swap3A_838, %swap3A_839] {strides = array<i32>} : memref<2x200x128xf32, #tpu.memory_space<vmem>>, vector<1x1x16xf32>,
      %swap3A_841 = vector.shape_cast %swap3A_840 : vector<1x1x16xf32> to vector<16xf32>
      %swap3A_842 = vector.shape_cast %get3A_835 : vector<16xf32> to vector<1x1x16xf32>
      tpu.vector_store %arg10[%swap3A_837, %swap3A_838, %swap3A_839], %swap3A_842 {strides = array<i32>} : memref<2x200x128xf32, #tpu.memory_space<vmem>>, vector<1x1x16xf32>,
      %get3A_843 = arith.constant 0 : i32
      %get3A_844 = arith.index_cast %get3A_843 : i32 to index
      %get3A_845 = arith.index_cast %add3A_803 : i32 to index
      %get3A_846 = arith.constant 48 : index
      %get3A_847 = tpu.vector_load %arg9[%get3A_844, %get3A_845, %get3A_846] {strides = array<i32>} : memref<2x200x128xf32, #tpu.memory_space<vmem>>, vector<1x1x16xf32>,
      %get3A_848 = vector.shape_cast %get3A_847 : vector<1x1x16xf32> to vector<16xf32>
      %swap3A_849 = arith.constant 0 : i32
      %swap3A_850 = arith.index_cast %swap3A_849 : i32 to index
      %swap3A_851 = arith.index_cast %add3A_803 : i32 to index
      %swap3A_852 = arith.constant 112 : index
      %swap3A_853 = tpu.vector_load %arg10[%swap3A_850, %swap3A_851, %swap3A_852] {strides = array<i32>} : memref<2x200x128xf32, #tpu.memory_space<vmem>>, vector<1x1x16xf32>,
      %swap3A_854 = vector.shape_cast %swap3A_853 : vector<1x1x16xf32> to vector<16xf32>
      %swap3A_855 = vector.shape_cast %get3A_848 : vector<16xf32> to vector<1x1x16xf32>
      tpu.vector_store %arg10[%swap3A_850, %swap3A_851, %swap3A_852], %swap3A_855 {strides = array<i32>} : memref<2x200x128xf32, #tpu.memory_space<vmem>>, vector<1x1x16xf32>,
    }
    %scan3A_330 = arith.constant 100 : i32
    %add3A_331 = arith.constant 0 : i32
    %add3A_332 = arith.addi %mul3A_2, %add3A_331 : i32
    %dma_start3A_333 = arith.constant 0 : i32
    %dma_start3A_334 = arith.constant 0 : i32
    %dma_start3A_335 = arith.constant 0 : i32
    %dma_start3A_336 = tpu.memref_slice %arg10[%dma_start3A_333, %dma_start3A_334, %dma_start3A_335] : memref<2x200x128xf32, #tpu.memory_space<vmem>> -> memref<1x200x128xf32, #tpu.memory_space<vmem>>
    %dma_start3A_337 = tpu.memref_squeeze %dma_start3A_336 : memref<1x200x128xf32, #tpu.memory_space<vmem>> -> memref<200x128xf32, #tpu.memory_space<vmem>>
    %dma_start3A_338 = arith.constant 0 : i32
    %dma_start3A_339 = arith.constant 0 : i32
    %dma_start3A_340 = tpu.memref_slice %arg5[%add3A_332, %dma_start3A_338, %dma_start3A_339] : memref<4096x200x128xf32, #tpu.memory_space<hbm>> -> memref<1x200x128xf32, #tpu.memory_space<hbm>>
    %dma_start3A_341 = tpu.memref_squeeze %dma_start3A_340 : memref<1x200x128xf32, #tpu.memory_space<hbm>> -> memref<200x128xf32, #tpu.memory_space<hbm>>
    %dma_start3A_342 = arith.constant 0 : i32
    %dma_start3A_343 = arith.constant 0 : i32
    %dma_start3A_344 = tpu.memref_slice %arg5[%add3A_332, %dma_start3A_342, %dma_start3A_343] : memref<4096x200x128xf32, #tpu.memory_space<hbm>> -> memref<1x200x128xf32, #tpu.memory_space<hbm>>
    %dma_start3A_345 = tpu.memref_squeeze %dma_start3A_344 : memref<1x200x128xf32, #tpu.memory_space<hbm>> -> memref<200x128xf32, #tpu.memory_space<hbm>>
    %dma_start3A_346 = arith.constant 0 : i32
    %dma_start3A_347 = arith.constant 0 : i32
    %dma_start3A_348 = tpu.memref_slice %arg10[%dma_start3A_333, %dma_start3A_346, %dma_start3A_347] : memref<2x200x128xf32, #tpu.memory_space<vmem>> -> memref<1x200x128xf32, #tpu.memory_space<vmem>>
    %dma_start3A_349 = tpu.memref_squeeze %dma_start3A_348 : memref<1x200x128xf32, #tpu.memory_space<vmem>> -> memref<200x128xf32, #tpu.memory_space<vmem>>
    tpu.enqueue_dma source(%dma_start3A_349 : memref<200x128xf32, #tpu.memory_space<vmem>>) target(%dma_start3A_345 : memref<200x128xf32, #tpu.memory_space<hbm>>) target_semaphore(%arg13 : memref<!tpu.dma_semaphore, #tpu.memory_space<semaphore_mem>>)
    %get3A_350 = arith.constant 400 : index
    %get3A_351 = tpu.vector_load %arg6[%get3A_350] {strides = array<i32>} : memref<25600xi32, #tpu.memory_space<vmem>>, vector<16xi32>,
    %get3A_352 = vector.shape_cast %get3A_351 : vector<16xi32> to vector<16xi32>
    %swap3A_353 = arith.constant 0 : i32
    %swap3A_354 = arith.index_cast %swap3A_353 : i32 to index
    %swap3A_355 = arith.constant 0 : index
    %swap3A_356 = tpu.vector_load %arg7[%swap3A_354, %swap3A_355] {strides = array<i32>} : memref<2x128xi32, #tpu.memory_space<vmem>>, vector<1x16xi32>,
    %swap3A_357 = vector.shape_cast %swap3A_356 : vector<1x16xi32> to vector<16xi32>
    %swap3A_358 = vector.shape_cast %get3A_352 : vector<16xi32> to vector<1x16xi32>
    tpu.vector_store %arg7[%swap3A_354, %swap3A_355], %swap3A_358 {strides = array<i32>} : memref<2x128xi32, #tpu.memory_space<vmem>>, vector<1x16xi32>,
    %get3A_359 = arith.constant 416 : index
    %get3A_360 = tpu.vector_load %arg6[%get3A_359] {strides = array<i32>} : memref<25600xi32, #tpu.memory_space<vmem>>, vector<16xi32>,
    %get3A_361 = vector.shape_cast %get3A_360 : vector<16xi32> to vector<16xi32>
    %swap3A_362 = arith.constant 0 : i32
    %swap3A_363 = arith.index_cast %swap3A_362 : i32 to index
    %swap3A_364 = arith.constant 16 : index
    %swap3A_365 = tpu.vector_load %arg7[%swap3A_363, %swap3A_364] {strides = array<i32>} : memref<2x128xi32, #tpu.memory_space<vmem>>, vector<1x16xi32>,
    %swap3A_366 = vector.shape_cast %swap3A_365 : vector<1x16xi32> to vector<16xi32>
    %swap3A_367 = vector.shape_cast %get3A_361 : vector<16xi32> to vector<1x16xi32>
    tpu.vector_store %arg7[%swap3A_363, %swap3A_364], %swap3A_367 {strides = array<i32>} : memref<2x128xi32, #tpu.memory_space<vmem>>, vector<1x16xi32>,
    %get3A_368 = arith.constant 432 : index
    %get3A_369 = tpu.vector_load %arg6[%get3A_368] {strides = array<i32>} : memref<25600xi32, #tpu.memory_space<vmem>>, vector<16xi32>,
    %get3A_370 = vector.shape_cast %get3A_369 : vector<16xi32> to vector<16xi32>
    %swap3A_371 = arith.constant 0 : i32
    %swap3A_372 = arith.index_cast %swap3A_371 : i32 to index
    %swap3A_373 = arith.constant 32 : index
    %swap3A_374 = tpu.vector_load %arg7[%swap3A_372, %swap3A_373] {strides = array<i32>} : memref<2x128xi32, #tpu.memory_space<vmem>>, vector<1x16xi32>,
    %swap3A_375 = vector.shape_cast %swap3A_374 : vector<1x16xi32> to vector<16xi32>
    %swap3A_376 = vector.shape_cast %get3A_370 : vector<16xi32> to vector<1x16xi32>
    tpu.vector_store %arg7[%swap3A_372, %swap3A_373], %swap3A_376 {strides = array<i32>} : memref<2x128xi32, #tpu.memory_space<vmem>>, vector<1x16xi32>,
    %get3A_377 = arith.constant 448 : index
    %get3A_378 = tpu.vector_load %arg6[%get3A_377] {strides = array<i32>} : memref<25600xi32, #tpu.memory_space<vmem>>, vector<16xi32>,
    %get3A_379 = vector.shape_cast %get3A_378 : vector<16xi32> to vector<16xi32>
    %swap3A_380 = arith.constant 0 : i32
    %swap3A_381 = arith.index_cast %swap3A_380 : i32 to index
    %swap3A_382 = arith.constant 48 : index
    %swap3A_383 = tpu.vector_load %arg7[%swap3A_381, %swap3A_382] {strides = array<i32>} : memref<2x128xi32, #tpu.memory_space<vmem>>, vector<1x16xi32>,
    %swap3A_384 = vector.shape_cast %swap3A_383 : vector<1x16xi32> to vector<16xi32>
    %swap3A_385 = vector.shape_cast %get3A_379 : vector<16xi32> to vector<1x16xi32>
    tpu.vector_store %arg7[%swap3A_381, %swap3A_382], %swap3A_385 {strides = array<i32>} : memref<2x128xi32, #tpu.memory_space<vmem>>, vector<1x16xi32>,
    %get3A_386 = arith.constant 464 : index
    %get3A_387 = tpu.vector_load %arg6[%get3A_386] {strides = array<i32>} : memref<25600xi32, #tpu.memory_space<vmem>>, vector<16xi32>,
    %get3A_388 = vector.shape_cast %get3A_387 : vector<16xi32> to vector<16xi32>
    %swap3A_389 = arith.constant 0 : i32
    %swap3A_390 = arith.index_cast %swap3A_389 : i32 to index
    %swap3A_391 = arith.constant 64 : index
    %swap3A_392 = tpu.vector_load %arg7[%swap3A_390, %swap3A_391] {strides = array<i32>} : memref<2x128xi32, #tpu.memory_space<vmem>>, vector<1x16xi32>,
    %swap3A_393 = vector.shape_cast %swap3A_392 : vector<1x16xi32> to vector<16xi32>
    %swap3A_394 = vector.shape_cast %get3A_388 : vector<16xi32> to vector<1x16xi32>
    tpu.vector_store %arg7[%swap3A_390, %swap3A_391], %swap3A_394 {strides = array<i32>} : memref<2x128xi32, #tpu.memory_space<vmem>>, vector<1x16xi32>,
    %get3A_395 = arith.constant 480 : index
    %get3A_396 = tpu.vector_load %arg6[%get3A_395] {strides = array<i32>} : memref<25600xi32, #tpu.memory_space<vmem>>, vector<16xi32>,
    %get3A_397 = vector.shape_cast %get3A_396 : vector<16xi32> to vector<16xi32>
    %swap3A_398 = arith.constant 0 : i32
    %swap3A_399 = arith.index_cast %swap3A_398 : i32 to index
    %swap3A_400 = arith.constant 80 : index
    %swap3A_401 = tpu.vector_load %arg7[%swap3A_399, %swap3A_400] {strides = array<i32>} : memref<2x128xi32, #tpu.memory_space<vmem>>, vector<1x16xi32>,
    %swap3A_402 = vector.shape_cast %swap3A_401 : vector<1x16xi32> to vector<16xi32>
    %swap3A_403 = vector.shape_cast %get3A_397 : vector<16xi32> to vector<1x16xi32>
    tpu.vector_store %arg7[%swap3A_399, %swap3A_400], %swap3A_403 {strides = array<i32>} : memref<2x128xi32, #tpu.memory_space<vmem>>, vector<1x16xi32>,
    %get3A_404 = arith.constant 496 : index
    %get3A_405 = tpu.vector_load %arg6[%get3A_404] {strides = array<i32>} : memref<25600xi32, #tpu.memory_space<vmem>>, vector<16xi32>,
    %get3A_406 = vector.shape_cast %get3A_405 : vector<16xi32> to vector<16xi32>
    %swap3A_407 = arith.constant 0 : i32
    %swap3A_408 = arith.index_cast %swap3A_407 : i32 to index
    %swap3A_409 = arith.constant 96 : index
    %swap3A_410 = tpu.vector_load %arg7[%swap3A_408, %swap3A_409] {strides = array<i32>} : memref<2x128xi32, #tpu.memory_space<vmem>>, vector<1x16xi32>,
    %swap3A_411 = vector.shape_cast %swap3A_410 : vector<1x16xi32> to vector<16xi32>
    %swap3A_412 = vector.shape_cast %get3A_406 : vector<16xi32> to vector<1x16xi32>
    tpu.vector_store %arg7[%swap3A_408, %swap3A_409], %swap3A_412 {strides = array<i32>} : memref<2x128xi32, #tpu.memory_space<vmem>>, vector<1x16xi32>,
    %get3A_413 = arith.constant 512 : index
    %get3A_414 = tpu.vector_load %arg6[%get3A_413] {strides = array<i32>} : memref<25600xi32, #tpu.memory_space<vmem>>, vector<16xi32>,
    %get3A_415 = vector.shape_cast %get3A_414 : vector<16xi32> to vector<16xi32>
    %swap3A_416 = arith.constant 0 : i32
    %swap3A_417 = arith.index_cast %swap3A_416 : i32 to index
    %swap3A_418 = arith.constant 112 : index
    %swap3A_419 = tpu.vector_load %arg7[%swap3A_417, %swap3A_418] {strides = array<i32>} : memref<2x128xi32, #tpu.memory_space<vmem>>, vector<1x16xi32>,
    %swap3A_420 = vector.shape_cast %swap3A_419 : vector<1x16xi32> to vector<16xi32>
    %swap3A_421 = vector.shape_cast %get3A_415 : vector<16xi32> to vector<1x16xi32>
    tpu.vector_store %arg7[%swap3A_417, %swap3A_418], %swap3A_421 {strides = array<i32>} : memref<2x128xi32, #tpu.memory_space<vmem>>, vector<1x16xi32>,
    %get3A_422 = arith.constant 528 : index
    %get3A_423 = tpu.vector_load %arg6[%get3A_422] {strides = array<i32>} : memref<25600xi32, #tpu.memory_space<vmem>>, vector<16xi32>,
    %get3A_424 = vector.shape_cast %get3A_423 : vector<16xi32> to vector<16xi32>
    %swap3A_425 = arith.constant 0 : i32
    %swap3A_426 = arith.index_cast %swap3A_425 : i32 to index
    %swap3A_427 = arith.constant 0 : index
    %swap3A_428 = tpu.vector_load %arg8[%swap3A_426, %swap3A_427] {strides = array<i32>} : memref<2x72xi32, #tpu.memory_space<vmem>>, vector<1x16xi32>,
    %swap3A_429 = vector.shape_cast %swap3A_428 : vector<1x16xi32> to vector<16xi32>
    %swap3A_430 = vector.shape_cast %get3A_424 : vector<16xi32> to vector<1x16xi32>
    tpu.vector_store %arg8[%swap3A_426, %swap3A_427], %swap3A_430 {strides = array<i32>} : memref<2x72xi32, #tpu.memory_space<vmem>>, vector<1x16xi32>,
    %get3A_431 = arith.constant 544 : index
    %get3A_432 = tpu.vector_load %arg6[%get3A_431] {strides = array<i32>} : memref<25600xi32, #tpu.memory_space<vmem>>, vector<16xi32>,
    %get3A_433 = vector.shape_cast %get3A_432 : vector<16xi32> to vector<16xi32>
    %swap3A_434 = arith.constant 0 : i32
    %swap3A_435 = arith.index_cast %swap3A_434 : i32 to index
    %swap3A_436 = arith.constant 16 : index
    %swap3A_437 = tpu.vector_load %arg8[%swap3A_435, %swap3A_436] {strides = array<i32>} : memref<2x72xi32, #tpu.memory_space<vmem>>, vector<1x16xi32>,
    %swap3A_438 = vector.shape_cast %swap3A_437 : vector<1x16xi32> to vector<16xi32>
    %swap3A_439 = vector.shape_cast %get3A_433 : vector<16xi32> to vector<1x16xi32>
    tpu.vector_store %arg8[%swap3A_435, %swap3A_436], %swap3A_439 {strides = array<i32>} : memref<2x72xi32, #tpu.memory_space<vmem>>, vector<1x16xi32>,
    %get3A_440 = arith.constant 560 : index
    %get3A_441 = tpu.vector_load %arg6[%get3A_440] {strides = array<i32>} : memref<25600xi32, #tpu.memory_space<vmem>>, vector<16xi32>,
    %get3A_442 = vector.shape_cast %get3A_441 : vector<16xi32> to vector<16xi32>
    %swap3A_443 = arith.constant 0 : i32
    %swap3A_444 = arith.index_cast %swap3A_443 : i32 to index
    %swap3A_445 = arith.constant 32 : index
    %swap3A_446 = tpu.vector_load %arg8[%swap3A_444, %swap3A_445] {strides = array<i32>} : memref<2x72xi32, #tpu.memory_space<vmem>>, vector<1x16xi32>,
    %swap3A_447 = vector.shape_cast %swap3A_446 : vector<1x16xi32> to vector<16xi32>
    %swap3A_448 = vector.shape_cast %get3A_442 : vector<16xi32> to vector<1x16xi32>
    tpu.vector_store %arg8[%swap3A_444, %swap3A_445], %swap3A_448 {strides = array<i32>} : memref<2x72xi32, #tpu.memory_space<vmem>>, vector<1x16xi32>,
    %get3A_449 = arith.constant 576 : index
    %get3A_450 = tpu.vector_load %arg6[%get3A_449] {strides = array<i32>} : memref<25600xi32, #tpu.memory_space<vmem>>, vector<16xi32>,
    %get3A_451 = vector.shape_cast %get3A_450 : vector<16xi32> to vector<16xi32>
    %swap3A_452 = arith.constant 0 : i32
    %swap3A_453 = arith.index_cast %swap3A_452 : i32 to index
    %swap3A_454 = arith.constant 48 : index
    %swap3A_455 = tpu.vector_load %arg8[%swap3A_453, %swap3A_454] {strides = array<i32>} : memref<2x72xi32, #tpu.memory_space<vmem>>, vector<1x16xi32>,
    %swap3A_456 = vector.shape_cast %swap3A_455 : vector<1x16xi32> to vector<16xi32>
    %swap3A_457 = vector.shape_cast %get3A_451 : vector<16xi32> to vector<1x16xi32>
    tpu.vector_store %arg8[%swap3A_453, %swap3A_454], %swap3A_457 {strides = array<i32>} : memref<2x72xi32, #tpu.memory_space<vmem>>, vector<1x16xi32>,
    %get3A_458 = arith.constant 584 : index
    %get3A_459 = tpu.vector_load %arg6[%get3A_458] {strides = array<i32>} : memref<25600xi32, #tpu.memory_space<vmem>>, vector<16xi32>,
    %get3A_460 = vector.shape_cast %get3A_459 : vector<16xi32> to vector<16xi32>
    %swap3A_461 = arith.constant 0 : i32
    %swap3A_462 = arith.index_cast %swap3A_461 : i32 to index
    %swap3A_463 = arith.constant 56 : index
    %swap3A_464 = tpu.vector_load %arg8[%swap3A_462, %swap3A_463] {strides = array<i32>} : memref<2x72xi32, #tpu.memory_space<vmem>>, vector<1x16xi32>,
    %swap3A_465 = vector.shape_cast %swap3A_464 : vector<1x16xi32> to vector<16xi32>
    %swap3A_466 = vector.shape_cast %get3A_460 : vector<16xi32> to vector<1x16xi32>
    tpu.vector_store %arg8[%swap3A_462, %swap3A_463], %swap3A_466 {strides = array<i32>} : memref<2x72xi32, #tpu.memory_space<vmem>>, vector<1x16xi32>,
    %dma_start3A_467 = arith.constant 0 : i32
    %dma_start3A_468 = arith.constant 0 : i32
    %dma_start3A_469 = arith.constant 0 : i32
    %dma_start3A_470 = arith.constant 0 : i32
    %dma_start3A_471 = tpu.memref_slice %arg9[%dma_start3A_468, %dma_start3A_469, %dma_start3A_470] : memref<2x200x128xf32, #tpu.memory_space<vmem>> -> memref<1x200x128xf32, #tpu.memory_space<vmem>>
    %dma_start3A_472 = tpu.memref_squeeze %dma_start3A_471 : memref<1x200x128xf32, #tpu.memory_space<vmem>> -> memref<200x128xf32, #tpu.memory_space<vmem>>
    %dma_start3A_473 = arith.constant 0 : i32
    %dma_start3A_474 = arith.constant 0 : i32
    %dma_start3A_475 = tpu.memref_slice %dma_start3A_472[%dma_start3A_473, %dma_start3A_474] : memref<200x128xf32, #tpu.memory_space<vmem>> -> memref<128x128xf32, #tpu.memory_space<vmem>>
    %dma_start3A_476 = arith.constant 0 : i32
    %dma_start3A_477 = tpu.memref_slice %arg7[%dma_start3A_467, %dma_start3A_476] : memref<2x128xi32, #tpu.memory_space<vmem>> -> memref<1x128xi32, #tpu.memory_space<vmem>>
    %dma_start3A_478 = tpu.memref_squeeze %dma_start3A_477 : memref<1x128xi32, #tpu.memory_space<vmem>> -> memref<128xi32, #tpu.memory_space<vmem>>
    %dma_start3A_479 = arith.constant 0 : i32
    %dma_start3A_480 = arith.constant 0 : i32
    %dma_start3A_481 = tpu.memref_slice %arg3[%dma_start3A_479, %dma_start3A_480] : memref<1000000x128xf32, #tpu.memory_space<hbm>> -> memref<1000000x128xf32, #tpu.memory_space<hbm>>
    tpu.enqueue_indirect_dma source(%dma_start3A_481 : memref<1000000x128xf32, #tpu.memory_space<hbm>>) target(%dma_start3A_475 : memref<128x128xf32, #tpu.memory_space<vmem>>) offsets(%dma_start3A_478 : memref<128xi32, #tpu.memory_space<vmem>>) semaphore(%arg11 : memref<!tpu.dma_semaphore, #tpu.memory_space<semaphore_mem>>)
    %dma_start3A_482 = arith.constant 0 : i32
    %dma_start3A_483 = arith.constant 0 : i32
    %dma_start3A_484 = arith.constant 0 : i32
    %dma_start3A_485 = arith.constant 0 : i32
    %dma_start3A_486 = tpu.memref_slice %arg9[%dma_start3A_483, %dma_start3A_484, %dma_start3A_485] : memref<2x200x128xf32, #tpu.memory_space<vmem>> -> memref<1x200x128xf32, #tpu.memory_space<vmem>>
    %dma_start3A_487 = tpu.memref_squeeze %dma_start3A_486 : memref<1x200x128xf32, #tpu.memory_space<vmem>> -> memref<200x128xf32, #tpu.memory_space<vmem>>
    %dma_start3A_488 = arith.constant 128 : i32
    %dma_start3A_489 = arith.constant 0 : i32
    %dma_start3A_490 = tpu.memref_slice %dma_start3A_487[%dma_start3A_488, %dma_start3A_489] : memref<200x128xf32, #tpu.memory_space<vmem>> -> memref<72x128xf32, #tpu.memory_space<vmem>>
    %dma_start3A_491 = arith.constant 0 : i32
    %dma_start3A_492 = tpu.memref_slice %arg8[%dma_start3A_482, %dma_start3A_491] : memref<2x72xi32, #tpu.memory_space<vmem>> -> memref<1x72xi32, #tpu.memory_space<vmem>>
    %dma_start3A_493 = tpu.memref_squeeze %dma_start3A_492 : memref<1x72xi32, #tpu.memory_space<vmem>> -> memref<72xi32, #tpu.memory_space<vmem>>
    %dma_start3A_494 = arith.constant 0 : i32
    %dma_start3A_495 = arith.constant 0 : i32
    %dma_start3A_496 = tpu.memref_slice %arg3[%dma_start3A_494, %dma_start3A_495] : memref<1000000x128xf32, #tpu.memory_space<hbm>> -> memref<1000000x128xf32, #tpu.memory_space<hbm>>
    tpu.enqueue_indirect_dma source(%dma_start3A_496 : memref<1000000x128xf32, #tpu.memory_space<hbm>>) target(%dma_start3A_490 : memref<72x128xf32, #tpu.memory_space<vmem>>) offsets(%dma_start3A_493 : memref<72xi32, #tpu.memory_space<vmem>>) semaphore(%arg11 : memref<!tpu.dma_semaphore, #tpu.memory_space<semaphore_mem>>)
    %dma_wait3A_497 = arith.constant 1 : i32
    %dma_wait3A_498 = arith.constant 1 : i32
    %dma_wait3A_499 = arith.constant 0 : i32
    %dma_wait3A_500 = arith.constant 0 : i32
    %dma_wait3A_501 = tpu.memref_slice %arg9[%dma_wait3A_498, %dma_wait3A_499, %dma_wait3A_500] : memref<2x200x128xf32, #tpu.memory_space<vmem>> -> memref<1x200x128xf32, #tpu.memory_space<vmem>>
    %dma_wait3A_502 = tpu.memref_squeeze %dma_wait3A_501 : memref<1x200x128xf32, #tpu.memory_space<vmem>> -> memref<200x128xf32, #tpu.memory_space<vmem>>
    %dma_wait3A_503 = arith.constant 0 : i32
    %dma_wait3A_504 = arith.constant 0 : i32
    %dma_wait3A_505 = tpu.memref_slice %dma_wait3A_502[%dma_wait3A_503, %dma_wait3A_504] : memref<200x128xf32, #tpu.memory_space<vmem>> -> memref<128x128xf32, #tpu.memory_space<vmem>>
    %dma_wait3A_506 = arith.constant 0 : i32
    %dma_wait3A_507 = tpu.memref_slice %arg7[%dma_wait3A_497, %dma_wait3A_506] : memref<2x128xi32, #tpu.memory_space<vmem>> -> memref<1x128xi32, #tpu.memory_space<vmem>>
    %dma_wait3A_508 = tpu.memref_squeeze %dma_wait3A_507 : memref<1x128xi32, #tpu.memory_space<vmem>> -> memref<128xi32, #tpu.memory_space<vmem>>
    %dma_wait3A_509 = arith.constant 0 : i32
    %dma_wait3A_510 = arith.constant 0 : i32
    %dma_wait3A_511 = tpu.memref_slice %arg3[%dma_wait3A_509, %dma_wait3A_510] : memref<1000000x128xf32, #tpu.memory_space<hbm>> -> memref<1000000x128xf32, #tpu.memory_space<hbm>>
    tpu.wait_indirect_dma semaphore(%arg12 : memref<!tpu.dma_semaphore, #tpu.memory_space<semaphore_mem>>) src(%dma_wait3A_511 : memref<1000000x128xf32, #tpu.memory_space<hbm>>) dst(%dma_wait3A_505 : memref<128x128xf32, #tpu.memory_space<vmem>>)
    %dma_wait3A_512 = arith.constant 1 : i32
    %dma_wait3A_513 = arith.constant 1 : i32
    %dma_wait3A_514 = arith.constant 0 : i32
    %dma_wait3A_515 = arith.constant 0 : i32
    %dma_wait3A_516 = tpu.memref_slice %arg9[%dma_wait3A_513, %dma_wait3A_514, %dma_wait3A_515] : memref<2x200x128xf32, #tpu.memory_space<vmem>> -> memref<1x200x128xf32, #tpu.memory_space<vmem>>
    %dma_wait3A_517 = tpu.memref_squeeze %dma_wait3A_516 : memref<1x200x128xf32, #tpu.memory_space<vmem>> -> memref<200x128xf32, #tpu.memory_space<vmem>>
    %dma_wait3A_518 = arith.constant 128 : i32
    %dma_wait3A_519 = arith.constant 0 : i32
    %dma_wait3A_520 = tpu.memref_slice %dma_wait3A_517[%dma_wait3A_518, %dma_wait3A_519] : memref<200x128xf32, #tpu.memory_space<vmem>> -> memref<72x128xf32, #tpu.memory_space<vmem>>
    %dma_wait3A_521 = arith.constant 0 : i32
    %dma_wait3A_522 = tpu.memref_slice %arg8[%dma_wait3A_512, %dma_wait3A_521] : memref<2x72xi32, #tpu.memory_space<vmem>> -> memref<1x72xi32, #tpu.memory_space<vmem>>
    %dma_wait3A_523 = tpu.memref_squeeze %dma_wait3A_522 : memref<1x72xi32, #tpu.memory_space<vmem>> -> memref<72xi32, #tpu.memory_space<vmem>>
    %dma_wait3A_524 = arith.constant 0 : i32
    %dma_wait3A_525 = arith.constant 0 : i32
    %dma_wait3A_526 = tpu.memref_slice %arg3[%dma_wait3A_524, %dma_wait3A_525] : memref<1000000x128xf32, #tpu.memory_space<hbm>> -> memref<1000000x128xf32, #tpu.memory_space<hbm>>
    tpu.wait_indirect_dma semaphore(%arg12 : memref<!tpu.dma_semaphore, #tpu.memory_space<semaphore_mem>>) src(%dma_wait3A_526 : memref<1000000x128xf32, #tpu.memory_space<hbm>>) dst(%dma_wait3A_520 : memref<72x128xf32, #tpu.memory_space<vmem>>)
    %scan3A_527 = arith.constant 0 : i32
    %scan3A_528 = arith.constant 0 : i32
    %scan3A_529 = arith.constant 100 : i32
    %scan3A_530 = arith.addi %scan3A_528, %scan3A_529 : i32
    %scan3A_531 = arith.constant 1 : i32
    scf.for %scan3A_743 = %scan3A_528 to %scan3A_530 step %scan3A_531  : i32 {
      %mul3A_744 = arith.constant 2 : i32
      %mul3A_745 = arith.muli %scan3A_743, %mul3A_744 : i32
      %add3A_746 = arith.constant 0 : i32
      %add3A_747 = arith.addi %mul3A_745, %add3A_746 : i32
      %get3A_748 = arith.constant 1 : i32
      %get3A_749 = arith.index_cast %get3A_748 : i32 to index
      %get3A_750 = arith.index_cast %add3A_747 : i32 to index
      %get3A_751 = arith.constant 0 : index
      %get3A_752 = tpu.vector_load %arg9[%get3A_749, %get3A_750, %get3A_751] {strides = array<i32>} : memref<2x200x128xf32, #tpu.memory_space<vmem>>, vector<1x1x16xf32>,
      %get3A_753 = vector.shape_cast %get3A_752 : vector<1x1x16xf32> to vector<16xf32>
      %swap3A_754 = arith.constant 1 : i32
      %swap3A_755 = arith.index_cast %swap3A_754 : i32 to index
      %swap3A_756 = arith.index_cast %add3A_747 : i32 to index
      %swap3A_757 = arith.constant 64 : index
      %swap3A_758 = tpu.vector_load %arg10[%swap3A_755, %swap3A_756, %swap3A_757] {strides = array<i32>} : memref<2x200x128xf32, #tpu.memory_space<vmem>>, vector<1x1x16xf32>,
      %swap3A_759 = vector.shape_cast %swap3A_758 : vector<1x1x16xf32> to vector<16xf32>
      %swap3A_760 = vector.shape_cast %get3A_753 : vector<16xf32> to vector<1x1x16xf32>
      tpu.vector_store %arg10[%swap3A_755, %swap3A_756, %swap3A_757], %swap3A_760 {strides = array<i32>} : memref<2x200x128xf32, #tpu.memory_space<vmem>>, vector<1x1x16xf32>,
      %get3A_761 = arith.constant 1 : i32
      %get3A_762 = arith.index_cast %get3A_761 : i32 to index
      %get3A_763 = arith.index_cast %add3A_747 : i32 to index
      %get3A_764 = arith.constant 16 : index
      %get3A_765 = tpu.vector_load %arg9[%get3A_762, %get3A_763, %get3A_764] {strides = array<i32>} : memref<2x200x128xf32, #tpu.memory_space<vmem>>, vector<1x1x16xf32>,
      %get3A_766 = vector.shape_cast %get3A_765 : vector<1x1x16xf32> to vector<16xf32>
      %swap3A_767 = arith.constant 1 : i32
      %swap3A_768 = arith.index_cast %swap3A_767 : i32 to index
      %swap3A_769 = arith.index_cast %add3A_747 : i32 to index
      %swap3A_770 = arith.constant 80 : index
      %swap3A_771 = tpu.vector_load %arg10[%swap3A_768, %swap3A_769, %swap3A_770] {strides = array<i32>} : memref<2x200x128xf32, #tpu.memory_space<vmem>>, vector<1x1x16xf32>,
      %swap3A_772 = vector.shape_cast %swap3A_771 : vector<1x1x16xf32> to vector<16xf32>
      %swap3A_773 = vector.shape_cast %get3A_766 : vector<16xf32> to vector<1x1x16xf32>
      tpu.vector_store %arg10[%swap3A_768, %swap3A_769, %swap3A_770], %swap3A_773 {strides = array<i32>} : memref<2x200x128xf32, #tpu.memory_space<vmem>>, vector<1x1x16xf32>,
      %get3A_774 = arith.constant 1 : i32
      %get3A_775 = arith.index_cast %get3A_774 : i32 to index
      %get3A_776 = arith.index_cast %add3A_747 : i32 to index
      %get3A_777 = arith.constant 32 : index
      %get3A_778 = tpu.vector_load %arg9[%get3A_775, %get3A_776, %get3A_777] {strides = array<i32>} : memref<2x200x128xf32, #tpu.memory_space<vmem>>, vector<1x1x16xf32>,
      %get3A_779 = vector.shape_cast %get3A_778 : vector<1x1x16xf32> to vector<16xf32>
      %swap3A_780 = arith.constant 1 : i32
      %swap3A_781 = arith.index_cast %swap3A_780 : i32 to index
      %swap3A_782 = arith.index_cast %add3A_747 : i32 to index
      %swap3A_783 = arith.constant 96 : index
      %swap3A_784 = tpu.vector_load %arg10[%swap3A_781, %swap3A_782, %swap3A_783] {strides = array<i32>} : memref<2x200x128xf32, #tpu.memory_space<vmem>>, vector<1x1x16xf32>,
      %swap3A_785 = vector.shape_cast %swap3A_784 : vector<1x1x16xf32> to vector<16xf32>
      %swap3A_786 = vector.shape_cast %get3A_779 : vector<16xf32> to vector<1x1x16xf32>
      tpu.vector_store %arg10[%swap3A_781, %swap3A_782, %swap3A_783], %swap3A_786 {strides = array<i32>} : memref<2x200x128xf32, #tpu.memory_space<vmem>>, vector<1x1x16xf32>,
      %get3A_787 = arith.constant 1 : i32
      %get3A_788 = arith.index_cast %get3A_787 : i32 to index
      %get3A_789 = arith.index_cast %add3A_747 : i32 to index
      %get3A_790 = arith.constant 48 : index
      %get3A_791 = tpu.vector_load %arg9[%get3A_788, %get3A_789, %get3A_790] {strides = array<i32>} : memref<2x200x128xf32, #tpu.memory_space<vmem>>, vector<1x1x16xf32>,
      %get3A_792 = vector.shape_cast %get3A_791 : vector<1x1x16xf32> to vector<16xf32>
      %swap3A_793 = arith.constant 1 : i32
      %swap3A_794 = arith.index_cast %swap3A_793 : i32 to index
      %swap3A_795 = arith.index_cast %add3A_747 : i32 to index
      %swap3A_796 = arith.constant 112 : index
      %swap3A_797 = tpu.vector_load %arg10[%swap3A_794, %swap3A_795, %swap3A_796] {strides = array<i32>} : memref<2x200x128xf32, #tpu.memory_space<vmem>>, vector<1x1x16xf32>,
      %swap3A_798 = vector.shape_cast %swap3A_797 : vector<1x1x16xf32> to vector<16xf32>
      %swap3A_799 = vector.shape_cast %get3A_792 : vector<16xf32> to vector<1x1x16xf32>
      tpu.vector_store %arg10[%swap3A_794, %swap3A_795, %swap3A_796], %swap3A_799 {strides = array<i32>} : memref<2x200x128xf32, #tpu.memory_space<vmem>>, vector<1x1x16xf32>,
      %mul3A_800 = arith.constant 2 : i32
      %mul3A_801 = arith.muli %scan3A_743, %mul3A_800 : i32
      %add3A_802 = arith.constant 1 : i32
      %add3A_803 = arith.addi %mul3A_801, %add3A_802 : i32
      %get3A_804 = arith.constant 1 : i32
      %get3A_805 = arith.index_cast %get3A_804 : i32 to index
      %get3A_806 = arith.index_cast %add3A_803 : i32 to index
      %get3A_807 = arith.constant 0 : index
      %get3A_808 = tpu.vector_load %arg9[%get3A_805, %get3A_806, %get3A_807] {strides = array<i32>} : memref<2x200x128xf32, #tpu.memory_space<vmem>>, vector<1x1x16xf32>,
      %get3A_809 = vector.shape_cast %get3A_808 : vector<1x1x16xf32> to vector<16xf32>
      %swap3A_810 = arith.constant 1 : i32
      %swap3A_811 = arith.index_cast %swap3A_810 : i32 to index
      %swap3A_812 = arith.index_cast %add3A_803 : i32 to index
      %swap3A_813 = arith.constant 64 : index
      %swap3A_814 = tpu.vector_load %arg10[%swap3A_811, %swap3A_812, %swap3A_813] {strides = array<i32>} : memref<2x200x128xf32, #tpu.memory_space<vmem>>, vector<1x1x16xf32>,
      %swap3A_815 = vector.shape_cast %swap3A_814 : vector<1x1x16xf32> to vector<16xf32>
      %swap3A_816 = vector.shape_cast %get3A_809 : vector<16xf32> to vector<1x1x16xf32>
      tpu.vector_store %arg10[%swap3A_811, %swap3A_812, %swap3A_813], %swap3A_816 {strides = array<i32>} : memref<2x200x128xf32, #tpu.memory_space<vmem>>, vector<1x1x16xf32>,
      %get3A_817 = arith.constant 1 : i32
      %get3A_818 = arith.index_cast %get3A_817 : i32 to index
      %get3A_819 = arith.index_cast %add3A_803 : i32 to index
      %get3A_820 = arith.constant 16 : index
      %get3A_821 = tpu.vector_load %arg9[%get3A_818, %get3A_819, %get3A_820] {strides = array<i32>} : memref<2x200x128xf32, #tpu.memory_space<vmem>>, vector<1x1x16xf32>,
      %get3A_822 = vector.shape_cast %get3A_821 : vector<1x1x16xf32> to vector<16xf32>
      %swap3A_823 = arith.constant 1 : i32
      %swap3A_824 = arith.index_cast %swap3A_823 : i32 to index
      %swap3A_825 = arith.index_cast %add3A_803 : i32 to index
      %swap3A_826 = arith.constant 80 : index
      %swap3A_827 = tpu.vector_load %arg10[%swap3A_824, %swap3A_825, %swap3A_826] {strides = array<i32>} : memref<2x200x128xf32, #tpu.memory_space<vmem>>, vector<1x1x16xf32>,
      %swap3A_828 = vector.shape_cast %swap3A_827 : vector<1x1x16xf32> to vector<16xf32>
      %swap3A_829 = vector.shape_cast %get3A_822 : vector<16xf32> to vector<1x1x16xf32>
      tpu.vector_store %arg10[%swap3A_824, %swap3A_825, %swap3A_826], %swap3A_829 {strides = array<i32>} : memref<2x200x128xf32, #tpu.memory_space<vmem>>, vector<1x1x16xf32>,
      %get3A_830 = arith.constant 1 : i32
      %get3A_831 = arith.index_cast %get3A_830 : i32 to index
      %get3A_832 = arith.index_cast %add3A_803 : i32 to index
      %get3A_833 = arith.constant 32 : index
      %get3A_834 = tpu.vector_load %arg9[%get3A_831, %get3A_832, %get3A_833] {strides = array<i32>} : memref<2x200x128xf32, #tpu.memory_space<vmem>>, vector<1x1x16xf32>,
      %get3A_835 = vector.shape_cast %get3A_834 : vector<1x1x16xf32> to vector<16xf32>
      %swap3A_836 = arith.constant 1 : i32
      %swap3A_837 = arith.index_cast %swap3A_836 : i32 to index
      %swap3A_838 = arith.index_cast %add3A_803 : i32 to index
      %swap3A_839 = arith.constant 96 : index
      %swap3A_840 = tpu.vector_load %arg10[%swap3A_837, %swap3A_838, %swap3A_839] {strides = array<i32>} : memref<2x200x128xf32, #tpu.memory_space<vmem>>, vector<1x1x16xf32>,
      %swap3A_841 = vector.shape_cast %swap3A_840 : vector<1x1x16xf32> to vector<16xf32>
      %swap3A_842 = vector.shape_cast %get3A_835 : vector<16xf32> to vector<1x1x16xf32>
      tpu.vector_store %arg10[%swap3A_837, %swap3A_838, %swap3A_839], %swap3A_842 {strides = array<i32>} : memref<2x200x128xf32, #tpu.memory_space<vmem>>, vector<1x1x16xf32>,
      %get3A_843 = arith.constant 1 : i32
      %get3A_844 = arith.index_cast %get3A_843 : i32 to index
      %get3A_845 = arith.index_cast %add3A_803 : i32 to index
      %get3A_846 = arith.constant 48 : index
      %get3A_847 = tpu.vector_load %arg9[%get3A_844, %get3A_845, %get3A_846] {strides = array<i32>} : memref<2x200x128xf32, #tpu.memory_space<vmem>>, vector<1x1x16xf32>,
      %get3A_848 = vector.shape_cast %get3A_847 : vector<1x1x16xf32> to vector<16xf32>
      %swap3A_849 = arith.constant 1 : i32
      %swap3A_850 = arith.index_cast %swap3A_849 : i32 to index
      %swap3A_851 = arith.index_cast %add3A_803 : i32 to index
      %swap3A_852 = arith.constant 112 : index
      %swap3A_853 = tpu.vector_load %arg10[%swap3A_850, %swap3A_851, %swap3A_852] {strides = array<i32>} : memref<2x200x128xf32, #tpu.memory_space<vmem>>, vector<1x1x16xf32>,
      %swap3A_854 = vector.shape_cast %swap3A_853 : vector<1x1x16xf32> to vector<16xf32>
      %swap3A_855 = vector.shape_cast %get3A_848 : vector<16xf32> to vector<1x1x16xf32>
      tpu.vector_store %arg10[%swap3A_850, %swap3A_851, %swap3A_852], %swap3A_855 {strides = array<i32>} : memref<2x200x128xf32, #tpu.memory_space<vmem>>, vector<1x1x16xf32>,
    }
    %scan3A_532 = arith.constant 100 : i32
    %add3A_533 = arith.constant 1 : i32
    %add3A_534 = arith.addi %mul3A_2, %add3A_533 : i32
    %dma_start3A_535 = arith.constant 1 : i32
    %dma_start3A_536 = arith.constant 0 : i32
    %dma_start3A_537 = arith.constant 0 : i32
    %dma_start3A_538 = tpu.memref_slice %arg10[%dma_start3A_535, %dma_start3A_536, %dma_start3A_537] : memref<2x200x128xf32, #tpu.memory_space<vmem>> -> memref<1x200x128xf32, #tpu.memory_space<vmem>>
    %dma_start3A_539 = tpu.memref_squeeze %dma_start3A_538 : memref<1x200x128xf32, #tpu.memory_space<vmem>> -> memref<200x128xf32, #tpu.memory_space<vmem>>
    %dma_start3A_540 = arith.constant 0 : i32
    %dma_start3A_541 = arith.constant 0 : i32
    %dma_start3A_542 = tpu.memref_slice %arg5[%add3A_534, %dma_start3A_540, %dma_start3A_541] : memref<4096x200x128xf32, #tpu.memory_space<hbm>> -> memref<1x200x128xf32, #tpu.memory_space<hbm>>
    %dma_start3A_543 = tpu.memref_squeeze %dma_start3A_542 : memref<1x200x128xf32, #tpu.memory_space<hbm>> -> memref<200x128xf32, #tpu.memory_space<hbm>>
    %dma_start3A_544 = arith.constant 0 : i32
    %dma_start3A_545 = arith.constant 0 : i32
    %dma_start3A_546 = tpu.memref_slice %arg5[%add3A_534, %dma_start3A_544, %dma_start3A_545] : memref<4096x200x128xf32, #tpu.memory_space<hbm>> -> memref<1x200x128xf32, #tpu.memory_space<hbm>>
    %dma_start3A_547 = tpu.memref_squeeze %dma_start3A_546 : memref<1x200x128xf32, #tpu.memory_space<hbm>> -> memref<200x128xf32, #tpu.memory_space<hbm>>
    %dma_start3A_548 = arith.constant 0 : i32
    %dma_start3A_549 = arith.constant 0 : i32
    %dma_start3A_550 = tpu.memref_slice %arg10[%dma_start3A_535, %dma_start3A_548, %dma_start3A_549] : memref<2x200x128xf32, #tpu.memory_space<vmem>> -> memref<1x200x128xf32, #tpu.memory_space<vmem>>
    %dma_start3A_551 = tpu.memref_squeeze %dma_start3A_550 : memref<1x200x128xf32, #tpu.memory_space<vmem>> -> memref<200x128xf32, #tpu.memory_space<vmem>>
    tpu.enqueue_dma source(%dma_start3A_551 : memref<200x128xf32, #tpu.memory_space<vmem>>) target(%dma_start3A_547 : memref<200x128xf32, #tpu.memory_space<hbm>>) target_semaphore(%arg14 : memref<!tpu.dma_semaphore, #tpu.memory_space<semaphore_mem>>)
    %get3A_552 = arith.constant 600 : index
    %get3A_553 = tpu.vector_load %arg6[%get3A_552] {strides = array<i32>} : memref<25600xi32, #tpu.memory_space<vmem>>, vector<16xi32>,
    %get3A_554 = vector.shape_cast %get3A_553 : vector<16xi32> to vector<16xi32>
    %swap3A_555 = arith.constant 1 : i32
    %swap3A_556 = arith.index_cast %swap3A_555 : i32 to index
    %swap3A_557 = arith.constant 0 : index
    %swap3A_558 = tpu.vector_load %arg7[%swap3A_556, %swap3A_557] {strides = array<i32>} : memref<2x128xi32, #tpu.memory_space<vmem>>, vector<1x16xi32>,
    %swap3A_559 = vector.shape_cast %swap3A_558 : vector<1x16xi32> to vector<16xi32>
    %swap3A_560 = vector.shape_cast %get3A_554 : vector<16xi32> to vector<1x16xi32>
    tpu.vector_store %arg7[%swap3A_556, %swap3A_557], %swap3A_560 {strides = array<i32>} : memref<2x128xi32, #tpu.memory_space<vmem>>, vector<1x16xi32>,
    %get3A_561 = arith.constant 616 : index
    %get3A_562 = tpu.vector_load %arg6[%get3A_561] {strides = array<i32>} : memref<25600xi32, #tpu.memory_space<vmem>>, vector<16xi32>,
    %get3A_563 = vector.shape_cast %get3A_562 : vector<16xi32> to vector<16xi32>
    %swap3A_564 = arith.constant 1 : i32
    %swap3A_565 = arith.index_cast %swap3A_564 : i32 to index
    %swap3A_566 = arith.constant 16 : index
    %swap3A_567 = tpu.vector_load %arg7[%swap3A_565, %swap3A_566] {strides = array<i32>} : memref<2x128xi32, #tpu.memory_space<vmem>>, vector<1x16xi32>,
    %swap3A_568 = vector.shape_cast %swap3A_567 : vector<1x16xi32> to vector<16xi32>
    %swap3A_569 = vector.shape_cast %get3A_563 : vector<16xi32> to vector<1x16xi32>
    tpu.vector_store %arg7[%swap3A_565, %swap3A_566], %swap3A_569 {strides = array<i32>} : memref<2x128xi32, #tpu.memory_space<vmem>>, vector<1x16xi32>,
    %get3A_570 = arith.constant 632 : index
    %get3A_571 = tpu.vector_load %arg6[%get3A_570] {strides = array<i32>} : memref<25600xi32, #tpu.memory_space<vmem>>, vector<16xi32>,
    %get3A_572 = vector.shape_cast %get3A_571 : vector<16xi32> to vector<16xi32>
    %swap3A_573 = arith.constant 1 : i32
    %swap3A_574 = arith.index_cast %swap3A_573 : i32 to index
    %swap3A_575 = arith.constant 32 : index
    %swap3A_576 = tpu.vector_load %arg7[%swap3A_574, %swap3A_575] {strides = array<i32>} : memref<2x128xi32, #tpu.memory_space<vmem>>, vector<1x16xi32>,
    %swap3A_577 = vector.shape_cast %swap3A_576 : vector<1x16xi32> to vector<16xi32>
    %swap3A_578 = vector.shape_cast %get3A_572 : vector<16xi32> to vector<1x16xi32>
    tpu.vector_store %arg7[%swap3A_574, %swap3A_575], %swap3A_578 {strides = array<i32>} : memref<2x128xi32, #tpu.memory_space<vmem>>, vector<1x16xi32>,
    %get3A_579 = arith.constant 648 : index
    %get3A_580 = tpu.vector_load %arg6[%get3A_579] {strides = array<i32>} : memref<25600xi32, #tpu.memory_space<vmem>>, vector<16xi32>,
    %get3A_581 = vector.shape_cast %get3A_580 : vector<16xi32> to vector<16xi32>
    %swap3A_582 = arith.constant 1 : i32
    %swap3A_583 = arith.index_cast %swap3A_582 : i32 to index
    %swap3A_584 = arith.constant 48 : index
    %swap3A_585 = tpu.vector_load %arg7[%swap3A_583, %swap3A_584] {strides = array<i32>} : memref<2x128xi32, #tpu.memory_space<vmem>>, vector<1x16xi32>,
    %swap3A_586 = vector.shape_cast %swap3A_585 : vector<1x16xi32> to vector<16xi32>
    %swap3A_587 = vector.shape_cast %get3A_581 : vector<16xi32> to vector<1x16xi32>
    tpu.vector_store %arg7[%swap3A_583, %swap3A_584], %swap3A_587 {strides = array<i32>} : memref<2x128xi32, #tpu.memory_space<vmem>>, vector<1x16xi32>,
    %get3A_588 = arith.constant 664 : index
    %get3A_589 = tpu.vector_load %arg6[%get3A_588] {strides = array<i32>} : memref<25600xi32, #tpu.memory_space<vmem>>, vector<16xi32>,
    %get3A_590 = vector.shape_cast %get3A_589 : vector<16xi32> to vector<16xi32>
    %swap3A_591 = arith.constant 1 : i32
    %swap3A_592 = arith.index_cast %swap3A_591 : i32 to index
    %swap3A_593 = arith.constant 64 : index
    %swap3A_594 = tpu.vector_load %arg7[%swap3A_592, %swap3A_593] {strides = array<i32>} : memref<2x128xi32, #tpu.memory_space<vmem>>, vector<1x16xi32>,
    %swap3A_595 = vector.shape_cast %swap3A_594 : vector<1x16xi32> to vector<16xi32>
    %swap3A_596 = vector.shape_cast %get3A_590 : vector<16xi32> to vector<1x16xi32>
    tpu.vector_store %arg7[%swap3A_592, %swap3A_593], %swap3A_596 {strides = array<i32>} : memref<2x128xi32, #tpu.memory_space<vmem>>, vector<1x16xi32>,
    %get3A_597 = arith.constant 680 : index
    %get3A_598 = tpu.vector_load %arg6[%get3A_597] {strides = array<i32>} : memref<25600xi32, #tpu.memory_space<vmem>>, vector<16xi32>,
    %get3A_599 = vector.shape_cast %get3A_598 : vector<16xi32> to vector<16xi32>
    %swap3A_600 = arith.constant 1 : i32
    %swap3A_601 = arith.index_cast %swap3A_600 : i32 to index
    %swap3A_602 = arith.constant 80 : index
    %swap3A_603 = tpu.vector_load %arg7[%swap3A_601, %swap3A_602] {strides = array<i32>} : memref<2x128xi32, #tpu.memory_space<vmem>>, vector<1x16xi32>,
    %swap3A_604 = vector.shape_cast %swap3A_603 : vector<1x16xi32> to vector<16xi32>
    %swap3A_605 = vector.shape_cast %get3A_599 : vector<16xi32> to vector<1x16xi32>
    tpu.vector_store %arg7[%swap3A_601, %swap3A_602], %swap3A_605 {strides = array<i32>} : memref<2x128xi32, #tpu.memory_space<vmem>>, vector<1x16xi32>,
    %get3A_606 = arith.constant 696 : index
    %get3A_607 = tpu.vector_load %arg6[%get3A_606] {strides = array<i32>} : memref<25600xi32, #tpu.memory_space<vmem>>, vector<16xi32>,
    %get3A_608 = vector.shape_cast %get3A_607 : vector<16xi32> to vector<16xi32>
    %swap3A_609 = arith.constant 1 : i32
    %swap3A_610 = arith.index_cast %swap3A_609 : i32 to index
    %swap3A_611 = arith.constant 96 : index
    %swap3A_612 = tpu.vector_load %arg7[%swap3A_610, %swap3A_611] {strides = array<i32>} : memref<2x128xi32, #tpu.memory_space<vmem>>, vector<1x16xi32>,
    %swap3A_613 = vector.shape_cast %swap3A_612 : vector<1x16xi32> to vector<16xi32>
    %swap3A_614 = vector.shape_cast %get3A_608 : vector<16xi32> to vector<1x16xi32>
    tpu.vector_store %arg7[%swap3A_610, %swap3A_611], %swap3A_614 {strides = array<i32>} : memref<2x128xi32, #tpu.memory_space<vmem>>, vector<1x16xi32>,
    %get3A_615 = arith.constant 712 : index
    %get3A_616 = tpu.vector_load %arg6[%get3A_615] {strides = array<i32>} : memref<25600xi32, #tpu.memory_space<vmem>>, vector<16xi32>,
    %get3A_617 = vector.shape_cast %get3A_616 : vector<16xi32> to vector<16xi32>
    %swap3A_618 = arith.constant 1 : i32
    %swap3A_619 = arith.index_cast %swap3A_618 : i32 to index
    %swap3A_620 = arith.constant 112 : index
    %swap3A_621 = tpu.vector_load %arg7[%swap3A_619, %swap3A_620] {strides = array<i32>} : memref<2x128xi32, #tpu.memory_space<vmem>>, vector<1x16xi32>,
    %swap3A_622 = vector.shape_cast %swap3A_621 : vector<1x16xi32> to vector<16xi32>
    %swap3A_623 = vector.shape_cast %get3A_617 : vector<16xi32> to vector<1x16xi32>
    tpu.vector_store %arg7[%swap3A_619, %swap3A_620], %swap3A_623 {strides = array<i32>} : memref<2x128xi32, #tpu.memory_space<vmem>>, vector<1x16xi32>,
    %get3A_624 = arith.constant 728 : index
    %get3A_625 = tpu.vector_load %arg6[%get3A_624] {strides = array<i32>} : memref<25600xi32, #tpu.memory_space<vmem>>, vector<16xi32>,
    %get3A_626 = vector.shape_cast %get3A_625 : vector<16xi32> to vector<16xi32>
    %swap3A_627 = arith.constant 1 : i32
    %swap3A_628 = arith.index_cast %swap3A_627 : i32 to index
    %swap3A_629 = arith.constant 0 : index
    %swap3A_630 = tpu.vector_load %arg8[%swap3A_628, %swap3A_629] {strides = array<i32>} : memref<2x72xi32, #tpu.memory_space<vmem>>, vector<1x16xi32>,
    %swap3A_631 = vector.shape_cast %swap3A_630 : vector<1x16xi32> to vector<16xi32>
    %swap3A_632 = vector.shape_cast %get3A_626 : vector<16xi32> to vector<1x16xi32>
    tpu.vector_store %arg8[%swap3A_628, %swap3A_629], %swap3A_632 {strides = array<i32>} : memref<2x72xi32, #tpu.memory_space<vmem>>, vector<1x16xi32>,
    %get3A_633 = arith.constant 744 : index
    %get3A_634 = tpu.vector_load %arg6[%get3A_633] {strides = array<i32>} : memref<25600xi32, #tpu.memory_space<vmem>>, vector<16xi32>,
    %get3A_635 = vector.shape_cast %get3A_634 : vector<16xi32> to vector<16xi32>
    %swap3A_636 = arith.constant 1 : i32
    %swap3A_637 = arith.index_cast %swap3A_636 : i32 to index
    %swap3A_638 = arith.constant 16 : index
    %swap3A_639 = tpu.vector_load %arg8[%swap3A_637, %swap3A_638] {strides = array<i32>} : memref<2x72xi32, #tpu.memory_space<vmem>>, vector<1x16xi32>,
    %swap3A_640 = vector.shape_cast %swap3A_639 : vector<1x16xi32> to vector<16xi32>
    %swap3A_641 = vector.shape_cast %get3A_635 : vector<16xi32> to vector<1x16xi32>
    tpu.vector_store %arg8[%swap3A_637, %swap3A_638], %swap3A_641 {strides = array<i32>} : memref<2x72xi32, #tpu.memory_space<vmem>>, vector<1x16xi32>,
    %get3A_642 = arith.constant 760 : index
    %get3A_643 = tpu.vector_load %arg6[%get3A_642] {strides = array<i32>} : memref<25600xi32, #tpu.memory_space<vmem>>, vector<16xi32>,
    %get3A_644 = vector.shape_cast %get3A_643 : vector<16xi32> to vector<16xi32>
    %swap3A_645 = arith.constant 1 : i32
    %swap3A_646 = arith.index_cast %swap3A_645 : i32 to index
    %swap3A_647 = arith.constant 32 : index
    %swap3A_648 = tpu.vector_load %arg8[%swap3A_646, %swap3A_647] {strides = array<i32>} : memref<2x72xi32, #tpu.memory_space<vmem>>, vector<1x16xi32>,
    %swap3A_649 = vector.shape_cast %swap3A_648 : vector<1x16xi32> to vector<16xi32>
    %swap3A_650 = vector.shape_cast %get3A_644 : vector<16xi32> to vector<1x16xi32>
    tpu.vector_store %arg8[%swap3A_646, %swap3A_647], %swap3A_650 {strides = array<i32>} : memref<2x72xi32, #tpu.memory_space<vmem>>, vector<1x16xi32>,
    %get3A_651 = arith.constant 776 : index
    %get3A_652 = tpu.vector_load %arg6[%get3A_651] {strides = array<i32>} : memref<25600xi32, #tpu.memory_space<vmem>>, vector<16xi32>,
    %get3A_653 = vector.shape_cast %get3A_652 : vector<16xi32> to vector<16xi32>
    %swap3A_654 = arith.constant 1 : i32
    %swap3A_655 = arith.index_cast %swap3A_654 : i32 to index
    %swap3A_656 = arith.constant 48 : index
    %swap3A_657 = tpu.vector_load %arg8[%swap3A_655, %swap3A_656] {strides = array<i32>} : memref<2x72xi32, #tpu.memory_space<vmem>>, vector<1x16xi32>,
    %swap3A_658 = vector.shape_cast %swap3A_657 : vector<1x16xi32> to vector<16xi32>
    %swap3A_659 = vector.shape_cast %get3A_653 : vector<16xi32> to vector<1x16xi32>
    tpu.vector_store %arg8[%swap3A_655, %swap3A_656], %swap3A_659 {strides = array<i32>} : memref<2x72xi32, #tpu.memory_space<vmem>>, vector<1x16xi32>,
    %get3A_660 = arith.constant 784 : index
    %get3A_661 = tpu.vector_load %arg6[%get3A_660] {strides = array<i32>} : memref<25600xi32, #tpu.memory_space<vmem>>, vector<16xi32>,
    %get3A_662 = vector.shape_cast %get3A_661 : vector<16xi32> to vector<16xi32>
    %swap3A_663 = arith.constant 1 : i32
    %swap3A_664 = arith.index_cast %swap3A_663 : i32 to index
    %swap3A_665 = arith.constant 56 : index
    %swap3A_666 = tpu.vector_load %arg8[%swap3A_664, %swap3A_665] {strides = array<i32>} : memref<2x72xi32, #tpu.memory_space<vmem>>, vector<1x16xi32>,
    %swap3A_667 = vector.shape_cast %swap3A_666 : vector<1x16xi32> to vector<16xi32>
    %swap3A_668 = vector.shape_cast %get3A_662 : vector<16xi32> to vector<1x16xi32>
    tpu.vector_store %arg8[%swap3A_664, %swap3A_665], %swap3A_668 {strides = array<i32>} : memref<2x72xi32, #tpu.memory_space<vmem>>, vector<1x16xi32>,
    %dma_start3A_669 = arith.constant 1 : i32
    %dma_start3A_670 = arith.constant 1 : i32
    %dma_start3A_671 = arith.constant 0 : i32
    %dma_start3A_672 = arith.constant 0 : i32
    %dma_start3A_673 = tpu.memref_slice %arg9[%dma_start3A_670, %dma_start3A_671, %dma_start3A_672] : memref<2x200x128xf32, #tpu.memory_space<vmem>> -> memref<1x200x128xf32, #tpu.memory_space<vmem>>
    %dma_start3A_674 = tpu.memref_squeeze %dma_start3A_673 : memref<1x200x128xf32, #tpu.memory_space<vmem>> -> memref<200x128xf32, #tpu.memory_space<vmem>>
    %dma_start3A_675 = arith.constant 0 : i32
    %dma_start3A_676 = arith.constant 0 : i32
    %dma_start3A_677 = tpu.memref_slice %dma_start3A_674[%dma_start3A_675, %dma_start3A_676] : memref<200x128xf32, #tpu.memory_space<vmem>> -> memref<128x128xf32, #tpu.memory_space<vmem>>
    %dma_start3A_678 = arith.constant 0 : i32
    %dma_start3A_679 = tpu.memref_slice %arg7[%dma_start3A_669, %dma_start3A_678] : memref<2x128xi32, #tpu.memory_space<vmem>> -> memref<1x128xi32, #tpu.memory_space<vmem>>
    %dma_start3A_680 = tpu.memref_squeeze %dma_start3A_679 : memref<1x128xi32, #tpu.memory_space<vmem>> -> memref<128xi32, #tpu.memory_space<vmem>>
    %dma_start3A_681 = arith.constant 0 : i32
    %dma_start3A_682 = arith.constant 0 : i32
    %dma_start3A_683 = tpu.memref_slice %arg3[%dma_start3A_681, %dma_start3A_682] : memref<1000000x128xf32, #tpu.memory_space<hbm>> -> memref<1000000x128xf32, #tpu.memory_space<hbm>>
    tpu.enqueue_indirect_dma source(%dma_start3A_683 : memref<1000000x128xf32, #tpu.memory_space<hbm>>) target(%dma_start3A_677 : memref<128x128xf32, #tpu.memory_space<vmem>>) offsets(%dma_start3A_680 : memref<128xi32, #tpu.memory_space<vmem>>) semaphore(%arg12 : memref<!tpu.dma_semaphore, #tpu.memory_space<semaphore_mem>>)
    %dma_start3A_684 = arith.constant 1 : i32
    %dma_start3A_685 = arith.constant 1 : i32
    %dma_start3A_686 = arith.constant 0 : i32
    %dma_start3A_687 = arith.constant 0 : i32
    %dma_start3A_688 = tpu.memref_slice %arg9[%dma_start3A_685, %dma_start3A_686, %dma_start3A_687] : memref<2x200x128xf32, #tpu.memory_space<vmem>> -> memref<1x200x128xf32, #tpu.memory_space<vmem>>
    %dma_start3A_689 = tpu.memref_squeeze %dma_start3A_688 : memref<1x200x128xf32, #tpu.memory_space<vmem>> -> memref<200x128xf32, #tpu.memory_space<vmem>>
    %dma_start3A_690 = arith.constant 128 : i32
    %dma_start3A_691 = arith.constant 0 : i32
    %dma_start3A_692 = tpu.memref_slice %dma_start3A_689[%dma_start3A_690, %dma_start3A_691] : memref<200x128xf32, #tpu.memory_space<vmem>> -> memref<72x128xf32, #tpu.memory_space<vmem>>
    %dma_start3A_693 = arith.constant 0 : i32
    %dma_start3A_694 = tpu.memref_slice %arg8[%dma_start3A_684, %dma_start3A_693] : memref<2x72xi32, #tpu.memory_space<vmem>> -> memref<1x72xi32, #tpu.memory_space<vmem>>
    %dma_start3A_695 = tpu.memref_squeeze %dma_start3A_694 : memref<1x72xi32, #tpu.memory_space<vmem>> -> memref<72xi32, #tpu.memory_space<vmem>>
    %dma_start3A_696 = arith.constant 0 : i32
    %dma_start3A_697 = arith.constant 0 : i32
    %dma_start3A_698 = tpu.memref_slice %arg3[%dma_start3A_696, %dma_start3A_697] : memref<1000000x128xf32, #tpu.memory_space<hbm>> -> memref<1000000x128xf32, #tpu.memory_space<hbm>>
    tpu.enqueue_indirect_dma source(%dma_start3A_698 : memref<1000000x128xf32, #tpu.memory_space<hbm>>) target(%dma_start3A_692 : memref<72x128xf32, #tpu.memory_space<vmem>>) offsets(%dma_start3A_695 : memref<72xi32, #tpu.memory_space<vmem>>) semaphore(%arg12 : memref<!tpu.dma_semaphore, #tpu.memory_space<semaphore_mem>>)
    %scan3A_699 = arith.constant 0 : i32
    %scan3A_700 = arith.constant 1 : i32
    %scan3A_701 = arith.constant 63 : i32
    %scan3A_702 = arith.addi %scan3A_700, %scan3A_701 : i32
    %scan3A_703 = arith.constant 1 : i32
    scf.for %scan3A_743 = %scan3A_700 to %scan3A_702 step %scan3A_703  : i32 {
      %mul3A_744 = arith.constant 2 : i32
      %mul3A_745 = arith.muli %mul3A_744, %scan3A_743 : i32
      %add3A_746 = arith.constant 0 : i32
      %add3A_747 = arith.addi %mul3A_745, %add3A_746 : i32
      %dma_wait3A_748 = arith.constant 0 : i32
      %dma_wait3A_749 = arith.constant 0 : i32
      %dma_wait3A_750 = arith.constant 0 : i32
      %dma_wait3A_751 = arith.constant 0 : i32
      %dma_wait3A_752 = tpu.memref_slice %arg9[%dma_wait3A_749, %dma_wait3A_750, %dma_wait3A_751] : memref<2x200x128xf32, #tpu.memory_space<vmem>> -> memref<1x200x128xf32, #tpu.memory_space<vmem>>
      %dma_wait3A_753 = tpu.memref_squeeze %dma_wait3A_752 : memref<1x200x128xf32, #tpu.memory_space<vmem>> -> memref<200x128xf32, #tpu.memory_space<vmem>>
      %dma_wait3A_754 = arith.constant 0 : i32
      %dma_wait3A_755 = arith.constant 0 : i32
      %dma_wait3A_756 = tpu.memref_slice %dma_wait3A_753[%dma_wait3A_754, %dma_wait3A_755] : memref<200x128xf32, #tpu.memory_space<vmem>> -> memref<128x128xf32, #tpu.memory_space<vmem>>
      %dma_wait3A_757 = arith.constant 0 : i32
      %dma_wait3A_758 = tpu.memref_slice %arg7[%dma_wait3A_748, %dma_wait3A_757] : memref<2x128xi32, #tpu.memory_space<vmem>> -> memref<1x128xi32, #tpu.memory_space<vmem>>
      %dma_wait3A_759 = tpu.memref_squeeze %dma_wait3A_758 : memref<1x128xi32, #tpu.memory_space<vmem>> -> memref<128xi32, #tpu.memory_space<vmem>>
      %dma_wait3A_760 = arith.constant 0 : i32
      %dma_wait3A_761 = arith.constant 0 : i32
      %dma_wait3A_762 = tpu.memref_slice %arg3[%dma_wait3A_760, %dma_wait3A_761] : memref<1000000x128xf32, #tpu.memory_space<hbm>> -> memref<1000000x128xf32, #tpu.memory_space<hbm>>
      tpu.wait_indirect_dma semaphore(%arg11 : memref<!tpu.dma_semaphore, #tpu.memory_space<semaphore_mem>>) src(%dma_wait3A_762 : memref<1000000x128xf32, #tpu.memory_space<hbm>>) dst(%dma_wait3A_756 : memref<128x128xf32, #tpu.memory_space<vmem>>)
      %dma_wait3A_763 = arith.constant 0 : i32
      %dma_wait3A_764 = arith.constant 0 : i32
      %dma_wait3A_765 = arith.constant 0 : i32
      %dma_wait3A_766 = arith.constant 0 : i32
      %dma_wait3A_767 = tpu.memref_slice %arg9[%dma_wait3A_764, %dma_wait3A_765, %dma_wait3A_766] : memref<2x200x128xf32, #tpu.memory_space<vmem>> -> memref<1x200x128xf32, #tpu.memory_space<vmem>>
      %dma_wait3A_768 = tpu.memref_squeeze %dma_wait3A_767 : memref<1x200x128xf32, #tpu.memory_space<vmem>> -> memref<200x128xf32, #tpu.memory_space<vmem>>
      %dma_wait3A_769 = arith.constant 128 : i32
      %dma_wait3A_770 = arith.constant 0 : i32
      %dma_wait3A_771 = tpu.memref_slice %dma_wait3A_768[%dma_wait3A_769, %dma_wait3A_770] : memref<200x128xf32, #tpu.memory_space<vmem>> -> memref<72x128xf32, #tpu.memory_space<vmem>>
      %dma_wait3A_772 = arith.constant 0 : i32
      %dma_wait3A_773 = tpu.memref_slice %arg8[%dma_wait3A_763, %dma_wait3A_772] : memref<2x72xi32, #tpu.memory_space<vmem>> -> memref<1x72xi32, #tpu.memory_space<vmem>>
      %dma_wait3A_774 = tpu.memref_squeeze %dma_wait3A_773 : memref<1x72xi32, #tpu.memory_space<vmem>> -> memref<72xi32, #tpu.memory_space<vmem>>
      %dma_wait3A_775 = arith.constant 0 : i32
      %dma_wait3A_776 = arith.constant 0 : i32
      %dma_wait3A_777 = tpu.memref_slice %arg3[%dma_wait3A_775, %dma_wait3A_776] : memref<1000000x128xf32, #tpu.memory_space<hbm>> -> memref<1000000x128xf32, #tpu.memory_space<hbm>>
      tpu.wait_indirect_dma semaphore(%arg11 : memref<!tpu.dma_semaphore, #tpu.memory_space<semaphore_mem>>) src(%dma_wait3A_777 : memref<1000000x128xf32, #tpu.memory_space<hbm>>) dst(%dma_wait3A_771 : memref<72x128xf32, #tpu.memory_space<vmem>>)
      %sub3A = arith.constant 2 : i32
      %sub3A_778 = arith.subi %add3A_747, %sub3A : i32
      %add3A_779 = arith.addi %mul3A_2, %sub3A_778 : i32
      %dma_wait3A_780 = arith.constant 0 : i32
      %dma_wait3A_781 = arith.constant 0 : i32
      %dma_wait3A_782 = arith.constant 0 : i32
      %dma_wait3A_783 = tpu.memref_slice %arg10[%dma_wait3A_780, %dma_wait3A_781, %dma_wait3A_782] : memref<2x200x128xf32, #tpu.memory_space<vmem>> -> memref<1x200x128xf32, #tpu.memory_space<vmem>>
      %dma_wait3A_784 = tpu.memref_squeeze %dma_wait3A_783 : memref<1x200x128xf32, #tpu.memory_space<vmem>> -> memref<200x128xf32, #tpu.memory_space<vmem>>
      %dma_wait3A_785 = arith.constant 0 : i32
      %dma_wait3A_786 = arith.constant 0 : i32
      %dma_wait3A_787 = tpu.memref_slice %arg5[%add3A_779, %dma_wait3A_785, %dma_wait3A_786] : memref<4096x200x128xf32, #tpu.memory_space<hbm>> -> memref<1x200x128xf32, #tpu.memory_space<hbm>>
      %dma_wait3A_788 = tpu.memref_squeeze %dma_wait3A_787 : memref<1x200x128xf32, #tpu.memory_space<hbm>> -> memref<200x128xf32, #tpu.memory_space<hbm>>
      %dma_wait3A_789 = arith.constant 0 : i32
      %dma_wait3A_790 = arith.constant 0 : i32
      %dma_wait3A_791 = tpu.memref_slice %arg5[%add3A_779, %dma_wait3A_789, %dma_wait3A_790] : memref<4096x200x128xf32, #tpu.memory_space<hbm>> -> memref<1x200x128xf32, #tpu.memory_space<hbm>>
      %dma_wait3A_792 = tpu.memref_squeeze %dma_wait3A_791 : memref<1x200x128xf32, #tpu.memory_space<hbm>> -> memref<200x128xf32, #tpu.memory_space<hbm>>
      %dma_wait3A_793 = arith.constant 0 : i32
      %dma_wait3A_794 = arith.constant 0 : i32
      %dma_wait3A_795 = tpu.memref_slice %arg10[%dma_wait3A_780, %dma_wait3A_793, %dma_wait3A_794] : memref<2x200x128xf32, #tpu.memory_space<vmem>> -> memref<1x200x128xf32, #tpu.memory_space<vmem>>
      %dma_wait3A_796 = tpu.memref_squeeze %dma_wait3A_795 : memref<1x200x128xf32, #tpu.memory_space<vmem>> -> memref<200x128xf32, #tpu.memory_space<vmem>>
      tpu.wait_dma2 semaphore(%arg13 : memref<!tpu.dma_semaphore, #tpu.memory_space<semaphore_mem>>) src(%dma_wait3A_796 : memref<200x128xf32, #tpu.memory_space<vmem>>) dst(%dma_wait3A_792 : memref<200x128xf32, #tpu.memory_space<hbm>>)
      %scan3A_797 = arith.constant 0 : i32
      %scan3A_798 = arith.constant 0 : i32
      %scan3A_799 = arith.constant 100 : i32
      %scan3A_800 = arith.addi %scan3A_798, %scan3A_799 : i32
      %scan3A_801 = arith.constant 1 : i32
      scf.for %scan3A_910 = %scan3A_798 to %scan3A_800 step %scan3A_801  : i32 {
        %mul3A_911 = arith.constant 2 : i32
        %mul3A_912 = arith.muli %scan3A_910, %mul3A_911 : i32
        %add3A_913 = arith.constant 0 : i32
        %add3A_914 = arith.addi %mul3A_912, %add3A_913 : i32
        %get3A_915 = arith.constant 0 : i32
        %get3A_916 = arith.index_cast %get3A_915 : i32 to index
        %get3A_917 = arith.index_cast %add3A_914 : i32 to index
        %get3A_918 = arith.constant 0 : index
        %get3A_919 = tpu.vector_load %arg9[%get3A_916, %get3A_917, %get3A_918] {strides = array<i32>} : memref<2x200x128xf32, #tpu.memory_space<vmem>>, vector<1x1x16xf32>,
        %get3A_920 = vector.shape_cast %get3A_919 : vector<1x1x16xf32> to vector<16xf32>
        %swap3A_921 = arith.constant 0 : i32
        %swap3A_922 = arith.index_cast %swap3A_921 : i32 to index
        %swap3A_923 = arith.index_cast %add3A_914 : i32 to index
        %swap3A_924 = arith.constant 64 : index
        %swap3A_925 = tpu.vector_load %arg10[%swap3A_922, %swap3A_923, %swap3A_924] {strides = array<i32>} : memref<2x200x128xf32, #tpu.memory_space<vmem>>, vector<1x1x16xf32>,
        %swap3A_926 = vector.shape_cast %swap3A_925 : vector<1x1x16xf32> to vector<16xf32>
        %swap3A_927 = vector.shape_cast %get3A_920 : vector<16xf32> to vector<1x1x16xf32>
        tpu.vector_store %arg10[%swap3A_922, %swap3A_923, %swap3A_924], %swap3A_927 {strides = array<i32>} : memref<2x200x128xf32, #tpu.memory_space<vmem>>, vector<1x1x16xf32>,
        %get3A_928 = arith.constant 0 : i32
        %get3A_929 = arith.index_cast %get3A_928 : i32 to index
        %get3A_930 = arith.index_cast %add3A_914 : i32 to index
        %get3A_931 = arith.constant 16 : index
        %get3A_932 = tpu.vector_load %arg9[%get3A_929, %get3A_930, %get3A_931] {strides = array<i32>} : memref<2x200x128xf32, #tpu.memory_space<vmem>>, vector<1x1x16xf32>,
        %get3A_933 = vector.shape_cast %get3A_932 : vector<1x1x16xf32> to vector<16xf32>
        %swap3A_934 = arith.constant 0 : i32
        %swap3A_935 = arith.index_cast %swap3A_934 : i32 to index
        %swap3A_936 = arith.index_cast %add3A_914 : i32 to index
        %swap3A_937 = arith.constant 80 : index
        %swap3A_938 = tpu.vector_load %arg10[%swap3A_935, %swap3A_936, %swap3A_937] {strides = array<i32>} : memref<2x200x128xf32, #tpu.memory_space<vmem>>, vector<1x1x16xf32>,
        %swap3A_939 = vector.shape_cast %swap3A_938 : vector<1x1x16xf32> to vector<16xf32>
        %swap3A_940 = vector.shape_cast %get3A_933 : vector<16xf32> to vector<1x1x16xf32>
        tpu.vector_store %arg10[%swap3A_935, %swap3A_936, %swap3A_937], %swap3A_940 {strides = array<i32>} : memref<2x200x128xf32, #tpu.memory_space<vmem>>, vector<1x1x16xf32>,
        %get3A_941 = arith.constant 0 : i32
        %get3A_942 = arith.index_cast %get3A_941 : i32 to index
        %get3A_943 = arith.index_cast %add3A_914 : i32 to index
        %get3A_944 = arith.constant 32 : index
        %get3A_945 = tpu.vector_load %arg9[%get3A_942, %get3A_943, %get3A_944] {strides = array<i32>} : memref<2x200x128xf32, #tpu.memory_space<vmem>>, vector<1x1x16xf32>,
        %get3A_946 = vector.shape_cast %get3A_945 : vector<1x1x16xf32> to vector<16xf32>
        %swap3A_947 = arith.constant 0 : i32
        %swap3A_948 = arith.index_cast %swap3A_947 : i32 to index
        %swap3A_949 = arith.index_cast %add3A_914 : i32 to index
        %swap3A_950 = arith.constant 96 : index
        %swap3A_951 = tpu.vector_load %arg10[%swap3A_948, %swap3A_949, %swap3A_950] {strides = array<i32>} : memref<2x200x128xf32, #tpu.memory_space<vmem>>, vector<1x1x16xf32>,
        %swap3A_952 = vector.shape_cast %swap3A_951 : vector<1x1x16xf32> to vector<16xf32>
        %swap3A_953 = vector.shape_cast %get3A_946 : vector<16xf32> to vector<1x1x16xf32>
        tpu.vector_store %arg10[%swap3A_948, %swap3A_949, %swap3A_950], %swap3A_953 {strides = array<i32>} : memref<2x200x128xf32, #tpu.memory_space<vmem>>, vector<1x1x16xf32>,
        %get3A_954 = arith.constant 0 : i32
        %get3A_955 = arith.index_cast %get3A_954 : i32 to index
        %get3A_956 = arith.index_cast %add3A_914 : i32 to index
        %get3A_957 = arith.constant 48 : index
        %get3A_958 = tpu.vector_load %arg9[%get3A_955, %get3A_956, %get3A_957] {strides = array<i32>} : memref<2x200x128xf32, #tpu.memory_space<vmem>>, vector<1x1x16xf32>,
        %get3A_959 = vector.shape_cast %get3A_958 : vector<1x1x16xf32> to vector<16xf32>
        %swap3A_960 = arith.constant 0 : i32
        %swap3A_961 = arith.index_cast %swap3A_960 : i32 to index
        %swap3A_962 = arith.index_cast %add3A_914 : i32 to index
        %swap3A_963 = arith.constant 112 : index
        %swap3A_964 = tpu.vector_load %arg10[%swap3A_961, %swap3A_962, %swap3A_963] {strides = array<i32>} : memref<2x200x128xf32, #tpu.memory_space<vmem>>, vector<1x1x16xf32>,
        %swap3A_965 = vector.shape_cast %swap3A_964 : vector<1x1x16xf32> to vector<16xf32>
        %swap3A_966 = vector.shape_cast %get3A_959 : vector<16xf32> to vector<1x1x16xf32>
        tpu.vector_store %arg10[%swap3A_961, %swap3A_962, %swap3A_963], %swap3A_966 {strides = array<i32>} : memref<2x200x128xf32, #tpu.memory_space<vmem>>, vector<1x1x16xf32>,
        %mul3A_967 = arith.constant 2 : i32
        %mul3A_968 = arith.muli %scan3A_910, %mul3A_967 : i32
        %add3A_969 = arith.constant 1 : i32
        %add3A_970 = arith.addi %mul3A_968, %add3A_969 : i32
        %get3A_971 = arith.constant 0 : i32
        %get3A_972 = arith.index_cast %get3A_971 : i32 to index
        %get3A_973 = arith.index_cast %add3A_970 : i32 to index
        %get3A_974 = arith.constant 0 : index
        %get3A_975 = tpu.vector_load %arg9[%get3A_972, %get3A_973, %get3A_974] {strides = array<i32>} : memref<2x200x128xf32, #tpu.memory_space<vmem>>, vector<1x1x16xf32>,
        %get3A_976 = vector.shape_cast %get3A_975 : vector<1x1x16xf32> to vector<16xf32>
        %swap3A_977 = arith.constant 0 : i32
        %swap3A_978 = arith.index_cast %swap3A_977 : i32 to index
        %swap3A_979 = arith.index_cast %add3A_970 : i32 to index
        %swap3A_980 = arith.constant 64 : index
        %swap3A_981 = tpu.vector_load %arg10[%swap3A_978, %swap3A_979, %swap3A_980] {strides = array<i32>} : memref<2x200x128xf32, #tpu.memory_space<vmem>>, vector<1x1x16xf32>,
        %swap3A_982 = vector.shape_cast %swap3A_981 : vector<1x1x16xf32> to vector<16xf32>
        %swap3A_983 = vector.shape_cast %get3A_976 : vector<16xf32> to vector<1x1x16xf32>
        tpu.vector_store %arg10[%swap3A_978, %swap3A_979, %swap3A_980], %swap3A_983 {strides = array<i32>} : memref<2x200x128xf32, #tpu.memory_space<vmem>>, vector<1x1x16xf32>,
        %get3A_984 = arith.constant 0 : i32
        %get3A_985 = arith.index_cast %get3A_984 : i32 to index
        %get3A_986 = arith.index_cast %add3A_970 : i32 to index
        %get3A_987 = arith.constant 16 : index
        %get3A_988 = tpu.vector_load %arg9[%get3A_985, %get3A_986, %get3A_987] {strides = array<i32>} : memref<2x200x128xf32, #tpu.memory_space<vmem>>, vector<1x1x16xf32>,
        %get3A_989 = vector.shape_cast %get3A_988 : vector<1x1x16xf32> to vector<16xf32>
        %swap3A_990 = arith.constant 0 : i32
        %swap3A_991 = arith.index_cast %swap3A_990 : i32 to index
        %swap3A_992 = arith.index_cast %add3A_970 : i32 to index
        %swap3A_993 = arith.constant 80 : index
        %swap3A_994 = tpu.vector_load %arg10[%swap3A_991, %swap3A_992, %swap3A_993] {strides = array<i32>} : memref<2x200x128xf32, #tpu.memory_space<vmem>>, vector<1x1x16xf32>,
        %swap3A_995 = vector.shape_cast %swap3A_994 : vector<1x1x16xf32> to vector<16xf32>
        %swap3A_996 = vector.shape_cast %get3A_989 : vector<16xf32> to vector<1x1x16xf32>
        tpu.vector_store %arg10[%swap3A_991, %swap3A_992, %swap3A_993], %swap3A_996 {strides = array<i32>} : memref<2x200x128xf32, #tpu.memory_space<vmem>>, vector<1x1x16xf32>,
        %get3A_997 = arith.constant 0 : i32
        %get3A_998 = arith.index_cast %get3A_997 : i32 to index
        %get3A_999 = arith.index_cast %add3A_970 : i32 to index
        %get3A_1000 = arith.constant 32 : index
        %get3A_1001 = tpu.vector_load %arg9[%get3A_998, %get3A_999, %get3A_1000] {strides = array<i32>} : memref<2x200x128xf32, #tpu.memory_space<vmem>>, vector<1x1x16xf32>,
        %get3A_1002 = vector.shape_cast %get3A_1001 : vector<1x1x16xf32> to vector<16xf32>
        %swap3A_1003 = arith.constant 0 : i32
        %swap3A_1004 = arith.index_cast %swap3A_1003 : i32 to index
        %swap3A_1005 = arith.index_cast %add3A_970 : i32 to index
        %swap3A_1006 = arith.constant 96 : index
        %swap3A_1007 = tpu.vector_load %arg10[%swap3A_1004, %swap3A_1005, %swap3A_1006] {strides = array<i32>} : memref<2x200x128xf32, #tpu.memory_space<vmem>>, vector<1x1x16xf32>,
        %swap3A_1008 = vector.shape_cast %swap3A_1007 : vector<1x1x16xf32> to vector<16xf32>
        %swap3A_1009 = vector.shape_cast %get3A_1002 : vector<16xf32> to vector<1x1x16xf32>
        tpu.vector_store %arg10[%swap3A_1004, %swap3A_1005, %swap3A_1006], %swap3A_1009 {strides = array<i32>} : memref<2x200x128xf32, #tpu.memory_space<vmem>>, vector<1x1x16xf32>,
        %get3A_1010 = arith.constant 0 : i32
        %get3A_1011 = arith.index_cast %get3A_1010 : i32 to index
        %get3A_1012 = arith.index_cast %add3A_970 : i32 to index
        %get3A_1013 = arith.constant 48 : index
        %get3A_1014 = tpu.vector_load %arg9[%get3A_1011, %get3A_1012, %get3A_1013] {strides = array<i32>} : memref<2x200x128xf32, #tpu.memory_space<vmem>>, vector<1x1x16xf32>,
        %get3A_1015 = vector.shape_cast %get3A_1014 : vector<1x1x16xf32> to vector<16xf32>
        %swap3A_1016 = arith.constant 0 : i32
        %swap3A_1017 = arith.index_cast %swap3A_1016 : i32 to index
        %swap3A_1018 = arith.index_cast %add3A_970 : i32 to index
        %swap3A_1019 = arith.constant 112 : index
        %swap3A_1020 = tpu.vector_load %arg10[%swap3A_1017, %swap3A_1018, %swap3A_1019] {strides = array<i32>} : memref<2x200x128xf32, #tpu.memory_space<vmem>>, vector<1x1x16xf32>,
        %swap3A_1021 = vector.shape_cast %swap3A_1020 : vector<1x1x16xf32> to vector<16xf32>
        %swap3A_1022 = vector.shape_cast %get3A_1015 : vector<16xf32> to vector<1x1x16xf32>
        tpu.vector_store %arg10[%swap3A_1017, %swap3A_1018, %swap3A_1019], %swap3A_1022 {strides = array<i32>} : memref<2x200x128xf32, #tpu.memory_space<vmem>>, vector<1x1x16xf32>,
      }
      %scan3A_802 = arith.constant 100 : i32
      %add3A_803 = arith.addi %mul3A_2, %add3A_747 : i32
      %dma_start3A_804 = arith.constant 0 : i32
      %dma_start3A_805 = arith.constant 0 : i32
      %dma_start3A_806 = arith.constant 0 : i32
      %dma_start3A_807 = tpu.memref_slice %arg10[%dma_start3A_804, %dma_start3A_805, %dma_start3A_806] : memref<2x200x128xf32, #tpu.memory_space<vmem>> -> memref<1x200x128xf32, #tpu.memory_space<vmem>>
      %dma_start3A_808 = tpu.memref_squeeze %dma_start3A_807 : memref<1x200x128xf32, #tpu.memory_space<vmem>> -> memref<200x128xf32, #tpu.memory_space<vmem>>
      %dma_start3A_809 = arith.constant 0 : i32
      %dma_start3A_810 = arith.constant 0 : i32
      %dma_start3A_811 = tpu.memref_slice %arg5[%add3A_803, %dma_start3A_809, %dma_start3A_810] : memref<4096x200x128xf32, #tpu.memory_space<hbm>> -> memref<1x200x128xf32, #tpu.memory_space<hbm>>
      %dma_start3A_812 = tpu.memref_squeeze %dma_start3A_811 : memref<1x200x128xf32, #tpu.memory_space<hbm>> -> memref<200x128xf32, #tpu.memory_space<hbm>>
      %dma_start3A_813 = arith.constant 0 : i32
      %dma_start3A_814 = arith.constant 0 : i32
      %dma_start3A_815 = tpu.memref_slice %arg5[%add3A_803, %dma_start3A_813, %dma_start3A_814] : memref<4096x200x128xf32, #tpu.memory_space<hbm>> -> memref<1x200x128xf32, #tpu.memory_space<hbm>>
      %dma_start3A_816 = tpu.memref_squeeze %dma_start3A_815 : memref<1x200x128xf32, #tpu.memory_space<hbm>> -> memref<200x128xf32, #tpu.memory_space<hbm>>
      %dma_start3A_817 = arith.constant 0 : i32
      %dma_start3A_818 = arith.constant 0 : i32
      %dma_start3A_819 = tpu.memref_slice %arg10[%dma_start3A_804, %dma_start3A_817, %dma_start3A_818] : memref<2x200x128xf32, #tpu.memory_space<vmem>> -> memref<1x200x128xf32, #tpu.memory_space<vmem>>
      %dma_start3A_820 = tpu.memref_squeeze %dma_start3A_819 : memref<1x200x128xf32, #tpu.memory_space<vmem>> -> memref<200x128xf32, #tpu.memory_space<vmem>>
      tpu.enqueue_dma source(%dma_start3A_820 : memref<200x128xf32, #tpu.memory_space<vmem>>) target(%dma_start3A_816 : memref<200x128xf32, #tpu.memory_space<hbm>>) target_semaphore(%arg13 : memref<!tpu.dma_semaphore, #tpu.memory_space<semaphore_mem>>)
      %add3A_821 = arith.constant 2 : i32
      %add3A_822 = arith.addi %add3A_747, %add3A_821 : i32
      %lt3A = arith.constant 128 : i32
      %lt3A_823 = arith.cmpi slt, %add3A_822, %lt3A : i32
      %convert_element_type3A = arith.extui %lt3A_823 : i1 to i32
      %cond3A = arith.constant 0 : i32
      %cond3A_824 = arith.cmpi ne, %convert_element_type3A, %cond3A : i32
      scf.if %cond3A_824 {
        %add3A_910 = arith.constant 2 : i32
        %add3A_911 = arith.addi %add3A_747, %add3A_910 : i32
        %mul3A_912 = arith.constant 200 : i32
        %mul3A_913 = arith.muli %add3A_911, %mul3A_912 : i32
        %add3A_914 = arith.constant 0 : i32
        %add3A_915 = arith.addi %mul3A_913, %add3A_914 : i32
        %get3A_916 = arith.index_cast %add3A_915 : i32 to index
        %get3A_917 = tpu.vector_load %arg6[%get3A_916] {strides = array<i32>} : memref<25600xi32, #tpu.memory_space<vmem>>, vector<16xi32>,
        %get3A_918 = vector.shape_cast %get3A_917 : vector<16xi32> to vector<16xi32>
        %swap3A_919 = arith.constant 0 : i32
        %swap3A_920 = arith.index_cast %swap3A_919 : i32 to index
        %swap3A_921 = arith.constant 0 : index
        %swap3A_922 = tpu.vector_load %arg7[%swap3A_920, %swap3A_921] {strides = array<i32>} : memref<2x128xi32, #tpu.memory_space<vmem>>, vector<1x16xi32>,
        %swap3A_923 = vector.shape_cast %swap3A_922 : vector<1x16xi32> to vector<16xi32>
        %swap3A_924 = vector.shape_cast %get3A_918 : vector<16xi32> to vector<1x16xi32>
        tpu.vector_store %arg7[%swap3A_920, %swap3A_921], %swap3A_924 {strides = array<i32>} : memref<2x128xi32, #tpu.memory_space<vmem>>, vector<1x16xi32>,
        %mul3A_925 = arith.constant 200 : i32
        %mul3A_926 = arith.muli %add3A_911, %mul3A_925 : i32
        %add3A_927 = arith.constant 16 : i32
        %add3A_928 = arith.addi %mul3A_926, %add3A_927 : i32
        %get3A_929 = arith.index_cast %add3A_928 : i32 to index
        %get3A_930 = tpu.vector_load %arg6[%get3A_929] {strides = array<i32>} : memref<25600xi32, #tpu.memory_space<vmem>>, vector<16xi32>,
        %get3A_931 = vector.shape_cast %get3A_930 : vector<16xi32> to vector<16xi32>
        %swap3A_932 = arith.constant 0 : i32
        %swap3A_933 = arith.index_cast %swap3A_932 : i32 to index
        %swap3A_934 = arith.constant 16 : index
        %swap3A_935 = tpu.vector_load %arg7[%swap3A_933, %swap3A_934] {strides = array<i32>} : memref<2x128xi32, #tpu.memory_space<vmem>>, vector<1x16xi32>,
        %swap3A_936 = vector.shape_cast %swap3A_935 : vector<1x16xi32> to vector<16xi32>
        %swap3A_937 = vector.shape_cast %get3A_931 : vector<16xi32> to vector<1x16xi32>
        tpu.vector_store %arg7[%swap3A_933, %swap3A_934], %swap3A_937 {strides = array<i32>} : memref<2x128xi32, #tpu.memory_space<vmem>>, vector<1x16xi32>,
        %mul3A_938 = arith.constant 200 : i32
        %mul3A_939 = arith.muli %add3A_911, %mul3A_938 : i32
        %add3A_940 = arith.constant 32 : i32
        %add3A_941 = arith.addi %mul3A_939, %add3A_940 : i32
        %get3A_942 = arith.index_cast %add3A_941 : i32 to index
        %get3A_943 = tpu.vector_load %arg6[%get3A_942] {strides = array<i32>} : memref<25600xi32, #tpu.memory_space<vmem>>, vector<16xi32>,
        %get3A_944 = vector.shape_cast %get3A_943 : vector<16xi32> to vector<16xi32>
        %swap3A_945 = arith.constant 0 : i32
        %swap3A_946 = arith.index_cast %swap3A_945 : i32 to index
        %swap3A_947 = arith.constant 32 : index
        %swap3A_948 = tpu.vector_load %arg7[%swap3A_946, %swap3A_947] {strides = array<i32>} : memref<2x128xi32, #tpu.memory_space<vmem>>, vector<1x16xi32>,
        %swap3A_949 = vector.shape_cast %swap3A_948 : vector<1x16xi32> to vector<16xi32>
        %swap3A_950 = vector.shape_cast %get3A_944 : vector<16xi32> to vector<1x16xi32>
        tpu.vector_store %arg7[%swap3A_946, %swap3A_947], %swap3A_950 {strides = array<i32>} : memref<2x128xi32, #tpu.memory_space<vmem>>, vector<1x16xi32>,
        %mul3A_951 = arith.constant 200 : i32
        %mul3A_952 = arith.muli %add3A_911, %mul3A_951 : i32
        %add3A_953 = arith.constant 48 : i32
        %add3A_954 = arith.addi %mul3A_952, %add3A_953 : i32
        %get3A_955 = arith.index_cast %add3A_954 : i32 to index
        %get3A_956 = tpu.vector_load %arg6[%get3A_955] {strides = array<i32>} : memref<25600xi32, #tpu.memory_space<vmem>>, vector<16xi32>,
        %get3A_957 = vector.shape_cast %get3A_956 : vector<16xi32> to vector<16xi32>
        %swap3A_958 = arith.constant 0 : i32
        %swap3A_959 = arith.index_cast %swap3A_958 : i32 to index
        %swap3A_960 = arith.constant 48 : index
        %swap3A_961 = tpu.vector_load %arg7[%swap3A_959, %swap3A_960] {strides = array<i32>} : memref<2x128xi32, #tpu.memory_space<vmem>>, vector<1x16xi32>,
        %swap3A_962 = vector.shape_cast %swap3A_961 : vector<1x16xi32> to vector<16xi32>
        %swap3A_963 = vector.shape_cast %get3A_957 : vector<16xi32> to vector<1x16xi32>
        tpu.vector_store %arg7[%swap3A_959, %swap3A_960], %swap3A_963 {strides = array<i32>} : memref<2x128xi32, #tpu.memory_space<vmem>>, vector<1x16xi32>,
        %mul3A_964 = arith.constant 200 : i32
        %mul3A_965 = arith.muli %add3A_911, %mul3A_964 : i32
        %add3A_966 = arith.constant 64 : i32
        %add3A_967 = arith.addi %mul3A_965, %add3A_966 : i32
        %get3A_968 = arith.index_cast %add3A_967 : i32 to index
        %get3A_969 = tpu.vector_load %arg6[%get3A_968] {strides = array<i32>} : memref<25600xi32, #tpu.memory_space<vmem>>, vector<16xi32>,
        %get3A_970 = vector.shape_cast %get3A_969 : vector<16xi32> to vector<16xi32>
        %swap3A_971 = arith.constant 0 : i32
        %swap3A_972 = arith.index_cast %swap3A_971 : i32 to index
        %swap3A_973 = arith.constant 64 : index
        %swap3A_974 = tpu.vector_load %arg7[%swap3A_972, %swap3A_973] {strides = array<i32>} : memref<2x128xi32, #tpu.memory_space<vmem>>, vector<1x16xi32>,
        %swap3A_975 = vector.shape_cast %swap3A_974 : vector<1x16xi32> to vector<16xi32>
        %swap3A_976 = vector.shape_cast %get3A_970 : vector<16xi32> to vector<1x16xi32>
        tpu.vector_store %arg7[%swap3A_972, %swap3A_973], %swap3A_976 {strides = array<i32>} : memref<2x128xi32, #tpu.memory_space<vmem>>, vector<1x16xi32>,
        %mul3A_977 = arith.constant 200 : i32
        %mul3A_978 = arith.muli %add3A_911, %mul3A_977 : i32
        %add3A_979 = arith.constant 80 : i32
        %add3A_980 = arith.addi %mul3A_978, %add3A_979 : i32
        %get3A_981 = arith.index_cast %add3A_980 : i32 to index
        %get3A_982 = tpu.vector_load %arg6[%get3A_981] {strides = array<i32>} : memref<25600xi32, #tpu.memory_space<vmem>>, vector<16xi32>,
        %get3A_983 = vector.shape_cast %get3A_982 : vector<16xi32> to vector<16xi32>
        %swap3A_984 = arith.constant 0 : i32
        %swap3A_985 = arith.index_cast %swap3A_984 : i32 to index
        %swap3A_986 = arith.constant 80 : index
        %swap3A_987 = tpu.vector_load %arg7[%swap3A_985, %swap3A_986] {strides = array<i32>} : memref<2x128xi32, #tpu.memory_space<vmem>>, vector<1x16xi32>,
        %swap3A_988 = vector.shape_cast %swap3A_987 : vector<1x16xi32> to vector<16xi32>
        %swap3A_989 = vector.shape_cast %get3A_983 : vector<16xi32> to vector<1x16xi32>
        tpu.vector_store %arg7[%swap3A_985, %swap3A_986], %swap3A_989 {strides = array<i32>} : memref<2x128xi32, #tpu.memory_space<vmem>>, vector<1x16xi32>,
        %mul3A_990 = arith.constant 200 : i32
        %mul3A_991 = arith.muli %add3A_911, %mul3A_990 : i32
        %add3A_992 = arith.constant 96 : i32
        %add3A_993 = arith.addi %mul3A_991, %add3A_992 : i32
        %get3A_994 = arith.index_cast %add3A_993 : i32 to index
        %get3A_995 = tpu.vector_load %arg6[%get3A_994] {strides = array<i32>} : memref<25600xi32, #tpu.memory_space<vmem>>, vector<16xi32>,
        %get3A_996 = vector.shape_cast %get3A_995 : vector<16xi32> to vector<16xi32>
        %swap3A_997 = arith.constant 0 : i32
        %swap3A_998 = arith.index_cast %swap3A_997 : i32 to index
        %swap3A_999 = arith.constant 96 : index
        %swap3A_1000 = tpu.vector_load %arg7[%swap3A_998, %swap3A_999] {strides = array<i32>} : memref<2x128xi32, #tpu.memory_space<vmem>>, vector<1x16xi32>,
        %swap3A_1001 = vector.shape_cast %swap3A_1000 : vector<1x16xi32> to vector<16xi32>
        %swap3A_1002 = vector.shape_cast %get3A_996 : vector<16xi32> to vector<1x16xi32>
        tpu.vector_store %arg7[%swap3A_998, %swap3A_999], %swap3A_1002 {strides = array<i32>} : memref<2x128xi32, #tpu.memory_space<vmem>>, vector<1x16xi32>,
        %mul3A_1003 = arith.constant 200 : i32
        %mul3A_1004 = arith.muli %add3A_911, %mul3A_1003 : i32
        %add3A_1005 = arith.constant 112 : i32
        %add3A_1006 = arith.addi %mul3A_1004, %add3A_1005 : i32
        %get3A_1007 = arith.index_cast %add3A_1006 : i32 to index
        %get3A_1008 = tpu.vector_load %arg6[%get3A_1007] {strides = array<i32>} : memref<25600xi32, #tpu.memory_space<vmem>>, vector<16xi32>,
        %get3A_1009 = vector.shape_cast %get3A_1008 : vector<16xi32> to vector<16xi32>
        %swap3A_1010 = arith.constant 0 : i32
        %swap3A_1011 = arith.index_cast %swap3A_1010 : i32 to index
        %swap3A_1012 = arith.constant 112 : index
        %swap3A_1013 = tpu.vector_load %arg7[%swap3A_1011, %swap3A_1012] {strides = array<i32>} : memref<2x128xi32, #tpu.memory_space<vmem>>, vector<1x16xi32>,
        %swap3A_1014 = vector.shape_cast %swap3A_1013 : vector<1x16xi32> to vector<16xi32>
        %swap3A_1015 = vector.shape_cast %get3A_1009 : vector<16xi32> to vector<1x16xi32>
        tpu.vector_store %arg7[%swap3A_1011, %swap3A_1012], %swap3A_1015 {strides = array<i32>} : memref<2x128xi32, #tpu.memory_space<vmem>>, vector<1x16xi32>,
        %mul3A_1016 = arith.constant 200 : i32
        %mul3A_1017 = arith.muli %add3A_911, %mul3A_1016 : i32
        %add3A_1018 = arith.constant 128 : i32
        %add3A_1019 = arith.addi %mul3A_1017, %add3A_1018 : i32
        %add3A_1020 = arith.constant 0 : i32
        %add3A_1021 = arith.addi %add3A_1019, %add3A_1020 : i32
        %get3A_1022 = arith.index_cast %add3A_1021 : i32 to index
        %get3A_1023 = tpu.vector_load %arg6[%get3A_1022] {strides = array<i32>} : memref<25600xi32, #tpu.memory_space<vmem>>, vector<16xi32>,
        %get3A_1024 = vector.shape_cast %get3A_1023 : vector<16xi32> to vector<16xi32>
        %swap3A_1025 = arith.constant 0 : i32
        %swap3A_1026 = arith.index_cast %swap3A_1025 : i32 to index
        %swap3A_1027 = arith.constant 0 : index
        %swap3A_1028 = tpu.vector_load %arg8[%swap3A_1026, %swap3A_1027] {strides = array<i32>} : memref<2x72xi32, #tpu.memory_space<vmem>>, vector<1x16xi32>,
        %swap3A_1029 = vector.shape_cast %swap3A_1028 : vector<1x16xi32> to vector<16xi32>
        %swap3A_1030 = vector.shape_cast %get3A_1024 : vector<16xi32> to vector<1x16xi32>
        tpu.vector_store %arg8[%swap3A_1026, %swap3A_1027], %swap3A_1030 {strides = array<i32>} : memref<2x72xi32, #tpu.memory_space<vmem>>, vector<1x16xi32>,
        %mul3A_1031 = arith.constant 200 : i32
        %mul3A_1032 = arith.muli %add3A_911, %mul3A_1031 : i32
        %add3A_1033 = arith.constant 128 : i32
        %add3A_1034 = arith.addi %mul3A_1032, %add3A_1033 : i32
        %add3A_1035 = arith.constant 16 : i32
        %add3A_1036 = arith.addi %add3A_1034, %add3A_1035 : i32
        %get3A_1037 = arith.index_cast %add3A_1036 : i32 to index
        %get3A_1038 = tpu.vector_load %arg6[%get3A_1037] {strides = array<i32>} : memref<25600xi32, #tpu.memory_space<vmem>>, vector<16xi32>,
        %get3A_1039 = vector.shape_cast %get3A_1038 : vector<16xi32> to vector<16xi32>
        %swap3A_1040 = arith.constant 0 : i32
        %swap3A_1041 = arith.index_cast %swap3A_1040 : i32 to index
        %swap3A_1042 = arith.constant 16 : index
        %swap3A_1043 = tpu.vector_load %arg8[%swap3A_1041, %swap3A_1042] {strides = array<i32>} : memref<2x72xi32, #tpu.memory_space<vmem>>, vector<1x16xi32>,
        %swap3A_1044 = vector.shape_cast %swap3A_1043 : vector<1x16xi32> to vector<16xi32>
        %swap3A_1045 = vector.shape_cast %get3A_1039 : vector<16xi32> to vector<1x16xi32>
        tpu.vector_store %arg8[%swap3A_1041, %swap3A_1042], %swap3A_1045 {strides = array<i32>} : memref<2x72xi32, #tpu.memory_space<vmem>>, vector<1x16xi32>,
        %mul3A_1046 = arith.constant 200 : i32
        %mul3A_1047 = arith.muli %add3A_911, %mul3A_1046 : i32
        %add3A_1048 = arith.constant 128 : i32
        %add3A_1049 = arith.addi %mul3A_1047, %add3A_1048 : i32
        %add3A_1050 = arith.constant 32 : i32
        %add3A_1051 = arith.addi %add3A_1049, %add3A_1050 : i32
        %get3A_1052 = arith.index_cast %add3A_1051 : i32 to index
        %get3A_1053 = tpu.vector_load %arg6[%get3A_1052] {strides = array<i32>} : memref<25600xi32, #tpu.memory_space<vmem>>, vector<16xi32>,
        %get3A_1054 = vector.shape_cast %get3A_1053 : vector<16xi32> to vector<16xi32>
        %swap3A_1055 = arith.constant 0 : i32
        %swap3A_1056 = arith.index_cast %swap3A_1055 : i32 to index
        %swap3A_1057 = arith.constant 32 : index
        %swap3A_1058 = tpu.vector_load %arg8[%swap3A_1056, %swap3A_1057] {strides = array<i32>} : memref<2x72xi32, #tpu.memory_space<vmem>>, vector<1x16xi32>,
        %swap3A_1059 = vector.shape_cast %swap3A_1058 : vector<1x16xi32> to vector<16xi32>
        %swap3A_1060 = vector.shape_cast %get3A_1054 : vector<16xi32> to vector<1x16xi32>
        tpu.vector_store %arg8[%swap3A_1056, %swap3A_1057], %swap3A_1060 {strides = array<i32>} : memref<2x72xi32, #tpu.memory_space<vmem>>, vector<1x16xi32>,
        %mul3A_1061 = arith.constant 200 : i32
        %mul3A_1062 = arith.muli %add3A_911, %mul3A_1061 : i32
        %add3A_1063 = arith.constant 128 : i32
        %add3A_1064 = arith.addi %mul3A_1062, %add3A_1063 : i32
        %add3A_1065 = arith.constant 48 : i32
        %add3A_1066 = arith.addi %add3A_1064, %add3A_1065 : i32
        %get3A_1067 = arith.index_cast %add3A_1066 : i32 to index
        %get3A_1068 = tpu.vector_load %arg6[%get3A_1067] {strides = array<i32>} : memref<25600xi32, #tpu.memory_space<vmem>>, vector<16xi32>,
        %get3A_1069 = vector.shape_cast %get3A_1068 : vector<16xi32> to vector<16xi32>
        %swap3A_1070 = arith.constant 0 : i32
        %swap3A_1071 = arith.index_cast %swap3A_1070 : i32 to index
        %swap3A_1072 = arith.constant 48 : index
        %swap3A_1073 = tpu.vector_load %arg8[%swap3A_1071, %swap3A_1072] {strides = array<i32>} : memref<2x72xi32, #tpu.memory_space<vmem>>, vector<1x16xi32>,
        %swap3A_1074 = vector.shape_cast %swap3A_1073 : vector<1x16xi32> to vector<16xi32>
        %swap3A_1075 = vector.shape_cast %get3A_1069 : vector<16xi32> to vector<1x16xi32>
        tpu.vector_store %arg8[%swap3A_1071, %swap3A_1072], %swap3A_1075 {strides = array<i32>} : memref<2x72xi32, #tpu.memory_space<vmem>>, vector<1x16xi32>,
        %mul3A_1076 = arith.constant 200 : i32
        %mul3A_1077 = arith.muli %add3A_911, %mul3A_1076 : i32
        %add3A_1078 = arith.constant 128 : i32
        %add3A_1079 = arith.addi %mul3A_1077, %add3A_1078 : i32
        %add3A_1080 = arith.constant 56 : i32
        %add3A_1081 = arith.addi %add3A_1079, %add3A_1080 : i32
        %get3A_1082 = arith.index_cast %add3A_1081 : i32 to index
        %get3A_1083 = tpu.vector_load %arg6[%get3A_1082] {strides = array<i32>} : memref<25600xi32, #tpu.memory_space<vmem>>, vector<16xi32>,
        %get3A_1084 = vector.shape_cast %get3A_1083 : vector<16xi32> to vector<16xi32>
        %swap3A_1085 = arith.constant 0 : i32
        %swap3A_1086 = arith.index_cast %swap3A_1085 : i32 to index
        %swap3A_1087 = arith.constant 56 : index
        %swap3A_1088 = tpu.vector_load %arg8[%swap3A_1086, %swap3A_1087] {strides = array<i32>} : memref<2x72xi32, #tpu.memory_space<vmem>>, vector<1x16xi32>,
        %swap3A_1089 = vector.shape_cast %swap3A_1088 : vector<1x16xi32> to vector<16xi32>
        %swap3A_1090 = vector.shape_cast %get3A_1084 : vector<16xi32> to vector<1x16xi32>
        tpu.vector_store %arg8[%swap3A_1086, %swap3A_1087], %swap3A_1090 {strides = array<i32>} : memref<2x72xi32, #tpu.memory_space<vmem>>, vector<1x16xi32>,
        %dma_start3A_1091 = arith.constant 0 : i32
        %dma_start3A_1092 = arith.constant 0 : i32
        %dma_start3A_1093 = arith.constant 0 : i32
        %dma_start3A_1094 = arith.constant 0 : i32
        %dma_start3A_1095 = tpu.memref_slice %arg9[%dma_start3A_1092, %dma_start3A_1093, %dma_start3A_1094] : memref<2x200x128xf32, #tpu.memory_space<vmem>> -> memref<1x200x128xf32, #tpu.memory_space<vmem>>
        %dma_start3A_1096 = tpu.memref_squeeze %dma_start3A_1095 : memref<1x200x128xf32, #tpu.memory_space<vmem>> -> memref<200x128xf32, #tpu.memory_space<vmem>>
        %dma_start3A_1097 = arith.constant 0 : i32
        %dma_start3A_1098 = arith.constant 0 : i32
        %dma_start3A_1099 = tpu.memref_slice %dma_start3A_1096[%dma_start3A_1097, %dma_start3A_1098] : memref<200x128xf32, #tpu.memory_space<vmem>> -> memref<128x128xf32, #tpu.memory_space<vmem>>
        %dma_start3A_1100 = arith.constant 0 : i32
        %dma_start3A_1101 = tpu.memref_slice %arg7[%dma_start3A_1091, %dma_start3A_1100] : memref<2x128xi32, #tpu.memory_space<vmem>> -> memref<1x128xi32, #tpu.memory_space<vmem>>
        %dma_start3A_1102 = tpu.memref_squeeze %dma_start3A_1101 : memref<1x128xi32, #tpu.memory_space<vmem>> -> memref<128xi32, #tpu.memory_space<vmem>>
        %dma_start3A_1103 = arith.constant 0 : i32
        %dma_start3A_1104 = arith.constant 0 : i32
        %dma_start3A_1105 = tpu.memref_slice %arg3[%dma_start3A_1103, %dma_start3A_1104] : memref<1000000x128xf32, #tpu.memory_space<hbm>> -> memref<1000000x128xf32, #tpu.memory_space<hbm>>
        tpu.enqueue_indirect_dma source(%dma_start3A_1105 : memref<1000000x128xf32, #tpu.memory_space<hbm>>) target(%dma_start3A_1099 : memref<128x128xf32, #tpu.memory_space<vmem>>) offsets(%dma_start3A_1102 : memref<128xi32, #tpu.memory_space<vmem>>) semaphore(%arg11 : memref<!tpu.dma_semaphore, #tpu.memory_space<semaphore_mem>>)
        %dma_start3A_1106 = arith.constant 0 : i32
        %dma_start3A_1107 = arith.constant 0 : i32
        %dma_start3A_1108 = arith.constant 0 : i32
        %dma_start3A_1109 = arith.constant 0 : i32
        %dma_start3A_1110 = tpu.memref_slice %arg9[%dma_start3A_1107, %dma_start3A_1108, %dma_start3A_1109] : memref<2x200x128xf32, #tpu.memory_space<vmem>> -> memref<1x200x128xf32, #tpu.memory_space<vmem>>
        %dma_start3A_1111 = tpu.memref_squeeze %dma_start3A_1110 : memref<1x200x128xf32, #tpu.memory_space<vmem>> -> memref<200x128xf32, #tpu.memory_space<vmem>>
        %dma_start3A_1112 = arith.constant 128 : i32
        %dma_start3A_1113 = arith.constant 0 : i32
        %dma_start3A_1114 = tpu.memref_slice %dma_start3A_1111[%dma_start3A_1112, %dma_start3A_1113] : memref<200x128xf32, #tpu.memory_space<vmem>> -> memref<72x128xf32, #tpu.memory_space<vmem>>
        %dma_start3A_1115 = arith.constant 0 : i32
        %dma_start3A_1116 = tpu.memref_slice %arg8[%dma_start3A_1106, %dma_start3A_1115] : memref<2x72xi32, #tpu.memory_space<vmem>> -> memref<1x72xi32, #tpu.memory_space<vmem>>
        %dma_start3A_1117 = tpu.memref_squeeze %dma_start3A_1116 : memref<1x72xi32, #tpu.memory_space<vmem>> -> memref<72xi32, #tpu.memory_space<vmem>>
        %dma_start3A_1118 = arith.constant 0 : i32
        %dma_start3A_1119 = arith.constant 0 : i32
        %dma_start3A_1120 = tpu.memref_slice %arg3[%dma_start3A_1118, %dma_start3A_1119] : memref<1000000x128xf32, #tpu.memory_space<hbm>> -> memref<1000000x128xf32, #tpu.memory_space<hbm>>
        tpu.enqueue_indirect_dma source(%dma_start3A_1120 : memref<1000000x128xf32, #tpu.memory_space<hbm>>) target(%dma_start3A_1114 : memref<72x128xf32, #tpu.memory_space<vmem>>) offsets(%dma_start3A_1117 : memref<72xi32, #tpu.memory_space<vmem>>) semaphore(%arg11 : memref<!tpu.dma_semaphore, #tpu.memory_space<semaphore_mem>>)
      } else {
      }
      %mul3A_825 = arith.constant 2 : i32
      %mul3A_826 = arith.muli %mul3A_825, %scan3A_743 : i32
      %add3A_827 = arith.constant 1 : i32
      %add3A_828 = arith.addi %mul3A_826, %add3A_827 : i32
      %dma_wait3A_829 = arith.constant 1 : i32
      %dma_wait3A_830 = arith.constant 1 : i32
      %dma_wait3A_831 = arith.constant 0 : i32
      %dma_wait3A_832 = arith.constant 0 : i32
      %dma_wait3A_833 = tpu.memref_slice %arg9[%dma_wait3A_830, %dma_wait3A_831, %dma_wait3A_832] : memref<2x200x128xf32, #tpu.memory_space<vmem>> -> memref<1x200x128xf32, #tpu.memory_space<vmem>>
      %dma_wait3A_834 = tpu.memref_squeeze %dma_wait3A_833 : memref<1x200x128xf32, #tpu.memory_space<vmem>> -> memref<200x128xf32, #tpu.memory_space<vmem>>
      %dma_wait3A_835 = arith.constant 0 : i32
      %dma_wait3A_836 = arith.constant 0 : i32
      %dma_wait3A_837 = tpu.memref_slice %dma_wait3A_834[%dma_wait3A_835, %dma_wait3A_836] : memref<200x128xf32, #tpu.memory_space<vmem>> -> memref<128x128xf32, #tpu.memory_space<vmem>>
      %dma_wait3A_838 = arith.constant 0 : i32
      %dma_wait3A_839 = tpu.memref_slice %arg7[%dma_wait3A_829, %dma_wait3A_838] : memref<2x128xi32, #tpu.memory_space<vmem>> -> memref<1x128xi32, #tpu.memory_space<vmem>>
      %dma_wait3A_840 = tpu.memref_squeeze %dma_wait3A_839 : memref<1x128xi32, #tpu.memory_space<vmem>> -> memref<128xi32, #tpu.memory_space<vmem>>
      %dma_wait3A_841 = arith.constant 0 : i32
      %dma_wait3A_842 = arith.constant 0 : i32
      %dma_wait3A_843 = tpu.memref_slice %arg3[%dma_wait3A_841, %dma_wait3A_842] : memref<1000000x128xf32, #tpu.memory_space<hbm>> -> memref<1000000x128xf32, #tpu.memory_space<hbm>>
      tpu.wait_indirect_dma semaphore(%arg12 : memref<!tpu.dma_semaphore, #tpu.memory_space<semaphore_mem>>) src(%dma_wait3A_843 : memref<1000000x128xf32, #tpu.memory_space<hbm>>) dst(%dma_wait3A_837 : memref<128x128xf32, #tpu.memory_space<vmem>>)
      %dma_wait3A_844 = arith.constant 1 : i32
      %dma_wait3A_845 = arith.constant 1 : i32
      %dma_wait3A_846 = arith.constant 0 : i32
      %dma_wait3A_847 = arith.constant 0 : i32
      %dma_wait3A_848 = tpu.memref_slice %arg9[%dma_wait3A_845, %dma_wait3A_846, %dma_wait3A_847] : memref<2x200x128xf32, #tpu.memory_space<vmem>> -> memref<1x200x128xf32, #tpu.memory_space<vmem>>
      %dma_wait3A_849 = tpu.memref_squeeze %dma_wait3A_848 : memref<1x200x128xf32, #tpu.memory_space<vmem>> -> memref<200x128xf32, #tpu.memory_space<vmem>>
      %dma_wait3A_850 = arith.constant 128 : i32
      %dma_wait3A_851 = arith.constant 0 : i32
      %dma_wait3A_852 = tpu.memref_slice %dma_wait3A_849[%dma_wait3A_850, %dma_wait3A_851] : memref<200x128xf32, #tpu.memory_space<vmem>> -> memref<72x128xf32, #tpu.memory_space<vmem>>
      %dma_wait3A_853 = arith.constant 0 : i32
      %dma_wait3A_854 = tpu.memref_slice %arg8[%dma_wait3A_844, %dma_wait3A_853] : memref<2x72xi32, #tpu.memory_space<vmem>> -> memref<1x72xi32, #tpu.memory_space<vmem>>
      %dma_wait3A_855 = tpu.memref_squeeze %dma_wait3A_854 : memref<1x72xi32, #tpu.memory_space<vmem>> -> memref<72xi32, #tpu.memory_space<vmem>>
      %dma_wait3A_856 = arith.constant 0 : i32
      %dma_wait3A_857 = arith.constant 0 : i32
      %dma_wait3A_858 = tpu.memref_slice %arg3[%dma_wait3A_856, %dma_wait3A_857] : memref<1000000x128xf32, #tpu.memory_space<hbm>> -> memref<1000000x128xf32, #tpu.memory_space<hbm>>
      tpu.wait_indirect_dma semaphore(%arg12 : memref<!tpu.dma_semaphore, #tpu.memory_space<semaphore_mem>>) src(%dma_wait3A_858 : memref<1000000x128xf32, #tpu.memory_space<hbm>>) dst(%dma_wait3A_852 : memref<72x128xf32, #tpu.memory_space<vmem>>)
      %sub3A_859 = arith.constant 2 : i32
      %sub3A_860 = arith.subi %add3A_828, %sub3A_859 : i32
      %add3A_861 = arith.addi %mul3A_2, %sub3A_860 : i32
      %dma_wait3A_862 = arith.constant 1 : i32
      %dma_wait3A_863 = arith.constant 0 : i32
      %dma_wait3A_864 = arith.constant 0 : i32
      %dma_wait3A_865 = tpu.memref_slice %arg10[%dma_wait3A_862, %dma_wait3A_863, %dma_wait3A_864] : memref<2x200x128xf32, #tpu.memory_space<vmem>> -> memref<1x200x128xf32, #tpu.memory_space<vmem>>
      %dma_wait3A_866 = tpu.memref_squeeze %dma_wait3A_865 : memref<1x200x128xf32, #tpu.memory_space<vmem>> -> memref<200x128xf32, #tpu.memory_space<vmem>>
      %dma_wait3A_867 = arith.constant 0 : i32
      %dma_wait3A_868 = arith.constant 0 : i32
      %dma_wait3A_869 = tpu.memref_slice %arg5[%add3A_861, %dma_wait3A_867, %dma_wait3A_868] : memref<4096x200x128xf32, #tpu.memory_space<hbm>> -> memref<1x200x128xf32, #tpu.memory_space<hbm>>
      %dma_wait3A_870 = tpu.memref_squeeze %dma_wait3A_869 : memref<1x200x128xf32, #tpu.memory_space<hbm>> -> memref<200x128xf32, #tpu.memory_space<hbm>>
      %dma_wait3A_871 = arith.constant 0 : i32
      %dma_wait3A_872 = arith.constant 0 : i32
      %dma_wait3A_873 = tpu.memref_slice %arg5[%add3A_861, %dma_wait3A_871, %dma_wait3A_872] : memref<4096x200x128xf32, #tpu.memory_space<hbm>> -> memref<1x200x128xf32, #tpu.memory_space<hbm>>
      %dma_wait3A_874 = tpu.memref_squeeze %dma_wait3A_873 : memref<1x200x128xf32, #tpu.memory_space<hbm>> -> memref<200x128xf32, #tpu.memory_space<hbm>>
      %dma_wait3A_875 = arith.constant 0 : i32
      %dma_wait3A_876 = arith.constant 0 : i32
      %dma_wait3A_877 = tpu.memref_slice %arg10[%dma_wait3A_862, %dma_wait3A_875, %dma_wait3A_876] : memref<2x200x128xf32, #tpu.memory_space<vmem>> -> memref<1x200x128xf32, #tpu.memory_space<vmem>>
      %dma_wait3A_878 = tpu.memref_squeeze %dma_wait3A_877 : memref<1x200x128xf32, #tpu.memory_space<vmem>> -> memref<200x128xf32, #tpu.memory_space<vmem>>
      tpu.wait_dma2 semaphore(%arg14 : memref<!tpu.dma_semaphore, #tpu.memory_space<semaphore_mem>>) src(%dma_wait3A_878 : memref<200x128xf32, #tpu.memory_space<vmem>>) dst(%dma_wait3A_874 : memref<200x128xf32, #tpu.memory_space<hbm>>)
      %scan3A_879 = arith.constant 0 : i32
      %scan3A_880 = arith.constant 0 : i32
      %scan3A_881 = arith.constant 100 : i32
      %scan3A_882 = arith.addi %scan3A_880, %scan3A_881 : i32
      %scan3A_883 = arith.constant 1 : i32
      scf.for %scan3A_910 = %scan3A_880 to %scan3A_882 step %scan3A_883  : i32 {
        %mul3A_911 = arith.constant 2 : i32
        %mul3A_912 = arith.muli %scan3A_910, %mul3A_911 : i32
        %add3A_913 = arith.constant 0 : i32
        %add3A_914 = arith.addi %mul3A_912, %add3A_913 : i32
        %get3A_915 = arith.constant 1 : i32
        %get3A_916 = arith.index_cast %get3A_915 : i32 to index
        %get3A_917 = arith.index_cast %add3A_914 : i32 to index
        %get3A_918 = arith.constant 0 : index
        %get3A_919 = tpu.vector_load %arg9[%get3A_916, %get3A_917, %get3A_918] {strides = array<i32>} : memref<2x200x128xf32, #tpu.memory_space<vmem>>, vector<1x1x16xf32>,
        %get3A_920 = vector.shape_cast %get3A_919 : vector<1x1x16xf32> to vector<16xf32>
        %swap3A_921 = arith.constant 1 : i32
        %swap3A_922 = arith.index_cast %swap3A_921 : i32 to index
        %swap3A_923 = arith.index_cast %add3A_914 : i32 to index
        %swap3A_924 = arith.constant 64 : index
        %swap3A_925 = tpu.vector_load %arg10[%swap3A_922, %swap3A_923, %swap3A_924] {strides = array<i32>} : memref<2x200x128xf32, #tpu.memory_space<vmem>>, vector<1x1x16xf32>,
        %swap3A_926 = vector.shape_cast %swap3A_925 : vector<1x1x16xf32> to vector<16xf32>
        %swap3A_927 = vector.shape_cast %get3A_920 : vector<16xf32> to vector<1x1x16xf32>
        tpu.vector_store %arg10[%swap3A_922, %swap3A_923, %swap3A_924], %swap3A_927 {strides = array<i32>} : memref<2x200x128xf32, #tpu.memory_space<vmem>>, vector<1x1x16xf32>,
        %get3A_928 = arith.constant 1 : i32
        %get3A_929 = arith.index_cast %get3A_928 : i32 to index
        %get3A_930 = arith.index_cast %add3A_914 : i32 to index
        %get3A_931 = arith.constant 16 : index
        %get3A_932 = tpu.vector_load %arg9[%get3A_929, %get3A_930, %get3A_931] {strides = array<i32>} : memref<2x200x128xf32, #tpu.memory_space<vmem>>, vector<1x1x16xf32>,
        %get3A_933 = vector.shape_cast %get3A_932 : vector<1x1x16xf32> to vector<16xf32>
        %swap3A_934 = arith.constant 1 : i32
        %swap3A_935 = arith.index_cast %swap3A_934 : i32 to index
        %swap3A_936 = arith.index_cast %add3A_914 : i32 to index
        %swap3A_937 = arith.constant 80 : index
        %swap3A_938 = tpu.vector_load %arg10[%swap3A_935, %swap3A_936, %swap3A_937] {strides = array<i32>} : memref<2x200x128xf32, #tpu.memory_space<vmem>>, vector<1x1x16xf32>,
        %swap3A_939 = vector.shape_cast %swap3A_938 : vector<1x1x16xf32> to vector<16xf32>
        %swap3A_940 = vector.shape_cast %get3A_933 : vector<16xf32> to vector<1x1x16xf32>
        tpu.vector_store %arg10[%swap3A_935, %swap3A_936, %swap3A_937], %swap3A_940 {strides = array<i32>} : memref<2x200x128xf32, #tpu.memory_space<vmem>>, vector<1x1x16xf32>,
        %get3A_941 = arith.constant 1 : i32
        %get3A_942 = arith.index_cast %get3A_941 : i32 to index
        %get3A_943 = arith.index_cast %add3A_914 : i32 to index
        %get3A_944 = arith.constant 32 : index
        %get3A_945 = tpu.vector_load %arg9[%get3A_942, %get3A_943, %get3A_944] {strides = array<i32>} : memref<2x200x128xf32, #tpu.memory_space<vmem>>, vector<1x1x16xf32>,
        %get3A_946 = vector.shape_cast %get3A_945 : vector<1x1x16xf32> to vector<16xf32>
        %swap3A_947 = arith.constant 1 : i32
        %swap3A_948 = arith.index_cast %swap3A_947 : i32 to index
        %swap3A_949 = arith.index_cast %add3A_914 : i32 to index
        %swap3A_950 = arith.constant 96 : index
        %swap3A_951 = tpu.vector_load %arg10[%swap3A_948, %swap3A_949, %swap3A_950] {strides = array<i32>} : memref<2x200x128xf32, #tpu.memory_space<vmem>>, vector<1x1x16xf32>,
        %swap3A_952 = vector.shape_cast %swap3A_951 : vector<1x1x16xf32> to vector<16xf32>
        %swap3A_953 = vector.shape_cast %get3A_946 : vector<16xf32> to vector<1x1x16xf32>
        tpu.vector_store %arg10[%swap3A_948, %swap3A_949, %swap3A_950], %swap3A_953 {strides = array<i32>} : memref<2x200x128xf32, #tpu.memory_space<vmem>>, vector<1x1x16xf32>,
        %get3A_954 = arith.constant 1 : i32
        %get3A_955 = arith.index_cast %get3A_954 : i32 to index
        %get3A_956 = arith.index_cast %add3A_914 : i32 to index
        %get3A_957 = arith.constant 48 : index
        %get3A_958 = tpu.vector_load %arg9[%get3A_955, %get3A_956, %get3A_957] {strides = array<i32>} : memref<2x200x128xf32, #tpu.memory_space<vmem>>, vector<1x1x16xf32>,
        %get3A_959 = vector.shape_cast %get3A_958 : vector<1x1x16xf32> to vector<16xf32>
        %swap3A_960 = arith.constant 1 : i32
        %swap3A_961 = arith.index_cast %swap3A_960 : i32 to index
        %swap3A_962 = arith.index_cast %add3A_914 : i32 to index
        %swap3A_963 = arith.constant 112 : index
        %swap3A_964 = tpu.vector_load %arg10[%swap3A_961, %swap3A_962, %swap3A_963] {strides = array<i32>} : memref<2x200x128xf32, #tpu.memory_space<vmem>>, vector<1x1x16xf32>,
        %swap3A_965 = vector.shape_cast %swap3A_964 : vector<1x1x16xf32> to vector<16xf32>
        %swap3A_966 = vector.shape_cast %get3A_959 : vector<16xf32> to vector<1x1x16xf32>
        tpu.vector_store %arg10[%swap3A_961, %swap3A_962, %swap3A_963], %swap3A_966 {strides = array<i32>} : memref<2x200x128xf32, #tpu.memory_space<vmem>>, vector<1x1x16xf32>,
        %mul3A_967 = arith.constant 2 : i32
        %mul3A_968 = arith.muli %scan3A_910, %mul3A_967 : i32
        %add3A_969 = arith.constant 1 : i32
        %add3A_970 = arith.addi %mul3A_968, %add3A_969 : i32
        %get3A_971 = arith.constant 1 : i32
        %get3A_972 = arith.index_cast %get3A_971 : i32 to index
        %get3A_973 = arith.index_cast %add3A_970 : i32 to index
        %get3A_974 = arith.constant 0 : index
        %get3A_975 = tpu.vector_load %arg9[%get3A_972, %get3A_973, %get3A_974] {strides = array<i32>} : memref<2x200x128xf32, #tpu.memory_space<vmem>>, vector<1x1x16xf32>,
        %get3A_976 = vector.shape_cast %get3A_975 : vector<1x1x16xf32> to vector<16xf32>
        %swap3A_977 = arith.constant 1 : i32
        %swap3A_978 = arith.index_cast %swap3A_977 : i32 to index
        %swap3A_979 = arith.index_cast %add3A_970 : i32 to index
        %swap3A_980 = arith.constant 64 : index
        %swap3A_981 = tpu.vector_load %arg10[%swap3A_978, %swap3A_979, %swap3A_980] {strides = array<i32>} : memref<2x200x128xf32, #tpu.memory_space<vmem>>, vector<1x1x16xf32>,
        %swap3A_982 = vector.shape_cast %swap3A_981 : vector<1x1x16xf32> to vector<16xf32>
        %swap3A_983 = vector.shape_cast %get3A_976 : vector<16xf32> to vector<1x1x16xf32>
        tpu.vector_store %arg10[%swap3A_978, %swap3A_979, %swap3A_980], %swap3A_983 {strides = array<i32>} : memref<2x200x128xf32, #tpu.memory_space<vmem>>, vector<1x1x16xf32>,
        %get3A_984 = arith.constant 1 : i32
        %get3A_985 = arith.index_cast %get3A_984 : i32 to index
        %get3A_986 = arith.index_cast %add3A_970 : i32 to index
        %get3A_987 = arith.constant 16 : index
        %get3A_988 = tpu.vector_load %arg9[%get3A_985, %get3A_986, %get3A_987] {strides = array<i32>} : memref<2x200x128xf32, #tpu.memory_space<vmem>>, vector<1x1x16xf32>,
        %get3A_989 = vector.shape_cast %get3A_988 : vector<1x1x16xf32> to vector<16xf32>
        %swap3A_990 = arith.constant 1 : i32
        %swap3A_991 = arith.index_cast %swap3A_990 : i32 to index
        %swap3A_992 = arith.index_cast %add3A_970 : i32 to index
        %swap3A_993 = arith.constant 80 : index
        %swap3A_994 = tpu.vector_load %arg10[%swap3A_991, %swap3A_992, %swap3A_993] {strides = array<i32>} : memref<2x200x128xf32, #tpu.memory_space<vmem>>, vector<1x1x16xf32>,
        %swap3A_995 = vector.shape_cast %swap3A_994 : vector<1x1x16xf32> to vector<16xf32>
        %swap3A_996 = vector.shape_cast %get3A_989 : vector<16xf32> to vector<1x1x16xf32>
        tpu.vector_store %arg10[%swap3A_991, %swap3A_992, %swap3A_993], %swap3A_996 {strides = array<i32>} : memref<2x200x128xf32, #tpu.memory_space<vmem>>, vector<1x1x16xf32>,
        %get3A_997 = arith.constant 1 : i32
        %get3A_998 = arith.index_cast %get3A_997 : i32 to index
        %get3A_999 = arith.index_cast %add3A_970 : i32 to index
        %get3A_1000 = arith.constant 32 : index
        %get3A_1001 = tpu.vector_load %arg9[%get3A_998, %get3A_999, %get3A_1000] {strides = array<i32>} : memref<2x200x128xf32, #tpu.memory_space<vmem>>, vector<1x1x16xf32>,
        %get3A_1002 = vector.shape_cast %get3A_1001 : vector<1x1x16xf32> to vector<16xf32>
        %swap3A_1003 = arith.constant 1 : i32
        %swap3A_1004 = arith.index_cast %swap3A_1003 : i32 to index
        %swap3A_1005 = arith.index_cast %add3A_970 : i32 to index
        %swap3A_1006 = arith.constant 96 : index
        %swap3A_1007 = tpu.vector_load %arg10[%swap3A_1004, %swap3A_1005, %swap3A_1006] {strides = array<i32>} : memref<2x200x128xf32, #tpu.memory_space<vmem>>, vector<1x1x16xf32>,
        %swap3A_1008 = vector.shape_cast %swap3A_1007 : vector<1x1x16xf32> to vector<16xf32>
        %swap3A_1009 = vector.shape_cast %get3A_1002 : vector<16xf32> to vector<1x1x16xf32>
        tpu.vector_store %arg10[%swap3A_1004, %swap3A_1005, %swap3A_1006], %swap3A_1009 {strides = array<i32>} : memref<2x200x128xf32, #tpu.memory_space<vmem>>, vector<1x1x16xf32>,
        %get3A_1010 = arith.constant 1 : i32
        %get3A_1011 = arith.index_cast %get3A_1010 : i32 to index
        %get3A_1012 = arith.index_cast %add3A_970 : i32 to index
        %get3A_1013 = arith.constant 48 : index
        %get3A_1014 = tpu.vector_load %arg9[%get3A_1011, %get3A_1012, %get3A_1013] {strides = array<i32>} : memref<2x200x128xf32, #tpu.memory_space<vmem>>, vector<1x1x16xf32>,
        %get3A_1015 = vector.shape_cast %get3A_1014 : vector<1x1x16xf32> to vector<16xf32>
        %swap3A_1016 = arith.constant 1 : i32
        %swap3A_1017 = arith.index_cast %swap3A_1016 : i32 to index
        %swap3A_1018 = arith.index_cast %add3A_970 : i32 to index
        %swap3A_1019 = arith.constant 112 : index
        %swap3A_1020 = tpu.vector_load %arg10[%swap3A_1017, %swap3A_1018, %swap3A_1019] {strides = array<i32>} : memref<2x200x128xf32, #tpu.memory_space<vmem>>, vector<1x1x16xf32>,
        %swap3A_1021 = vector.shape_cast %swap3A_1020 : vector<1x1x16xf32> to vector<16xf32>
        %swap3A_1022 = vector.shape_cast %get3A_1015 : vector<16xf32> to vector<1x1x16xf32>
        tpu.vector_store %arg10[%swap3A_1017, %swap3A_1018, %swap3A_1019], %swap3A_1022 {strides = array<i32>} : memref<2x200x128xf32, #tpu.memory_space<vmem>>, vector<1x1x16xf32>,
      }
      %scan3A_884 = arith.constant 100 : i32
      %add3A_885 = arith.addi %mul3A_2, %add3A_828 : i32
      %dma_start3A_886 = arith.constant 1 : i32
      %dma_start3A_887 = arith.constant 0 : i32
      %dma_start3A_888 = arith.constant 0 : i32
      %dma_start3A_889 = tpu.memref_slice %arg10[%dma_start3A_886, %dma_start3A_887, %dma_start3A_888] : memref<2x200x128xf32, #tpu.memory_space<vmem>> -> memref<1x200x128xf32, #tpu.memory_space<vmem>>
      %dma_start3A_890 = tpu.memref_squeeze %dma_start3A_889 : memref<1x200x128xf32, #tpu.memory_space<vmem>> -> memref<200x128xf32, #tpu.memory_space<vmem>>
      %dma_start3A_891 = arith.constant 0 : i32
      %dma_start3A_892 = arith.constant 0 : i32
      %dma_start3A_893 = tpu.memref_slice %arg5[%add3A_885, %dma_start3A_891, %dma_start3A_892] : memref<4096x200x128xf32, #tpu.memory_space<hbm>> -> memref<1x200x128xf32, #tpu.memory_space<hbm>>
      %dma_start3A_894 = tpu.memref_squeeze %dma_start3A_893 : memref<1x200x128xf32, #tpu.memory_space<hbm>> -> memref<200x128xf32, #tpu.memory_space<hbm>>
      %dma_start3A_895 = arith.constant 0 : i32
      %dma_start3A_896 = arith.constant 0 : i32
      %dma_start3A_897 = tpu.memref_slice %arg5[%add3A_885, %dma_start3A_895, %dma_start3A_896] : memref<4096x200x128xf32, #tpu.memory_space<hbm>> -> memref<1x200x128xf32, #tpu.memory_space<hbm>>
      %dma_start3A_898 = tpu.memref_squeeze %dma_start3A_897 : memref<1x200x128xf32, #tpu.memory_space<hbm>> -> memref<200x128xf32, #tpu.memory_space<hbm>>
      %dma_start3A_899 = arith.constant 0 : i32
      %dma_start3A_900 = arith.constant 0 : i32
      %dma_start3A_901 = tpu.memref_slice %arg10[%dma_start3A_886, %dma_start3A_899, %dma_start3A_900] : memref<2x200x128xf32, #tpu.memory_space<vmem>> -> memref<1x200x128xf32, #tpu.memory_space<vmem>>
      %dma_start3A_902 = tpu.memref_squeeze %dma_start3A_901 : memref<1x200x128xf32, #tpu.memory_space<vmem>> -> memref<200x128xf32, #tpu.memory_space<vmem>>
      tpu.enqueue_dma source(%dma_start3A_902 : memref<200x128xf32, #tpu.memory_space<vmem>>) target(%dma_start3A_898 : memref<200x128xf32, #tpu.memory_space<hbm>>) target_semaphore(%arg14 : memref<!tpu.dma_semaphore, #tpu.memory_space<semaphore_mem>>)
      %add3A_903 = arith.constant 2 : i32
      %add3A_904 = arith.addi %add3A_828, %add3A_903 : i32
      %lt3A_905 = arith.constant 128 : i32
      %lt3A_906 = arith.cmpi slt, %add3A_904, %lt3A_905 : i32
      %convert_element_type3A_907 = arith.extui %lt3A_906 : i1 to i32
      %cond3A_908 = arith.constant 0 : i32
      %cond3A_909 = arith.cmpi ne, %convert_element_type3A_907, %cond3A_908 : i32
      scf.if %cond3A_909 {
        %add3A_910 = arith.constant 2 : i32
        %add3A_911 = arith.addi %add3A_828, %add3A_910 : i32
        %mul3A_912 = arith.constant 200 : i32
        %mul3A_913 = arith.muli %add3A_911, %mul3A_912 : i32
        %add3A_914 = arith.constant 0 : i32
        %add3A_915 = arith.addi %mul3A_913, %add3A_914 : i32
        %get3A_916 = arith.index_cast %add3A_915 : i32 to index
        %get3A_917 = tpu.vector_load %arg6[%get3A_916] {strides = array<i32>} : memref<25600xi32, #tpu.memory_space<vmem>>, vector<16xi32>,
        %get3A_918 = vector.shape_cast %get3A_917 : vector<16xi32> to vector<16xi32>
        %swap3A_919 = arith.constant 1 : i32
        %swap3A_920 = arith.index_cast %swap3A_919 : i32 to index
        %swap3A_921 = arith.constant 0 : index
        %swap3A_922 = tpu.vector_load %arg7[%swap3A_920, %swap3A_921] {strides = array<i32>} : memref<2x128xi32, #tpu.memory_space<vmem>>, vector<1x16xi32>,
        %swap3A_923 = vector.shape_cast %swap3A_922 : vector<1x16xi32> to vector<16xi32>
        %swap3A_924 = vector.shape_cast %get3A_918 : vector<16xi32> to vector<1x16xi32>
        tpu.vector_store %arg7[%swap3A_920, %swap3A_921], %swap3A_924 {strides = array<i32>} : memref<2x128xi32, #tpu.memory_space<vmem>>, vector<1x16xi32>,
        %mul3A_925 = arith.constant 200 : i32
        %mul3A_926 = arith.muli %add3A_911, %mul3A_925 : i32
        %add3A_927 = arith.constant 16 : i32
        %add3A_928 = arith.addi %mul3A_926, %add3A_927 : i32
        %get3A_929 = arith.index_cast %add3A_928 : i32 to index
        %get3A_930 = tpu.vector_load %arg6[%get3A_929] {strides = array<i32>} : memref<25600xi32, #tpu.memory_space<vmem>>, vector<16xi32>,
        %get3A_931 = vector.shape_cast %get3A_930 : vector<16xi32> to vector<16xi32>
        %swap3A_932 = arith.constant 1 : i32
        %swap3A_933 = arith.index_cast %swap3A_932 : i32 to index
        %swap3A_934 = arith.constant 16 : index
        %swap3A_935 = tpu.vector_load %arg7[%swap3A_933, %swap3A_934] {strides = array<i32>} : memref<2x128xi32, #tpu.memory_space<vmem>>, vector<1x16xi32>,
        %swap3A_936 = vector.shape_cast %swap3A_935 : vector<1x16xi32> to vector<16xi32>
        %swap3A_937 = vector.shape_cast %get3A_931 : vector<16xi32> to vector<1x16xi32>
        tpu.vector_store %arg7[%swap3A_933, %swap3A_934], %swap3A_937 {strides = array<i32>} : memref<2x128xi32, #tpu.memory_space<vmem>>, vector<1x16xi32>,
        %mul3A_938 = arith.constant 200 : i32
        %mul3A_939 = arith.muli %add3A_911, %mul3A_938 : i32
        %add3A_940 = arith.constant 32 : i32
        %add3A_941 = arith.addi %mul3A_939, %add3A_940 : i32
        %get3A_942 = arith.index_cast %add3A_941 : i32 to index
        %get3A_943 = tpu.vector_load %arg6[%get3A_942] {strides = array<i32>} : memref<25600xi32, #tpu.memory_space<vmem>>, vector<16xi32>,
        %get3A_944 = vector.shape_cast %get3A_943 : vector<16xi32> to vector<16xi32>
        %swap3A_945 = arith.constant 1 : i32
        %swap3A_946 = arith.index_cast %swap3A_945 : i32 to index
        %swap3A_947 = arith.constant 32 : index
        %swap3A_948 = tpu.vector_load %arg7[%swap3A_946, %swap3A_947] {strides = array<i32>} : memref<2x128xi32, #tpu.memory_space<vmem>>, vector<1x16xi32>,
        %swap3A_949 = vector.shape_cast %swap3A_948 : vector<1x16xi32> to vector<16xi32>
        %swap3A_950 = vector.shape_cast %get3A_944 : vector<16xi32> to vector<1x16xi32>
        tpu.vector_store %arg7[%swap3A_946, %swap3A_947], %swap3A_950 {strides = array<i32>} : memref<2x128xi32, #tpu.memory_space<vmem>>, vector<1x16xi32>,
        %mul3A_951 = arith.constant 200 : i32
        %mul3A_952 = arith.muli %add3A_911, %mul3A_951 : i32
        %add3A_953 = arith.constant 48 : i32
        %add3A_954 = arith.addi %mul3A_952, %add3A_953 : i32
        %get3A_955 = arith.index_cast %add3A_954 : i32 to index
        %get3A_956 = tpu.vector_load %arg6[%get3A_955] {strides = array<i32>} : memref<25600xi32, #tpu.memory_space<vmem>>, vector<16xi32>,
        %get3A_957 = vector.shape_cast %get3A_956 : vector<16xi32> to vector<16xi32>
        %swap3A_958 = arith.constant 1 : i32
        %swap3A_959 = arith.index_cast %swap3A_958 : i32 to index
        %swap3A_960 = arith.constant 48 : index
        %swap3A_961 = tpu.vector_load %arg7[%swap3A_959, %swap3A_960] {strides = array<i32>} : memref<2x128xi32, #tpu.memory_space<vmem>>, vector<1x16xi32>,
        %swap3A_962 = vector.shape_cast %swap3A_961 : vector<1x16xi32> to vector<16xi32>
        %swap3A_963 = vector.shape_cast %get3A_957 : vector<16xi32> to vector<1x16xi32>
        tpu.vector_store %arg7[%swap3A_959, %swap3A_960], %swap3A_963 {strides = array<i32>} : memref<2x128xi32, #tpu.memory_space<vmem>>, vector<1x16xi32>,
        %mul3A_964 = arith.constant 200 : i32
        %mul3A_965 = arith.muli %add3A_911, %mul3A_964 : i32
        %add3A_966 = arith.constant 64 : i32
        %add3A_967 = arith.addi %mul3A_965, %add3A_966 : i32
        %get3A_968 = arith.index_cast %add3A_967 : i32 to index
        %get3A_969 = tpu.vector_load %arg6[%get3A_968] {strides = array<i32>} : memref<25600xi32, #tpu.memory_space<vmem>>, vector<16xi32>,
        %get3A_970 = vector.shape_cast %get3A_969 : vector<16xi32> to vector<16xi32>
        %swap3A_971 = arith.constant 1 : i32
        %swap3A_972 = arith.index_cast %swap3A_971 : i32 to index
        %swap3A_973 = arith.constant 64 : index
        %swap3A_974 = tpu.vector_load %arg7[%swap3A_972, %swap3A_973] {strides = array<i32>} : memref<2x128xi32, #tpu.memory_space<vmem>>, vector<1x16xi32>,
        %swap3A_975 = vector.shape_cast %swap3A_974 : vector<1x16xi32> to vector<16xi32>
        %swap3A_976 = vector.shape_cast %get3A_970 : vector<16xi32> to vector<1x16xi32>
        tpu.vector_store %arg7[%swap3A_972, %swap3A_973], %swap3A_976 {strides = array<i32>} : memref<2x128xi32, #tpu.memory_space<vmem>>, vector<1x16xi32>,
        %mul3A_977 = arith.constant 200 : i32
        %mul3A_978 = arith.muli %add3A_911, %mul3A_977 : i32
        %add3A_979 = arith.constant 80 : i32
        %add3A_980 = arith.addi %mul3A_978, %add3A_979 : i32
        %get3A_981 = arith.index_cast %add3A_980 : i32 to index
        %get3A_982 = tpu.vector_load %arg6[%get3A_981] {strides = array<i32>} : memref<25600xi32, #tpu.memory_space<vmem>>, vector<16xi32>,
        %get3A_983 = vector.shape_cast %get3A_982 : vector<16xi32> to vector<16xi32>
        %swap3A_984 = arith.constant 1 : i32
        %swap3A_985 = arith.index_cast %swap3A_984 : i32 to index
        %swap3A_986 = arith.constant 80 : index
        %swap3A_987 = tpu.vector_load %arg7[%swap3A_985, %swap3A_986] {strides = array<i32>} : memref<2x128xi32, #tpu.memory_space<vmem>>, vector<1x16xi32>,
        %swap3A_988 = vector.shape_cast %swap3A_987 : vector<1x16xi32> to vector<16xi32>
        %swap3A_989 = vector.shape_cast %get3A_983 : vector<16xi32> to vector<1x16xi32>
        tpu.vector_store %arg7[%swap3A_985, %swap3A_986], %swap3A_989 {strides = array<i32>} : memref<2x128xi32, #tpu.memory_space<vmem>>, vector<1x16xi32>,
        %mul3A_990 = arith.constant 200 : i32
        %mul3A_991 = arith.muli %add3A_911, %mul3A_990 : i32
        %add3A_992 = arith.constant 96 : i32
        %add3A_993 = arith.addi %mul3A_991, %add3A_992 : i32
        %get3A_994 = arith.index_cast %add3A_993 : i32 to index
        %get3A_995 = tpu.vector_load %arg6[%get3A_994] {strides = array<i32>} : memref<25600xi32, #tpu.memory_space<vmem>>, vector<16xi32>,
        %get3A_996 = vector.shape_cast %get3A_995 : vector<16xi32> to vector<16xi32>
        %swap3A_997 = arith.constant 1 : i32
        %swap3A_998 = arith.index_cast %swap3A_997 : i32 to index
        %swap3A_999 = arith.constant 96 : index
        %swap3A_1000 = tpu.vector_load %arg7[%swap3A_998, %swap3A_999] {strides = array<i32>} : memref<2x128xi32, #tpu.memory_space<vmem>>, vector<1x16xi32>,
        %swap3A_1001 = vector.shape_cast %swap3A_1000 : vector<1x16xi32> to vector<16xi32>
        %swap3A_1002 = vector.shape_cast %get3A_996 : vector<16xi32> to vector<1x16xi32>
        tpu.vector_store %arg7[%swap3A_998, %swap3A_999], %swap3A_1002 {strides = array<i32>} : memref<2x128xi32, #tpu.memory_space<vmem>>, vector<1x16xi32>,
        %mul3A_1003 = arith.constant 200 : i32
        %mul3A_1004 = arith.muli %add3A_911, %mul3A_1003 : i32
        %add3A_1005 = arith.constant 112 : i32
        %add3A_1006 = arith.addi %mul3A_1004, %add3A_1005 : i32
        %get3A_1007 = arith.index_cast %add3A_1006 : i32 to index
        %get3A_1008 = tpu.vector_load %arg6[%get3A_1007] {strides = array<i32>} : memref<25600xi32, #tpu.memory_space<vmem>>, vector<16xi32>,
        %get3A_1009 = vector.shape_cast %get3A_1008 : vector<16xi32> to vector<16xi32>
        %swap3A_1010 = arith.constant 1 : i32
        %swap3A_1011 = arith.index_cast %swap3A_1010 : i32 to index
        %swap3A_1012 = arith.constant 112 : index
        %swap3A_1013 = tpu.vector_load %arg7[%swap3A_1011, %swap3A_1012] {strides = array<i32>} : memref<2x128xi32, #tpu.memory_space<vmem>>, vector<1x16xi32>,
        %swap3A_1014 = vector.shape_cast %swap3A_1013 : vector<1x16xi32> to vector<16xi32>
        %swap3A_1015 = vector.shape_cast %get3A_1009 : vector<16xi32> to vector<1x16xi32>
        tpu.vector_store %arg7[%swap3A_1011, %swap3A_1012], %swap3A_1015 {strides = array<i32>} : memref<2x128xi32, #tpu.memory_space<vmem>>, vector<1x16xi32>,
        %mul3A_1016 = arith.constant 200 : i32
        %mul3A_1017 = arith.muli %add3A_911, %mul3A_1016 : i32
        %add3A_1018 = arith.constant 128 : i32
        %add3A_1019 = arith.addi %mul3A_1017, %add3A_1018 : i32
        %add3A_1020 = arith.constant 0 : i32
        %add3A_1021 = arith.addi %add3A_1019, %add3A_1020 : i32
        %get3A_1022 = arith.index_cast %add3A_1021 : i32 to index
        %get3A_1023 = tpu.vector_load %arg6[%get3A_1022] {strides = array<i32>} : memref<25600xi32, #tpu.memory_space<vmem>>, vector<16xi32>,
        %get3A_1024 = vector.shape_cast %get3A_1023 : vector<16xi32> to vector<16xi32>
        %swap3A_1025 = arith.constant 1 : i32
        %swap3A_1026 = arith.index_cast %swap3A_1025 : i32 to index
        %swap3A_1027 = arith.constant 0 : index
        %swap3A_1028 = tpu.vector_load %arg8[%swap3A_1026, %swap3A_1027] {strides = array<i32>} : memref<2x72xi32, #tpu.memory_space<vmem>>, vector<1x16xi32>,
        %swap3A_1029 = vector.shape_cast %swap3A_1028 : vector<1x16xi32> to vector<16xi32>
        %swap3A_1030 = vector.shape_cast %get3A_1024 : vector<16xi32> to vector<1x16xi32>
        tpu.vector_store %arg8[%swap3A_1026, %swap3A_1027], %swap3A_1030 {strides = array<i32>} : memref<2x72xi32, #tpu.memory_space<vmem>>, vector<1x16xi32>,
        %mul3A_1031 = arith.constant 200 : i32
        %mul3A_1032 = arith.muli %add3A_911, %mul3A_1031 : i32
        %add3A_1033 = arith.constant 128 : i32
        %add3A_1034 = arith.addi %mul3A_1032, %add3A_1033 : i32
        %add3A_1035 = arith.constant 16 : i32
        %add3A_1036 = arith.addi %add3A_1034, %add3A_1035 : i32
        %get3A_1037 = arith.index_cast %add3A_1036 : i32 to index
        %get3A_1038 = tpu.vector_load %arg6[%get3A_1037] {strides = array<i32>} : memref<25600xi32, #tpu.memory_space<vmem>>, vector<16xi32>,
        %get3A_1039 = vector.shape_cast %get3A_1038 : vector<16xi32> to vector<16xi32>
        %swap3A_1040 = arith.constant 1 : i32
        %swap3A_1041 = arith.index_cast %swap3A_1040 : i32 to index
        %swap3A_1042 = arith.constant 16 : index
        %swap3A_1043 = tpu.vector_load %arg8[%swap3A_1041, %swap3A_1042] {strides = array<i32>} : memref<2x72xi32, #tpu.memory_space<vmem>>, vector<1x16xi32>,
        %swap3A_1044 = vector.shape_cast %swap3A_1043 : vector<1x16xi32> to vector<16xi32>
        %swap3A_1045 = vector.shape_cast %get3A_1039 : vector<16xi32> to vector<1x16xi32>
        tpu.vector_store %arg8[%swap3A_1041, %swap3A_1042], %swap3A_1045 {strides = array<i32>} : memref<2x72xi32, #tpu.memory_space<vmem>>, vector<1x16xi32>,
        %mul3A_1046 = arith.constant 200 : i32
        %mul3A_1047 = arith.muli %add3A_911, %mul3A_1046 : i32
        %add3A_1048 = arith.constant 128 : i32
        %add3A_1049 = arith.addi %mul3A_1047, %add3A_1048 : i32
        %add3A_1050 = arith.constant 32 : i32
        %add3A_1051 = arith.addi %add3A_1049, %add3A_1050 : i32
        %get3A_1052 = arith.index_cast %add3A_1051 : i32 to index
        %get3A_1053 = tpu.vector_load %arg6[%get3A_1052] {strides = array<i32>} : memref<25600xi32, #tpu.memory_space<vmem>>, vector<16xi32>,
        %get3A_1054 = vector.shape_cast %get3A_1053 : vector<16xi32> to vector<16xi32>
        %swap3A_1055 = arith.constant 1 : i32
        %swap3A_1056 = arith.index_cast %swap3A_1055 : i32 to index
        %swap3A_1057 = arith.constant 32 : index
        %swap3A_1058 = tpu.vector_load %arg8[%swap3A_1056, %swap3A_1057] {strides = array<i32>} : memref<2x72xi32, #tpu.memory_space<vmem>>, vector<1x16xi32>,
        %swap3A_1059 = vector.shape_cast %swap3A_1058 : vector<1x16xi32> to vector<16xi32>
        %swap3A_1060 = vector.shape_cast %get3A_1054 : vector<16xi32> to vector<1x16xi32>
        tpu.vector_store %arg8[%swap3A_1056, %swap3A_1057], %swap3A_1060 {strides = array<i32>} : memref<2x72xi32, #tpu.memory_space<vmem>>, vector<1x16xi32>,
        %mul3A_1061 = arith.constant 200 : i32
        %mul3A_1062 = arith.muli %add3A_911, %mul3A_1061 : i32
        %add3A_1063 = arith.constant 128 : i32
        %add3A_1064 = arith.addi %mul3A_1062, %add3A_1063 : i32
        %add3A_1065 = arith.constant 48 : i32
        %add3A_1066 = arith.addi %add3A_1064, %add3A_1065 : i32
        %get3A_1067 = arith.index_cast %add3A_1066 : i32 to index
        %get3A_1068 = tpu.vector_load %arg6[%get3A_1067] {strides = array<i32>} : memref<25600xi32, #tpu.memory_space<vmem>>, vector<16xi32>,
        %get3A_1069 = vector.shape_cast %get3A_1068 : vector<16xi32> to vector<16xi32>
        %swap3A_1070 = arith.constant 1 : i32
        %swap3A_1071 = arith.index_cast %swap3A_1070 : i32 to index
        %swap3A_1072 = arith.constant 48 : index
        %swap3A_1073 = tpu.vector_load %arg8[%swap3A_1071, %swap3A_1072] {strides = array<i32>} : memref<2x72xi32, #tpu.memory_space<vmem>>, vector<1x16xi32>,
        %swap3A_1074 = vector.shape_cast %swap3A_1073 : vector<1x16xi32> to vector<16xi32>
        %swap3A_1075 = vector.shape_cast %get3A_1069 : vector<16xi32> to vector<1x16xi32>
        tpu.vector_store %arg8[%swap3A_1071, %swap3A_1072], %swap3A_1075 {strides = array<i32>} : memref<2x72xi32, #tpu.memory_space<vmem>>, vector<1x16xi32>,
        %mul3A_1076 = arith.constant 200 : i32
        %mul3A_1077 = arith.muli %add3A_911, %mul3A_1076 : i32
        %add3A_1078 = arith.constant 128 : i32
        %add3A_1079 = arith.addi %mul3A_1077, %add3A_1078 : i32
        %add3A_1080 = arith.constant 56 : i32
        %add3A_1081 = arith.addi %add3A_1079, %add3A_1080 : i32
        %get3A_1082 = arith.index_cast %add3A_1081 : i32 to index
        %get3A_1083 = tpu.vector_load %arg6[%get3A_1082] {strides = array<i32>} : memref<25600xi32, #tpu.memory_space<vmem>>, vector<16xi32>,
        %get3A_1084 = vector.shape_cast %get3A_1083 : vector<16xi32> to vector<16xi32>
        %swap3A_1085 = arith.constant 1 : i32
        %swap3A_1086 = arith.index_cast %swap3A_1085 : i32 to index
        %swap3A_1087 = arith.constant 56 : index
        %swap3A_1088 = tpu.vector_load %arg8[%swap3A_1086, %swap3A_1087] {strides = array<i32>} : memref<2x72xi32, #tpu.memory_space<vmem>>, vector<1x16xi32>,
        %swap3A_1089 = vector.shape_cast %swap3A_1088 : vector<1x16xi32> to vector<16xi32>
        %swap3A_1090 = vector.shape_cast %get3A_1084 : vector<16xi32> to vector<1x16xi32>
        tpu.vector_store %arg8[%swap3A_1086, %swap3A_1087], %swap3A_1090 {strides = array<i32>} : memref<2x72xi32, #tpu.memory_space<vmem>>, vector<1x16xi32>,
        %dma_start3A_1091 = arith.constant 1 : i32
        %dma_start3A_1092 = arith.constant 1 : i32
        %dma_start3A_1093 = arith.constant 0 : i32
        %dma_start3A_1094 = arith.constant 0 : i32
        %dma_start3A_1095 = tpu.memref_slice %arg9[%dma_start3A_1092, %dma_start3A_1093, %dma_start3A_1094] : memref<2x200x128xf32, #tpu.memory_space<vmem>> -> memref<1x200x128xf32, #tpu.memory_space<vmem>>
        %dma_start3A_1096 = tpu.memref_squeeze %dma_start3A_1095 : memref<1x200x128xf32, #tpu.memory_space<vmem>> -> memref<200x128xf32, #tpu.memory_space<vmem>>
        %dma_start3A_1097 = arith.constant 0 : i32
        %dma_start3A_1098 = arith.constant 0 : i32
        %dma_start3A_1099 = tpu.memref_slice %dma_start3A_1096[%dma_start3A_1097, %dma_start3A_1098] : memref<200x128xf32, #tpu.memory_space<vmem>> -> memref<128x128xf32, #tpu.memory_space<vmem>>
        %dma_start3A_1100 = arith.constant 0 : i32
        %dma_start3A_1101 = tpu.memref_slice %arg7[%dma_start3A_1091, %dma_start3A_1100] : memref<2x128xi32, #tpu.memory_space<vmem>> -> memref<1x128xi32, #tpu.memory_space<vmem>>
        %dma_start3A_1102 = tpu.memref_squeeze %dma_start3A_1101 : memref<1x128xi32, #tpu.memory_space<vmem>> -> memref<128xi32, #tpu.memory_space<vmem>>
        %dma_start3A_1103 = arith.constant 0 : i32
        %dma_start3A_1104 = arith.constant 0 : i32
        %dma_start3A_1105 = tpu.memref_slice %arg3[%dma_start3A_1103, %dma_start3A_1104] : memref<1000000x128xf32, #tpu.memory_space<hbm>> -> memref<1000000x128xf32, #tpu.memory_space<hbm>>
        tpu.enqueue_indirect_dma source(%dma_start3A_1105 : memref<1000000x128xf32, #tpu.memory_space<hbm>>) target(%dma_start3A_1099 : memref<128x128xf32, #tpu.memory_space<vmem>>) offsets(%dma_start3A_1102 : memref<128xi32, #tpu.memory_space<vmem>>) semaphore(%arg12 : memref<!tpu.dma_semaphore, #tpu.memory_space<semaphore_mem>>)
        %dma_start3A_1106 = arith.constant 1 : i32
        %dma_start3A_1107 = arith.constant 1 : i32
        %dma_start3A_1108 = arith.constant 0 : i32
        %dma_start3A_1109 = arith.constant 0 : i32
        %dma_start3A_1110 = tpu.memref_slice %arg9[%dma_start3A_1107, %dma_start3A_1108, %dma_start3A_1109] : memref<2x200x128xf32, #tpu.memory_space<vmem>> -> memref<1x200x128xf32, #tpu.memory_space<vmem>>
        %dma_start3A_1111 = tpu.memref_squeeze %dma_start3A_1110 : memref<1x200x128xf32, #tpu.memory_space<vmem>> -> memref<200x128xf32, #tpu.memory_space<vmem>>
        %dma_start3A_1112 = arith.constant 128 : i32
        %dma_start3A_1113 = arith.constant 0 : i32
        %dma_start3A_1114 = tpu.memref_slice %dma_start3A_1111[%dma_start3A_1112, %dma_start3A_1113] : memref<200x128xf32, #tpu.memory_space<vmem>> -> memref<72x128xf32, #tpu.memory_space<vmem>>
        %dma_start3A_1115 = arith.constant 0 : i32
        %dma_start3A_1116 = tpu.memref_slice %arg8[%dma_start3A_1106, %dma_start3A_1115] : memref<2x72xi32, #tpu.memory_space<vmem>> -> memref<1x72xi32, #tpu.memory_space<vmem>>
        %dma_start3A_1117 = tpu.memref_squeeze %dma_start3A_1116 : memref<1x72xi32, #tpu.memory_space<vmem>> -> memref<72xi32, #tpu.memory_space<vmem>>
        %dma_start3A_1118 = arith.constant 0 : i32
        %dma_start3A_1119 = arith.constant 0 : i32
        %dma_start3A_1120 = tpu.memref_slice %arg3[%dma_start3A_1118, %dma_start3A_1119] : memref<1000000x128xf32, #tpu.memory_space<hbm>> -> memref<1000000x128xf32, #tpu.memory_space<hbm>>
        tpu.enqueue_indirect_dma source(%dma_start3A_1120 : memref<1000000x128xf32, #tpu.memory_space<hbm>>) target(%dma_start3A_1114 : memref<72x128xf32, #tpu.memory_space<vmem>>) offsets(%dma_start3A_1117 : memref<72xi32, #tpu.memory_space<vmem>>) semaphore(%arg12 : memref<!tpu.dma_semaphore, #tpu.memory_space<semaphore_mem>>)
      } else {
      }
    }
    %scan3A_704 = arith.constant 63 : i32
    %add3A_705 = arith.constant 126 : i32
    %add3A_706 = arith.addi %mul3A_2, %add3A_705 : i32
    %dma_wait3A_707 = arith.constant 0 : i32
    %dma_wait3A_708 = arith.constant 0 : i32
    %dma_wait3A_709 = arith.constant 0 : i32
    %dma_wait3A_710 = tpu.memref_slice %arg10[%dma_wait3A_707, %dma_wait3A_708, %dma_wait3A_709] : memref<2x200x128xf32, #tpu.memory_space<vmem>> -> memref<1x200x128xf32, #tpu.memory_space<vmem>>
    %dma_wait3A_711 = tpu.memref_squeeze %dma_wait3A_710 : memref<1x200x128xf32, #tpu.memory_space<vmem>> -> memref<200x128xf32, #tpu.memory_space<vmem>>
    %dma_wait3A_712 = arith.constant 0 : i32
    %dma_wait3A_713 = arith.constant 0 : i32
    %dma_wait3A_714 = tpu.memref_slice %arg5[%add3A_706, %dma_wait3A_712, %dma_wait3A_713] : memref<4096x200x128xf32, #tpu.memory_space<hbm>> -> memref<1x200x128xf32, #tpu.memory_space<hbm>>
    %dma_wait3A_715 = tpu.memref_squeeze %dma_wait3A_714 : memref<1x200x128xf32, #tpu.memory_space<hbm>> -> memref<200x128xf32, #tpu.memory_space<hbm>>
    %dma_wait3A_716 = arith.constant 0 : i32
    %dma_wait3A_717 = arith.constant 0 : i32
    %dma_wait3A_718 = tpu.memref_slice %arg5[%add3A_706, %dma_wait3A_716, %dma_wait3A_717] : memref<4096x200x128xf32, #tpu.memory_space<hbm>> -> memref<1x200x128xf32, #tpu.memory_space<hbm>>
    %dma_wait3A_719 = tpu.memref_squeeze %dma_wait3A_718 : memref<1x200x128xf32, #tpu.memory_space<hbm>> -> memref<200x128xf32, #tpu.memory_space<hbm>>
    %dma_wait3A_720 = arith.constant 0 : i32
    %dma_wait3A_721 = arith.constant 0 : i32
    %dma_wait3A_722 = tpu.memref_slice %arg10[%dma_wait3A_707, %dma_wait3A_720, %dma_wait3A_721] : memref<2x200x128xf32, #tpu.memory_space<vmem>> -> memref<1x200x128xf32, #tpu.memory_space<vmem>>
    %dma_wait3A_723 = tpu.memref_squeeze %dma_wait3A_722 : memref<1x200x128xf32, #tpu.memory_space<vmem>> -> memref<200x128xf32, #tpu.memory_space<vmem>>
    tpu.wait_dma2 semaphore(%arg13 : memref<!tpu.dma_semaphore, #tpu.memory_space<semaphore_mem>>) src(%dma_wait3A_723 : memref<200x128xf32, #tpu.memory_space<vmem>>) dst(%dma_wait3A_719 : memref<200x128xf32, #tpu.memory_space<hbm>>)
    %add3A_724 = arith.constant 127 : i32
    %add3A_725 = arith.addi %mul3A_2, %add3A_724 : i32
    %dma_wait3A_726 = arith.constant 1 : i32
    %dma_wait3A_727 = arith.constant 0 : i32
    %dma_wait3A_728 = arith.constant 0 : i32
    %dma_wait3A_729 = tpu.memref_slice %arg10[%dma_wait3A_726, %dma_wait3A_727, %dma_wait3A_728] : memref<2x200x128xf32, #tpu.memory_space<vmem>> -> memref<1x200x128xf32, #tpu.memory_space<vmem>>
    %dma_wait3A_730 = tpu.memref_squeeze %dma_wait3A_729 : memref<1x200x128xf32, #tpu.memory_space<vmem>> -> memref<200x128xf32, #tpu.memory_space<vmem>>
    %dma_wait3A_731 = arith.constant 0 : i32
    %dma_wait3A_732 = arith.constant 0 : i32
    %dma_wait3A_733 = tpu.memref_slice %arg5[%add3A_725, %dma_wait3A_731, %dma_wait3A_732] : memref<4096x200x128xf32, #tpu.memory_space<hbm>> -> memref<1x200x128xf32, #tpu.memory_space<hbm>>
    %dma_wait3A_734 = tpu.memref_squeeze %dma_wait3A_733 : memref<1x200x128xf32, #tpu.memory_space<hbm>> -> memref<200x128xf32, #tpu.memory_space<hbm>>
    %dma_wait3A_735 = arith.constant 0 : i32
    %dma_wait3A_736 = arith.constant 0 : i32
    %dma_wait3A_737 = tpu.memref_slice %arg5[%add3A_725, %dma_wait3A_735, %dma_wait3A_736] : memref<4096x200x128xf32, #tpu.memory_space<hbm>> -> memref<1x200x128xf32, #tpu.memory_space<hbm>>
    %dma_wait3A_738 = tpu.memref_squeeze %dma_wait3A_737 : memref<1x200x128xf32, #tpu.memory_space<hbm>> -> memref<200x128xf32, #tpu.memory_space<hbm>>
    %dma_wait3A_739 = arith.constant 0 : i32
    %dma_wait3A_740 = arith.constant 0 : i32
    %dma_wait3A_741 = tpu.memref_slice %arg10[%dma_wait3A_726, %dma_wait3A_739, %dma_wait3A_740] : memref<2x200x128xf32, #tpu.memory_space<vmem>> -> memref<1x200x128xf32, #tpu.memory_space<vmem>>
    %dma_wait3A_742 = tpu.memref_squeeze %dma_wait3A_741 : memref<1x200x128xf32, #tpu.memory_space<vmem>> -> memref<200x128xf32, #tpu.memory_space<vmem>>
    tpu.wait_dma2 semaphore(%arg14 : memref<!tpu.dma_semaphore, #tpu.memory_space<semaphore_mem>>) src(%dma_wait3A_742 : memref<200x128xf32, #tpu.memory_space<vmem>>) dst(%dma_wait3A_738 : memref<200x128xf32, #tpu.memory_space<hbm>>)
    return
  }
}

</mosaic_0001>

<sc_bundles>
// kernel: kernel.3.cloned.1.call-start
scs
__scs_entry_jumppad:
0x0: {  	(pc) =	sbr.rel $0x88, $3  }
0x1: {  	(tag) =	ssettag $0x0;
	lr =	simm.s32 $0x1  }
0x2: {  	[smem:$0x3F9E] =	sst lr;
	_ =	strace $0xD0000000  }
0x3: {  	_ = 	snop  }
0x4: {  	_ = 	snop  }
0x5: {  	_ = 	snop  }
0x6: {  	_ = 	snop  }
0x7: {  	_ = 	snop  }
__scs_overlays_trampoline_lowered:
0x8: {  	[smem:$0x3FAD] =	sst s0  }
0x9: {  	[smem:$0x3FAE] =	sst s1  }
0xa: {  	[smem:$0x3FAF] =	sst s2  }
0xb: {  	[smem:$0x3FB0] =	sst s3  }
0xc: {  	[smem:$0x3FB1] =	sst s4  }
0xd: {  	[smem:$0x3FB2] =	sst s5  }
0xe: {  	[smem:$0x3FB3] =	sst s6  }
0xf: {  	[smem:$0x3FB4] =	sst s7  }
0x10: {  	[smem:$0x3FB5] =	sst s8  }
0x11: {  	[smem:$0x3FB6] =	sst s9;
	s0 =	simm.s32 @!p0 $0x0  }
0x12: {  	s1 =	sld [smem:$0x3F9C];
	s0 =	simm.s32 @p0 $0x1  }
0x13: {  	[smem:$0x3FB7] =	sst s0;
	s0 =	simm.s32 @!p1 $0x0  }
0x14: {  	s2 =	sld [smem:$0x3F9B];
	s0 =	simm.s32 @p1 $0x1  }
0x15: {  	[smem:$0x3FB8] =	sst s0;
	s0 =	simm.s32 @!p2 $0x0  }
0x16: {  	s3 =	sld [smem:$0x3FDB];
	s0 =	simm.s32 @p2 $0x1  }
0x17: {  	s4 =	simm.s32 $0x1BF5;
	[smem:$0x3FBA] =	sst s0  }
0x18: {  	s0 =	sld [smem:$0x3F9D];
	_ =	swait.ge [sflag:s4], $0x0  }
0x19: {  	s7 =	sld [smem:$0x3F9E]  }
0x1a: {  	s8 =	sadd.s32 $0xFFFFE003, lr  }
0x1b: {  	s9 =	sadd.s32 $0xFFFFFEF7, lr;
	s5 =	simm.s32 $0xFFFFFFFF;
	p2 =	slt.u32 s8, $0xFFFFF086  }
0x1c: {  	p1 =	slt.u32 s9, $0xF7A;
	s5 =	simm.s32 @!p2 $0x0  }
0x1d: {  	s5 =	simm.s32 @p1 $0x1;
	p0 =	seq.s32 s7, s2  }
0x1e: {  	s7 =	smul.u32 @!p0 $0xF7A, s2;
	p2 =	seq.s32 @!p0 s5, $0x0  }
0x1f: {  	s9 =	smul.u32 $0xF7A, s1;
	s8 =	simm.s32 @!p0 $0x1BF5;
	p2 =	por !p2, p0  }
0x20: {  	[sflag:s8] =	ssyncset.s32 @!p0 $0xFFFFF086;
	s6 =	sadd.s32 @!p0 s3, s7;
	s7 =	simm.s32 @!p0 $0x108  }
0x21: {  	s3 =	sadd.s32 s3, s9;
	s6 =	sadd.s32 @!p0 $0x88, s6;
	s7 =	simm.s32 @p2 $0x1082  }
0x22: {  	[simem:s7], [sflag:s8] =	dma.local @!p0 [hbm:s6], $0xF7A  }
0x23: {  	s9 =	sor.u32 $0xD0000000, s2;
	s6 =	simm.s32 $0x108;
	_ =	swait.ge @!p0 [sflag:s8], $0x0  }
0x24: {  	s3 =	sadd.s32 $0x88, s3;
	s6 =	simm.s32 @!p1 $0x1082;
	[sflag:s4] =	ssyncset.s32 $0xFFFFF086  }
0x25: {  	[simem:s6], [sflag:s4] =	dma.local [hbm:s3], $0xF7A  }
0x26: {  	[smem:$0x3F9E] =	sst s1;
	(tag) =	ssettag s2;
	_ =	strace s9  }
0x27: {  	s1 =	sld [smem:$0x3FAE]  }
0x28: {  	s2 =	sld [smem:$0x3FAF]  }
0x29: {  	s4 =	sld [smem:$0x3FB1]  }
0x2a: {  	p0 =	seq.s32 s5, $0x0;
	s5 =	sld [smem:$0x3FB2]  }
0x2b: {  	s6 =	sld [smem:$0x3FB3]  }
0x2c: {  	s7 =	sld [smem:$0x3FB4]  }
0x2d: {  	s3 =	simm.s32 $0x108;
	s8 =	sld [smem:$0x3FB5]  }
0x2e: {  	s3 =	simm.s32 @!p0 $0x1082;
	s9 =	sld [smem:$0x3FB6]  }
0x2f: {  	lr =	sadd.s32 s0, s3;
	s0 =	sld [smem:$0x3FAD]  }
0x30: {  	s3 =	sld [smem:$0x3FB0]  }
0x31: {  	[smem:$0x3FB9] =	sst s10  }
0x32: {  	s10 =	sld [smem:$0x3FB7];
	_ =	sdelay $0x3  }
0x33: {  	p0 =	seq.s32 s10, $0x1;
	s10 =	sld [smem:$0x3FB9];
	_ =	sdelay $0x3  }
0x34: {  	[smem:$0x3FB9] =	sst s10  }
0x35: {  	s10 =	sld [smem:$0x3FB8];
	_ =	sdelay $0x3  }
0x36: {  	p1 =	seq.s32 s10, $0x1;
	s10 =	sld [smem:$0x3FB9];
	_ =	sdelay $0x3  }
0x37: {  	[smem:$0x3FB9] =	sst s10  }
0x38: {  	s10 =	sld [smem:$0x3FBA]  }
0x39: {  	_ = 	snop;
	(pc) =	sbr.ind lr, $3  }
0x3a: {  	_ = 	snop  }
0x3b: {  	_ = 	snop  }
0x3c: {  	p2 =	seq.s32 s10, $0x1;
	s10 =	sld [smem:$0x3FB9]  }
0x3d: {  	_ =	shalt  }
0x3e: {  	_ =	shalt  }
0x3f: {  	_ =	shalt  }
0x40: {  	_ =	shalt  }
0x41: {  	_ =	shalt  }
0x42: {  	_ =	shalt  }
0x43: {  	_ =	shalt  }
0x44: {  	_ =	shalt  }
0x45: {  	_ =	shalt  }
0x46: {  	_ =	shalt  }
0x47: {  	_ =	shalt  }
0x48: {  	_ =	shalt  }
0x49: {  	_ =	shalt  }
0x4a: {  	_ =	shalt  }
0x4b: {  	_ =	shalt  }
0x4c: {  	_ =	shalt  }
0x4d: {  	_ =	shalt  }
0x4e: {  	_ =	shalt  }
0x4f: {  	_ =	shalt  }
0x50: {  	_ =	shalt  }
0x51: {  	_ =	shalt  }
0x52: {  	_ =	shalt  }
0x53: {  	_ =	shalt  }
0x54: {  	_ =	shalt  }
0x55: {  	_ =	shalt  }
0x56: {  	_ =	shalt  }
0x57: {  	_ =	shalt  }
0x58: {  	_ =	shalt  }
0x59: {  	_ =	shalt  }
0x5a: {  	_ =	shalt  }
0x5b: {  	_ =	shalt  }
0x5c: {  	_ =	shalt  }
0x5d: {  	_ =	shalt  }
0x5e: {  	_ =	shalt  }
0x5f: {  	_ =	shalt  }
0x60: {  	_ =	shalt  }
0x61: {  	_ =	shalt  }
0x62: {  	_ =	shalt  }
0x63: {  	_ =	shalt  }
0x64: {  	_ =	shalt  }
0x65: {  	_ =	shalt  }
0x66: {  	_ =	shalt  }
0x67: {  	_ =	shalt  }
0x68: {  	_ =	shalt  }
0x69: {  	_ =	shalt  }
0x6a: {  	_ =	shalt  }
0x6b: {  	_ =	shalt  }
0x6c: {  	_ =	shalt  }
0x6d: {  	_ =	shalt  }
0x6e: {  	_ =	shalt  }
0x6f: {  	_ =	shalt  }
0x70: {  	_ =	shalt  }
0x71: {  	_ =	shalt  }
0x72: {  	_ =	shalt  }
0x73: {  	_ =	shalt  }
0x74: {  	_ =	shalt  }
0x75: {  	_ =	shalt  }
0x76: {  	_ =	shalt  }
0x77: {  	_ =	shalt  }
0x78: {  	_ =	shalt  }
0x79: {  	_ =	shalt  }
0x7a: {  	_ =	shalt  }
0x7b: {  	_ =	shalt  }
0x7c: {  	_ =	shalt  }
0x7d: {  	_ =	shalt  }
0x7e: {  	_ =	shalt  }
0x7f: {  	_ =	shalt  }
0x80: {  	_ =	shalt  }
0x81: {  	_ =	shalt  }
0x82: {  	_ =	shalt  }
0x83: {  	_ =	shalt  }
0x84: {  	_ =	shalt  }
0x85: {  	_ =	shalt  }
0x86: {  	_ =	shalt  }
0x87: {  	_ =	shalt  }
.Lfunc_end0:
.L_simem_size_0:
called_computation_lowered:
.L_overlay_start_0:
0x88: {  	s2 =	sld [smem:$0x3FD9]  }
0x89: {  	s3 =	sld [smem:$0x3FFE];
	_ =	sdelay $0x1  }
0x8a: {  	s1 =	srdreg.scid  }
0x8b: {  	s0 =	sand.u32 $0x1, s1  }
0x8c: {  	s17 =	sshll.u32 s0, $0xA;
	s2 =	sadd.s32 s3, s2  }
0x8d: {  	s2 =	sadd.s32 s2, s17  }
0x8e: {  	[smem:$0x3FC5] =	sst s2  }
0x8f: {  	_ = 	snop  }
0x90: {  	s2 =	sld [smem:$0x3FD0];
	(tm) =	ssettm $0x1  }
0x91: {  	s18 =	sld [smem:$0x3FFB];
	_ =	sdelay $0x3  }
0x92: {  	_ =	strace s18  }
0x93: {  	s3 =	sld [smem:$0x3FFC];
	_ =	sdelay $0x3  }
0x94: {  	_ =	strace s3  }
0x95: {  	s3 =	sld [smem:$0x3FFD];
	_ =	sdelay $0x3  }
0x96: {  	_ =	strace s3  }
0x97: {  	_ =	strace $0x8FFFFFFF  }
0x98: {  	s19 =	sld [smem:$0x3FDB];
	_ =	sdelay $0x1  }
0x99: {  	s4 =	simm.s32 $_scs_section_size  }
0x9a: {  	s5 =	simm.s32 $_size__tile_overlayer_lowered;
	s6 =	simm.s32 $_tile_overlayer_lowered  }
0x9b: {  	s22 =	simm.s32 $0x1BFF;
	s21 =	sshll.u32 s6, $0x1;
	s3 =	sadd.s32 s4, s19  }
0x9c: {  	s7 =	simm.s32 $0x0;
	s20 =	sshll.u32 s5, $0x1;
	s5 =	sadd.s32 s21, s3  }
0x9d: {  	[timem:s7], [sflag:s22] =	dma.local [hbm:s5], s20  }
0x9e: {  	_ =	swait.ge [sflag:s22], s20  }
0x9f: {  	s4 =	ssub.s32 $0x0, s20;
	[sflag:s22] =	ssyncset.done $0x0  }
0xa0: {  	[sflag:s22] =	ssyncadd.s32 s4;
	_ =	sdelay $0x1  }
0xa1: {  	s23 =	simm.s32 $0x1B8B  }
0xa2: {  	_ =	swait.ge [sflag:s23], $0x1  }
0xa3: {  	[sflag:s23] =	ssyncset.done $0x0  }
0xa4: {  	s25 =	simm.s32 $0x1B8E;
	s24 =	sld [smem:$0x3FFE];
	[sflag:s23] =	ssyncadd.s32 $0xFFFFFFFF  }
0xa5: {  	s26 =	simm.s32 $execute0_lowered;
	[smem:$0x3FD2] =	sst s25  }
0xa6: {  	s5 =	sshll.u32 s26, $0x1;
	_ =	strace $0x80000046;
	[dreg:$0x1] =	wrdreg $0xFFFFFFFF  }
0xa7: {  	s28 =	simm.s32 $_size_execute0_lowered;
	s3 =	sadd.s32 s3, s5;
	[dreg:$0x0] =	wrdreg $0x0  }
0xa8: {  	s5 =	sshll.u32 s28, $0x1;
	[dreg:$0x2] =	wrdreg s3  }
0xa9: {  	[dreg:$0x3] =	wrdreg s5  }
0xaa: {  	[dreg:$0x4] =	wrdreg $0xC0  }
0xab: {  	_ =	task [dreg:s7], $0x5FFFF  }
0xac: {  	[dreg:$0x1] =	wrdreg $0xFFFFFFFF  }
0xad: {  	[dreg:$0x0] =	wrdreg $0x60  }
0xae: {  	[dreg:$0x2] =	wrdreg s24  }
0xaf: {  	[dreg:$0x3] =	wrdreg s2  }
0xb0: {  	[dreg:$0x4] =	wrdreg $0x9  }
0xb1: {  	_ =	task.clear_ibuf [dreg:s7], $0x5FFFF;
	_ =	strace $0x90000046  }
0xb2: {  	s29 =	simm.s32 $0x9;
	_ =	strace $0x80000048  }
0xb3: {  	_ =	swait.ge [sflag:s29], $0x1  }
0xb4: {  	[sflag:s29] =	ssyncadd.s32 $0xFFFFFFFF  }
0xb5: {  	_ =	strace $0x90000048  }
0xb6: {  	_ =	sfence  }
0xb7: {  	s30 =	sld [smem:$0x0];
	_ =	sdelay $0x2  }
0xb8: {  	s31 =	sshll.u32 s1, $0xD;
	s1 =	sshrl.u32 s1, $0x2  }
0xb9: {  	s3 =	sand.u32 $0x4000, s31;
	s1 =	sadd.s32 s1, s30  }
0xba: {  	s0 =	sor.u32 s3, s0;
	s1 =	sshll.u32 s1, $0x11  }
0xbb: {  	s0 =	sor.u32 s1, s0  }
0xbc: {  	s0 =	sadd.s32 $0x8F2B, s0  }
0xbd: {  	[sflag:s0] =	ssyncadd.remote.s32 $0x1  }
0xbe: {  	_ =	sfence.sel $0xFFFF  }
0xbf: {  	[dreg:$0x0] =	wrdreg $0xFFFFFFFF;
	(pc) =	sbr.abs _section_cstart, $3  }
0xc0: {  	[dreg:$0x1] =	wrdreg $0xFFFFFFFF  }
0xc1: {  	_ =	task.clear_ibuf [dreg:s7], $0x2FFFF;
	_ =	strace $0x9FFFFFFF  }
0xc2: {  	(tm) =	ssettm $0x7FFFFFFF  }
0xc3: {  	_ =	shalt  }
tec
execute0_lowered:
.L_overlay_start_1:
0x0: {  	(tag) =	ssettag $0x1  }
0x1: {  	s1 =	rddreg [dreg:$0x0]  }
0x2: {  	s0 =	srdreg.scid;
	s2 =	rddreg [dreg:$0x1]  }
0x3: {  	s5 =	stileid.u32;
	s3 =	simm.s32 $0x0;
	s11 =	simm.s32 $0x5  }
0x4: {  	s12 =	simm.s32 $0x12E00;
	s13 =	simm.s32 $0x19200;
	s14 =	simm.s32 $0x80  }
0x5: {  	s15 =	simm.s32 $0x6400;
	s16 =	simm.s32 $0x6600;
	s17 =	simm.s32 $0x48  }
0x6: {  	s18 =	simm.s32 $0x6500;
	s19 =	simm.s32 $0xA600;
	s20 =	simm.s32 $0x6480  }
0x7: {  	s21 =	simm.s32 $0xCA00;
	s22 =	simm.s32 $0x6580;
	s0 =	sand.u32 $0x1, s0  }
0x8: {  	s23 =	simm.s32 $0x10A00;
	s24 =	simm.s32 $0x1;
	s4 =	sshll.u32 s0, $0x4  }
0x9: {  	s25 =	simm.s32 $0x2;
	s26 =	simm.s32 $0x3;
	s6 =	sor.u32 s5, s4  }
0xa: {  	s28 =	simm.s32 $0x4;
	s29 =	simm.s32 $0x0;
	s4 =	smul.u32 $0xC80, s6  }
.Ltmp0:
0xb: {  	[smem:$0x7FF] =	sst s3;
	s0 =	ssub.s32 $0x2, s0;
	(pc) =	sbr.rel .LBB2_1-.Ltmp0, $4  }
0xc: {  	_ =	strace $0x80000047;
	s31 =	sshrl.u32 s0, $0x1;
	s7 =	smul.u32 $0x64000, s6  }
0xd: {  	s5 =	sadd.s32 $0x19400, s1;
	s0 =	ssub.s32 s0, s31;
	s6 =	sshll.u32 s6, $0x7  }
0xe: {  	s10 =	smax.u32 s0, $0x1;
	s8 =	sadd.s32 s4, s1;
	s7 =	sadd.s32 s2, s7  }
0xf: {  	s4 =	sadd.s32 $0x1A200, s1;
	s8 =	sadd.s32 $0x400, s8;
	s9 =	sadd.s32 $0xC80, s7  }
.LBB2_12:
0x10: {  	s29 =	sadd.s32 $0x1, s29  }
0x11: {  	_ =	swait.ge [sflag:s26], $0x6400;
	p0 =	sne.s32 s29, s10  }
.Ltmp1:
0x12: {  	[sflag:s26] =	ssyncset.done $0x0;
	(pc) =	sbr.rel @!p0 .LBB2_13-.Ltmp1, $4  }
0x13: {  	[sflag:s26] =	ssyncadd.s32 $0xFFFF9C00  }
0x14: {  	_ =	swait.ge [sflag:s28], $0x6400  }
0x15: {  	[sflag:s28] =	ssyncset.done $0x0  }
0x16: {  	s15 =	simm.s32 $0x6400;
	[sflag:s28] =	ssyncadd.s32 $0xFFFF9C00  }
.LBB2_1:
0x17: {  	[tilespmem:s3], [sflag:$0x5] =	stream.linear.gather [hbm4b:s8+s3], $0x6400, $0x38;
	[tilespmem:$0x1F600] =	vst v63  }
0x18: {  	_ =	swait.ge [sflag:s11], $0x6400  }
0x19: {  	[sflag:s11] =	ssyncset.done $0x0  }
0x1a: {  	[sflag:s11] =	ssyncadd.s32 $0xFFFF9C00  }
0x1b: {  	[tilespmem:s12], [sflag:$0x5] =	stream.linear.gather [hbm4b:s5+s3], $0x6400, $0x38;
	[tilespmem:$0x1F600] =	vst v63  }
0x1c: {  	_ =	swait.ge [sflag:s11], $0x6400  }
0x1d: {  	[sflag:s11] =	ssyncset.done $0x0  }
0x1e: {  	[sflag:s11] =	ssyncadd.s32 $0xFFFF9C00  }
0x1f: {  	[tilespmem:s13], [sflag:$0x5] =	stream.linear.gather [hbm4b:s5+s3], $0x6400, $0x38;
	[tilespmem:$0x1F600] =	vst v63  }
0x20: {  	_ =	swait.ge [sflag:s11], $0x6400  }
0x21: {  	[sflag:s11] =	ssyncset.done $0x0  }
0x22: {  	[sflag:s11] =	ssyncadd.s32 $0xFFFF9C00  }
0x23: {  	v0 =	vld [tilespmem:$0x0]  }
0x24: {  	v1 =	vld [tilespmem:$0x10]  }
0x25: {  	v2 =	vld [tilespmem:$0x20]  }
0x26: {  	v3 =	vld [tilespmem:$0x30]  }
0x27: {  	v4 =	vld [tilespmem:$0x40]  }
0x28: {  	[tilespmem:$0x6400] =	vst v0;
	v0 =	vld [tilespmem:$0x50]  }
0x29: {  	[tilespmem:$0x6410] =	vst v1;
	v1 =	vld [tilespmem:$0x60]  }
0x2a: {  	[tilespmem:$0x6420] =	vst v2;
	v2 =	vld [tilespmem:$0x70]  }
0x2b: {  	[tilespmem:$0x6430] =	vst v3;
	v3 =	vld [tilespmem:$0x80]  }
0x2c: {  	[tilespmem:$0x6440] =	vst v4;
	v4 =	vld [tilespmem:$0x90]  }
0x2d: {  	[tilespmem:$0x6450] =	vst v0;
	v0 =	vld [tilespmem:$0xA0]  }
0x2e: {  	[tilespmem:$0x6460] =	vst v1;
	v1 =	vld [tilespmem:$0xB0]  }
0x2f: {  	[tilespmem:$0x6470] =	vst v2;
	v2 =	vld [tilespmem:$0xB8]  }
0x30: {  	[tilespmem:$0x6500] =	vst v3  }
0x31: {  	[tilespmem:$0x6510] =	vst v4  }
0x32: {  	[tilespmem:$0x6520] =	vst v0  }
0x33: {  	[tilespmem:$0x6530] =	vst v1  }
0x34: {  	[tilespmem:$0x6538] =	vst v2  }
0x35: {  	[tilespmem:s16], [sflag:$0x1] =	stream.indirect.gather [hbm4b:s4+s14], $0x80, s15, s14, $0xb8;
	[tilespmem:$0x1F600] =	vst v63  }
0x36: {  	_ = 	snop  }
0x37: {  	[tilespmem:s19], [sflag:$0x1] =	stream.indirect.gather [hbm4b:s4+s17], $0x80, s18, s17, $0xb8;
	[tilespmem:$0x1F600] =	vst v63  }
0x38: {  	v0 =	vld [tilespmem:$0xC8]  }
0x39: {  	v1 =	vld [tilespmem:$0xD8]  }
0x3a: {  	v2 =	vld [tilespmem:$0xE8]  }
0x3b: {  	v3 =	vld [tilespmem:$0xF8]  }
0x3c: {  	v4 =	vld [tilespmem:$0x108]  }
0x3d: {  	[tilespmem:$0x6480] =	vst v0;
	v0 =	vld [tilespmem:$0x118]  }
0x3e: {  	[tilespmem:$0x6490] =	vst v1;
	v1 =	vld [tilespmem:$0x128]  }
0x3f: {  	[tilespmem:$0x64A0] =	vst v2;
	v2 =	vld [tilespmem:$0x138]  }
0x40: {  	[tilespmem:$0x64B0] =	vst v3;
	v3 =	vld [tilespmem:$0x148]  }
0x41: {  	[tilespmem:$0x64C0] =	vst v4;
	v4 =	vld [tilespmem:$0x158]  }
0x42: {  	[tilespmem:$0x64D0] =	vst v0;
	v0 =	vld [tilespmem:$0x168]  }
0x43: {  	[tilespmem:$0x64E0] =	vst v1;
	v1 =	vld [tilespmem:$0x178]  }
0x44: {  	[tilespmem:$0x64F0] =	vst v2;
	v2 =	vld [tilespmem:$0x180]  }
0x45: {  	[tilespmem:$0x6580] =	vst v3  }
0x46: {  	[tilespmem:$0x6590] =	vst v4  }
0x47: {  	[tilespmem:$0x65A0] =	vst v0  }
0x48: {  	[tilespmem:$0x65B0] =	vst v1  }
0x49: {  	[tilespmem:$0x65B8] =	vst v2  }
0x4a: {  	[tilespmem:s21], [sflag:$0x2] =	stream.indirect.gather [hbm4b:s4+s14], $0x80, s20, s14, $0xb8;
	[tilespmem:$0x1F600] =	vst v63  }
0x4b: {  	_ = 	snop  }
0x4c: {  	[tilespmem:s23], [sflag:$0x2] =	stream.indirect.gather [hbm4b:s4+s17], $0x80, s22, s17, $0xb8;
	[tilespmem:$0x1F600] =	vst v63  }
0x4d: {  	_ =	swait.ge [sflag:s24], $0x4000  }
0x4e: {  	[sflag:s24] =	ssyncset.done $0x0  }
0x4f: {  	[sflag:s24] =	ssyncadd.s32 $0xFFFFC000  }
0x50: {  	_ =	swait.ge [sflag:s24], $0x2400  }
0x51: {  	[sflag:s24] =	ssyncset.done $0x0  }
0x52: {  	s30 =	simm.s32 $0x0;
	[sflag:s24] =	ssyncadd.s32 $0xFFFFDC00  }
0x53: {  	v3 =	vld [tilespmem:s30+$0x66B0]  }
0x54: {  	v4 =	vld [tilespmem:s30+$0x6600]  }
0x55: {  	v5 =	vld [tilespmem:s30+$0x6610]  }
0x56: {  	v2 =	vld [tilespmem:s30+$0x6620]  }
0x57: {  	v0 =	vld [tilespmem:s30+$0x6630]  }
0x58: {  	v1 =	vld [tilespmem:s30+$0x6680];
	[tilespmem:s30+$0x12EF0] =	vst v3  }
0x59: {  	[tilespmem:s30+$0x12E40] =	vst v4;
	v3 =	vld [tilespmem:s30+$0x6690]  }
0x5a: {  	s0 =	simm.s32 $0x100;
	s1 =	simm.s32 $0x800;
	[tilespmem:s30+$0x12E50] =	vst v5;
	v4 =	vld [tilespmem:s30+$0x66A0]  }
.LBB2_2:
0x5b: {  	p0 =	sne.s32 s1, $0x18C00;
	v5 =	vld [tilespmem:s0+$0x66B0];
	[tilespmem:s30+$0x12E60] =	vst v2  }
0x5c: {  	v6 =	vld [tilespmem:s0+$0x6600];
	[tilespmem:s30+$0x12E70] =	vst v0  }
0x5d: {  	v7 =	vld [tilespmem:s0+$0x6610];
	[tilespmem:s30+$0x12EC0] =	vst v1  }
.Ltmp2:
0x5e: {  	v2 =	vld [tilespmem:s0+$0x6620];
	[tilespmem:s30+$0x12ED0] =	vst v3;
	(pc) =	sbr.rel @p0 .LBB2_2-.Ltmp2, $4  }
0x5f: {  	v0 =	vld [tilespmem:s0+$0x6630];
	[tilespmem:s30+$0x12EE0] =	vst v4;
	s30 =	smov.u32 s0  }
0x60: {  	v1 =	vld [tilespmem:s30+$0x6680];
	[tilespmem:s30+$0x12EF0] =	vst v5  }
0x61: {  	[tilespmem:s30+$0x12E40] =	vst v6;
	v3 =	vld [tilespmem:s30+$0x6690]  }
0x62: {  	s0 =	sshra.s32 s1, $0x2;
	s1 =	sadd.s32 $0x400, s1;
	[tilespmem:s30+$0x12E50] =	vst v7;
	v4 =	vld [tilespmem:s30+$0x66A0]  }
0x63: {  	v5 =	vld [tilespmem:s0+$0x66B0];
	[tilespmem:s30+$0x12E60] =	vst v2  }
0x64: {  	v2 =	vld [tilespmem:s0+$0x6600];
	[tilespmem:s30+$0x12E70] =	vst v0  }
0x65: {  	v0 =	vld [tilespmem:s0+$0x6610];
	[tilespmem:s30+$0x12EC0] =	vst v1  }
0x66: {  	v1 =	vld [tilespmem:s0+$0x6620];
	[tilespmem:s30+$0x12ED0] =	vst v3  }
0x67: {  	v3 =	vld [tilespmem:s0+$0x6630];
	[tilespmem:s30+$0x12EE0] =	vst v4  }
0x68: {  	v4 =	vld [tilespmem:s0+$0x6680];
	[tilespmem:s0+$0x12EF0] =	vst v5  }
0x69: {  	[tilespmem:s0+$0x12E40] =	vst v2;
	v2 =	vld [tilespmem:s0+$0x6690]  }
0x6a: {  	[tilespmem:s0+$0x12E50] =	vst v0;
	v0 =	vld [tilespmem:s0+$0x66A0]  }
0x6b: {  	[tilespmem:s0+$0x12E60] =	vst v1  }
0x6c: {  	[tilespmem:s0+$0x12E70] =	vst v3  }
0x6d: {  	[tilespmem:s0+$0x12EC0] =	vst v4  }
0x6e: {  	[tilespmem:s0+$0x12ED0] =	vst v2  }
0x6f: {  	s31 =	simm.s32 $0x0;
	[tilespmem:s0+$0x12EE0] =	vst v0  }
0x70: {  	[hbm4b:s7+s31] =	stream.linear.scatter [tilespmem:s12], [sflag:$0x3], $0x6400, $0x38;
	[tilespmem:$0x1F600] =	vst v63  }
0x71: {  	v0 =	vld [tilespmem:$0x190]  }
0x72: {  	v1 =	vld [tilespmem:$0x1A0]  }
0x73: {  	v2 =	vld [tilespmem:$0x1B0]  }
0x74: {  	v3 =	vld [tilespmem:$0x1C0]  }
0x75: {  	v4 =	vld [tilespmem:$0x1D0]  }
0x76: {  	[tilespmem:$0x6400] =	vst v0;
	v0 =	vld [tilespmem:$0x1E0]  }
0x77: {  	[tilespmem:$0x6410] =	vst v1;
	v1 =	vld [tilespmem:$0x1F0]  }
0x78: {  	[tilespmem:$0x6420] =	vst v2;
	v2 =	vld [tilespmem:$0x200]  }
0x79: {  	[tilespmem:$0x6430] =	vst v3;
	v3 =	vld [tilespmem:$0x210]  }
0x7a: {  	[tilespmem:$0x6440] =	vst v4;
	v4 =	vld [tilespmem:$0x220]  }
0x7b: {  	[tilespmem:$0x6450] =	vst v0;
	v0 =	vld [tilespmem:$0x230]  }
0x7c: {  	[tilespmem:$0x6460] =	vst v1;
	v1 =	vld [tilespmem:$0x240]  }
0x7d: {  	[tilespmem:$0x6470] =	vst v2;
	v2 =	vld [tilespmem:$0x248]  }
0x7e: {  	[tilespmem:$0x6500] =	vst v3  }
0x7f: {  	[tilespmem:$0x6510] =	vst v4  }
0x80: {  	[tilespmem:$0x6520] =	vst v0  }
0x81: {  	[tilespmem:$0x6530] =	vst v1  }
0x82: {  	[tilespmem:$0x6538] =	vst v2  }
0x83: {  	[tilespmem:s16], [sflag:$0x1] =	stream.indirect.gather [hbm4b:s4+s14], $0x80, s15, s14, $0xb8;
	[tilespmem:$0x1F600] =	vst v63  }
0x84: {  	_ = 	snop  }
0x85: {  	[tilespmem:s19], [sflag:$0x1] =	stream.indirect.gather [hbm4b:s4+s17], $0x80, s18, s17, $0xb8;
	[tilespmem:$0x1F600] =	vst v63  }
0x86: {  	_ =	swait.ge [sflag:s25], $0x4000  }
0x87: {  	[sflag:s25] =	ssyncset.done $0x0  }
0x88: {  	[sflag:s25] =	ssyncadd.s32 $0xFFFFC000  }
0x89: {  	_ =	swait.ge [sflag:s25], $0x2400  }
0x8a: {  	[sflag:s25] =	ssyncset.done $0x0  }
0x8b: {  	s30 =	simm.s32 $0x0;
	[sflag:s25] =	ssyncadd.s32 $0xFFFFDC00  }
0x8c: {  	v3 =	vld [tilespmem:s30+$0xCAB0]  }
0x8d: {  	v4 =	vld [tilespmem:s30+$0xCA00]  }
0x8e: {  	v5 =	vld [tilespmem:s30+$0xCA10]  }
0x8f: {  	v2 =	vld [tilespmem:s30+$0xCA20]  }
0x90: {  	v0 =	vld [tilespmem:s30+$0xCA30]  }
0x91: {  	v1 =	vld [tilespmem:s30+$0xCA80];
	[tilespmem:s30+$0x192F0] =	vst v3  }
0x92: {  	[tilespmem:s30+$0x19240] =	vst v4;
	v3 =	vld [tilespmem:s30+$0xCA90]  }
0x93: {  	s1 =	simm.s32 $0x800;
	s0 =	simm.s32 $0x100;
	[tilespmem:s30+$0x19250] =	vst v5;
	v4 =	vld [tilespmem:s30+$0xCAA0]  }
.LBB2_4:
0x94: {  	p0 =	sne.s32 s1, $0x18C00;
	v5 =	vld [tilespmem:s0+$0xCAB0];
	[tilespmem:s30+$0x19260] =	vst v2  }
0x95: {  	v6 =	vld [tilespmem:s0+$0xCA00];
	[tilespmem:s30+$0x19270] =	vst v0  }
0x96: {  	v7 =	vld [tilespmem:s0+$0xCA10];
	[tilespmem:s30+$0x192C0] =	vst v1  }
.Ltmp3:
0x97: {  	v2 =	vld [tilespmem:s0+$0xCA20];
	[tilespmem:s30+$0x192D0] =	vst v3;
	(pc) =	sbr.rel @p0 .LBB2_4-.Ltmp3, $4  }
0x98: {  	v0 =	vld [tilespmem:s0+$0xCA30];
	[tilespmem:s30+$0x192E0] =	vst v4;
	s30 =	smov.u32 s0  }
0x99: {  	v1 =	vld [tilespmem:s30+$0xCA80];
	[tilespmem:s30+$0x192F0] =	vst v5  }
0x9a: {  	[tilespmem:s30+$0x19240] =	vst v6;
	v3 =	vld [tilespmem:s30+$0xCA90]  }
0x9b: {  	s0 =	sshra.s32 s1, $0x2;
	s1 =	sadd.s32 $0x400, s1;
	[tilespmem:s30+$0x19250] =	vst v7;
	v4 =	vld [tilespmem:s30+$0xCAA0]  }
0x9c: {  	v5 =	vld [tilespmem:s0+$0xCAB0];
	[tilespmem:s30+$0x19260] =	vst v2  }
0x9d: {  	v2 =	vld [tilespmem:s0+$0xCA00];
	[tilespmem:s30+$0x19270] =	vst v0  }
0x9e: {  	v0 =	vld [tilespmem:s0+$0xCA10];
	[tilespmem:s30+$0x192C0] =	vst v1  }
0x9f: {  	v1 =	vld [tilespmem:s0+$0xCA20];
	[tilespmem:s30+$0x192D0] =	vst v3  }
0xa0: {  	v3 =	vld [tilespmem:s0+$0xCA30];
	[tilespmem:s30+$0x192E0] =	vst v4  }
0xa1: {  	v4 =	vld [tilespmem:s0+$0xCA80];
	[tilespmem:s0+$0x192F0] =	vst v5  }
0xa2: {  	v54 =	vld [tilespmem:s0+$0xCA90];
	[tilespmem:s0+$0x19240] =	vst v2  }
0xa3: {  	v55 =	vld [tilespmem:s0+$0xCAA0];
	[tilespmem:s0+$0x19250] =	vst v0  }
0xa4: {  	[tilespmem:s0+$0x19260] =	vst v1  }
0xa5: {  	[tilespmem:s0+$0x19270] =	vst v3  }
0xa6: {  	[tilespmem:s0+$0x192C0] =	vst v4  }
0xa7: {  	[tilespmem:s0+$0x192D0] =	vst v54  }
0xa8: {  	[tilespmem:s0+$0x192E0] =	vst v55  }
0xa9: {  	[hbm4b:s9+s3] =	stream.linear.scatter [tilespmem:s13], [sflag:$0x4], $0x6400, $0x38;
	[tilespmem:$0x1F600] =	vst v63  }
0xaa: {  	v0 =	vld [tilespmem:$0x258]  }
0xab: {  	v1 =	vld [tilespmem:$0x268]  }
0xac: {  	v2 =	vld [tilespmem:$0x278]  }
0xad: {  	v3 =	vld [tilespmem:$0x288]  }
0xae: {  	v4 =	vld [tilespmem:$0x298]  }
0xaf: {  	v56 =	vld [tilespmem:$0x2A8];
	[tilespmem:$0x6480] =	vst v0  }
0xb0: {  	v57 =	vld [tilespmem:$0x2B8];
	[tilespmem:$0x6490] =	vst v1  }
0xb1: {  	v58 =	vld [tilespmem:$0x2C8];
	[tilespmem:$0x64A0] =	vst v2  }
0xb2: {  	v59 =	vld [tilespmem:$0x2D8];
	[tilespmem:$0x64B0] =	vst v3  }
0xb3: {  	v60 =	vld [tilespmem:$0x2E8];
	[tilespmem:$0x64C0] =	vst v4  }
0xb4: {  	v61 =	vld [tilespmem:$0x2F8];
	[tilespmem:$0x64D0] =	vst v56  }
0xb5: {  	v62 =	vld [tilespmem:$0x308];
	[tilespmem:$0x64E0] =	vst v57  }
0xb6: {  	v63 =	vld [tilespmem:$0x310];
	[tilespmem:$0x64F0] =	vst v58  }
0xb7: {  	[tilespmem:$0x6580] =	vst v59  }
0xb8: {  	[tilespmem:$0x6590] =	vst v60  }
0xb9: {  	[tilespmem:$0x65A0] =	vst v61  }
0xba: {  	[tilespmem:$0x65B0] =	vst v62  }
0xbb: {  	[tilespmem:$0x65B8] =	vst v63  }
0xbc: {  	[tilespmem:s21], [sflag:$0x2] =	stream.indirect.gather [hbm4b:s4+s14], $0x80, s20, s14, $0xb8;
	[tilespmem:$0x1F600] =	vst v63  }
0xbd: {  	s30 =	simm.s32 $0x1  }
0xbe: {  	[tilespmem:s23], [sflag:$0x2] =	stream.indirect.gather [hbm4b:s4+s17], $0x80, s22, s17, $0xb8;
	[tilespmem:$0x1F600] =	vst v63  }
.LBB2_6:
0xbf: {  	_ =	swait.ge [sflag:s24], $0x4000  }
0xc0: {  	[sflag:s24] =	ssyncset.done $0x0  }
0xc1: {  	[sflag:s24] =	ssyncadd.s32 $0xFFFFC000  }
0xc2: {  	_ =	swait.ge [sflag:s24], $0x2400  }
0xc3: {  	[sflag:s24] =	ssyncset.done $0x0  }
0xc4: {  	[sflag:s24] =	ssyncadd.s32 $0xFFFFDC00  }
0xc5: {  	_ =	swait.ge [sflag:s26], $0x6400  }
0xc6: {  	[sflag:s26] =	ssyncset.done $0x0  }
0xc7: {  	s31 =	simm.s32 $0x0;
	[sflag:s26] =	ssyncadd.s32 $0xFFFF9C00  }
0xc8: {  	v3 =	vld [tilespmem:s31+$0x66B0]  }
0xc9: {  	v4 =	vld [tilespmem:s31+$0x6600]  }
0xca: {  	v5 =	vld [tilespmem:s31+$0x6610]  }
0xcb: {  	v2 =	vld [tilespmem:s31+$0x6620]  }
0xcc: {  	v0 =	vld [tilespmem:s31+$0x6630]  }
0xcd: {  	v1 =	vld [tilespmem:s31+$0x6680];
	[tilespmem:s31+$0x12EF0] =	vst v3  }
0xce: {  	[tilespmem:s31+$0x12E40] =	vst v4;
	v3 =	vld [tilespmem:s31+$0x6690]  }
0xcf: {  	s0 =	simm.s32 $0x100;
	s1 =	simm.s32 $0x800;
	[tilespmem:s31+$0x12E50] =	vst v5;
	v4 =	vld [tilespmem:s31+$0x66A0]  }
.LBB2_7:
0xd0: {  	p0 =	sne.s32 s1, $0x18C00;
	v5 =	vld [tilespmem:s0+$0x66B0];
	[tilespmem:s31+$0x12E60] =	vst v2  }
0xd1: {  	v6 =	vld [tilespmem:s0+$0x6600];
	[tilespmem:s31+$0x12E70] =	vst v0  }
0xd2: {  	v7 =	vld [tilespmem:s0+$0x6610];
	[tilespmem:s31+$0x12EC0] =	vst v1  }
.Ltmp4:
0xd3: {  	v2 =	vld [tilespmem:s0+$0x6620];
	[tilespmem:s31+$0x12ED0] =	vst v3;
	(pc) =	sbr.rel @p0 .LBB2_7-.Ltmp4, $4  }
0xd4: {  	v0 =	vld [tilespmem:s0+$0x6630];
	[tilespmem:s31+$0x12EE0] =	vst v4;
	s31 =	smov.u32 s0  }
0xd5: {  	v1 =	vld [tilespmem:s31+$0x6680];
	[tilespmem:s31+$0x12EF0] =	vst v5  }
0xd6: {  	[tilespmem:s31+$0x12E40] =	vst v6;
	v3 =	vld [tilespmem:s31+$0x6690]  }
0xd7: {  	s0 =	sshra.s32 s1, $0x2;
	s1 =	sadd.s32 $0x400, s1;
	[tilespmem:s31+$0x12E50] =	vst v7;
	v4 =	vld [tilespmem:s31+$0x66A0]  }
0xd8: {  	v5 =	vld [tilespmem:s0+$0x66B0];
	[tilespmem:s31+$0x12E60] =	vst v2  }
0xd9: {  	v2 =	vld [tilespmem:s0+$0x6600];
	[tilespmem:s31+$0x12E70] =	vst v0  }
0xda: {  	v0 =	vld [tilespmem:s0+$0x6610];
	[tilespmem:s31+$0x12EC0] =	vst v1  }
0xdb: {  	v1 =	vld [tilespmem:s0+$0x6620];
	[tilespmem:s31+$0x12ED0] =	vst v3  }
0xdc: {  	v3 =	vld [tilespmem:s0+$0x6630];
	[tilespmem:s31+$0x12EE0] =	vst v4  }
0xdd: {  	v4 =	vld [tilespmem:s0+$0x6680];
	[tilespmem:s0+$0x12EF0] =	vst v5  }
0xde: {  	[tilespmem:s0+$0x12E40] =	vst v2;
	v2 =	vld [tilespmem:s0+$0x6690]  }
0xdf: {  	[tilespmem:s0+$0x12E50] =	vst v0;
	v0 =	vld [tilespmem:s0+$0x66A0]  }
0xe0: {  	s31 =	sshll.u32 s30, $0x1;
	[tilespmem:s0+$0x12E60] =	vst v1  }
0xe1: {  	s1 =	sadd.s32 s6, s31;
	[tilespmem:s0+$0x12E70] =	vst v3  }
0xe2: {  	s1 =	smul.u32 $0xC80, s1;
	[tilespmem:s0+$0x12EC0] =	vst v4  }
0xe3: {  	p0 =	seq.s32 s30, $0x3F;
	[tilespmem:s0+$0x12ED0] =	vst v2  }
0xe4: {  	s15 =	sadd.s32 s2, s1;
	s1 =	smul.u32 @!p0 $0x190, s30;
	[tilespmem:s0+$0x12EE0] =	vst v0  }
0xe5: {  	[hbm4b:s15+s3] =	stream.linear.scatter [tilespmem:s12], [sflag:$0x3], $0x6400, $0x38;
	[tilespmem:$0x1F600] =	vst v63  }
0xe6: {  	v0 =	vld @!p0 [tilespmem:s1+$0x190];
	_ =	sdelay $0x4  }
0xe7: {  	[tilespmem:$0x6400] =	vst @!p0 v0  }
0xe8: {  	v0 =	vld @!p0 [tilespmem:s1+$0x1A0];
	_ =	sdelay $0x4  }
0xe9: {  	[tilespmem:$0x6410] =	vst @!p0 v0  }
0xea: {  	v0 =	vld @!p0 [tilespmem:s1+$0x1B0];
	_ =	sdelay $0x4  }
0xeb: {  	[tilespmem:$0x6420] =	vst @!p0 v0  }
0xec: {  	v0 =	vld @!p0 [tilespmem:s1+$0x1C0];
	_ =	sdelay $0x4  }
0xed: {  	[tilespmem:$0x6430] =	vst @!p0 v0  }
0xee: {  	v0 =	vld @!p0 [tilespmem:s1+$0x1D0];
	_ =	sdelay $0x4  }
0xef: {  	[tilespmem:$0x6440] =	vst @!p0 v0  }
0xf0: {  	v0 =	vld @!p0 [tilespmem:s1+$0x1E0];
	_ =	sdelay $0x4  }
0xf1: {  	[tilespmem:$0x6450] =	vst @!p0 v0  }
0xf2: {  	v0 =	vld @!p0 [tilespmem:s1+$0x1F0];
	_ =	sdelay $0x4  }
0xf3: {  	[tilespmem:$0x6460] =	vst @!p0 v0  }
0xf4: {  	v0 =	vld @!p0 [tilespmem:s1+$0x200];
	_ =	sdelay $0x3  }
0xf5: {  	s0 =	sadd.s32 @!p0 $0x190, s1  }
0xf6: {  	s0 =	sand.u32 @!p0 $0xFFF0, s0;
	[tilespmem:$0x6470] =	vst @!p0 v0  }
0xf7: {  	v0 =	vld @!p0 [tilespmem:s0+$0x80];
	_ =	sdelay $0x4  }
0xf8: {  	[tilespmem:$0x6500] =	vst @!p0 v0  }
0xf9: {  	v0 =	vld @!p0 [tilespmem:s1+$0x220];
	_ =	sdelay $0x4  }
0xfa: {  	[tilespmem:$0x6510] =	vst @!p0 v0  }
0xfb: {  	v0 =	vld @!p0 [tilespmem:s1+$0x230];
	_ =	sdelay $0x4  }
0xfc: {  	[tilespmem:$0x6520] =	vst @!p0 v0  }
0xfd: {  	v0 =	vld @!p0 [tilespmem:s1+$0x240];
	_ =	sdelay $0x4  }
0xfe: {  	[tilespmem:$0x6530] =	vst @!p0 v0  }
0xff: {  	v0 =	vld @!p0 [tilespmem:s1+$0x248];
	_ =	sdelay $0x4  }
0x100: {  	s15 =	simm.s32 @!p0 $0x6600;
	s0 =	simm.s32 @!p0 $0x80;
	s1 =	simm.s32 @!p0 $0x6400;
	[tilespmem:$0x6538] =	vst @!p0 v0  }
0x101: {  	[tilespmem:s15], [sflag:$0x1] =	stream.indirect.gather @!p0 [hbm4b:s4+s0], $0x80, s1, s0, $0xb8;
	[tilespmem:$0x1F600] =	vst v63  }
0x102: {  	s0 =	simm.s32 @!p0 $0x48;
	s1 =	simm.s32 @!p0 $0x6500;
	s15 =	simm.s32 @!p0 $0xA600  }
0x103: {  	[tilespmem:s15], [sflag:$0x1] =	stream.indirect.gather @!p0 [hbm4b:s4+s0], $0x80, s1, s0, $0xb8;
	[tilespmem:$0x1F600] =	vst v63  }
0x104: {  	_ =	swait.ge [sflag:s25], $0x4000  }
0x105: {  	[sflag:s25] =	ssyncset.done $0x0  }
0x106: {  	[sflag:s25] =	ssyncadd.s32 $0xFFFFC000  }
0x107: {  	_ =	swait.ge [sflag:s25], $0x2400  }
0x108: {  	[sflag:s25] =	ssyncset.done $0x0  }
0x109: {  	[sflag:s25] =	ssyncadd.s32 $0xFFFFDC00  }
0x10a: {  	_ =	swait.ge [sflag:s28], $0x6400  }
0x10b: {  	[sflag:s28] =	ssyncset.done $0x0  }
0x10c: {  	s0 =	simm.s32 $0x0;
	[sflag:s28] =	ssyncadd.s32 $0xFFFF9C00  }
0x10d: {  	v3 =	vld [tilespmem:s0+$0xCAB0]  }
0x10e: {  	v4 =	vld [tilespmem:s0+$0xCA00]  }
0x10f: {  	v5 =	vld [tilespmem:s0+$0xCA10]  }
0x110: {  	v2 =	vld [tilespmem:s0+$0xCA20]  }
0x111: {  	v0 =	vld [tilespmem:s0+$0xCA30]  }
0x112: {  	v1 =	vld [tilespmem:s0+$0xCA80];
	[tilespmem:s0+$0x192F0] =	vst v3  }
0x113: {  	[tilespmem:s0+$0x19240] =	vst v4;
	v3 =	vld [tilespmem:s0+$0xCA90]  }
0x114: {  	s1 =	simm.s32 $0x100;
	s15 =	simm.s32 $0x800;
	[tilespmem:s0+$0x19250] =	vst v5;
	v4 =	vld [tilespmem:s0+$0xCAA0]  }
.LBB2_9:
0x115: {  	p1 =	sne.s32 s15, $0x18C00;
	v5 =	vld [tilespmem:s1+$0xCAB0];
	[tilespmem:s0+$0x19260] =	vst v2  }
0x116: {  	v6 =	vld [tilespmem:s1+$0xCA00];
	[tilespmem:s0+$0x19270] =	vst v0  }
0x117: {  	v7 =	vld [tilespmem:s1+$0xCA10];
	[tilespmem:s0+$0x192C0] =	vst v1  }
.Ltmp5:
0x118: {  	v2 =	vld [tilespmem:s1+$0xCA20];
	[tilespmem:s0+$0x192D0] =	vst v3;
	(pc) =	sbr.rel @p1 .LBB2_9-.Ltmp5, $4  }
0x119: {  	v0 =	vld [tilespmem:s1+$0xCA30];
	[tilespmem:s0+$0x192E0] =	vst v4;
	s0 =	smov.u32 s1  }
0x11a: {  	v1 =	vld [tilespmem:s0+$0xCA80];
	[tilespmem:s0+$0x192F0] =	vst v5  }
0x11b: {  	[tilespmem:s0+$0x19240] =	vst v6;
	v3 =	vld [tilespmem:s0+$0xCA90]  }
0x11c: {  	s1 =	sshra.s32 s15, $0x2;
	s15 =	sadd.s32 $0x400, s15;
	[tilespmem:s0+$0x19250] =	vst v7;
	v4 =	vld [tilespmem:s0+$0xCAA0]  }
0x11d: {  	v5 =	vld [tilespmem:s1+$0xCAB0];
	[tilespmem:s0+$0x19260] =	vst v2  }
0x11e: {  	v2 =	vld [tilespmem:s1+$0xCA00];
	[tilespmem:s0+$0x19270] =	vst v0  }
0x11f: {  	v0 =	vld [tilespmem:s1+$0xCA10];
	[tilespmem:s0+$0x192C0] =	vst v1  }
0x120: {  	v1 =	vld [tilespmem:s1+$0xCA20];
	[tilespmem:s0+$0x192D0] =	vst v3  }
0x121: {  	v3 =	vld [tilespmem:s1+$0xCA30];
	[tilespmem:s0+$0x192E0] =	vst v4  }
0x122: {  	v4 =	vld [tilespmem:s1+$0xCA80];
	[tilespmem:s1+$0x192F0] =	vst v5  }
0x123: {  	v62 =	vld [tilespmem:s1+$0xCA90];
	[tilespmem:s1+$0x19240] =	vst v2  }
0x124: {  	s31 =	sadd.s32 s31, s6;
	v63 =	vld [tilespmem:s1+$0xCAA0];
	[tilespmem:s1+$0x19250] =	vst v0  }
0x125: {  	s0 =	smul.u32 $0xC80, s31;
	[tilespmem:s1+$0x19260] =	vst v1  }
.Ltmp6:
0x126: {  	[tilespmem:s1+$0x19270] =	vst v3;
	(pc) =	sbr.rel @p0 .LBB2_12-.Ltmp6, $4  }
0x127: {  	[tilespmem:s1+$0x192C0] =	vst v4  }
0x128: {  	s0 =	sadd.s32 s2, s0;
	[tilespmem:s1+$0x192D0] =	vst v62  }
0x129: {  	s0 =	sadd.s32 $0xC80, s0;
	[tilespmem:s1+$0x192E0] =	vst v63  }
0x12a: {  	[hbm4b:s0+s3] =	stream.linear.scatter [tilespmem:s13], [sflag:$0x4], $0x6400, $0x38;
	[tilespmem:$0x1F600] =	vst v63  }
0x12b: {  	s0 =	smul.u32 $0x190, s30;
	_ =	sdelay $0x1  }
0x12c: {  	v0 =	vld [tilespmem:s0+$0x258];
	_ =	sdelay $0x4  }
0x12d: {  	[tilespmem:$0x6480] =	vst v0  }
0x12e: {  	v0 =	vld [tilespmem:s0+$0x268];
	_ =	sdelay $0x4  }
0x12f: {  	[tilespmem:$0x6490] =	vst v0  }
0x130: {  	v0 =	vld [tilespmem:s0+$0x278];
	_ =	sdelay $0x4  }
0x131: {  	[tilespmem:$0x64A0] =	vst v0  }
0x132: {  	v0 =	vld [tilespmem:s0+$0x288];
	_ =	sdelay $0x4  }
0x133: {  	[tilespmem:$0x64B0] =	vst v0  }
0x134: {  	v0 =	vld [tilespmem:s0+$0x298];
	_ =	sdelay $0x4  }
0x135: {  	[tilespmem:$0x64C0] =	vst v0  }
0x136: {  	v0 =	vld [tilespmem:s0+$0x2A8];
	_ =	sdelay $0x4  }
0x137: {  	[tilespmem:$0x64D0] =	vst v0  }
0x138: {  	v0 =	vld [tilespmem:s0+$0x2B8];
	_ =	sdelay $0x4  }
0x139: {  	[tilespmem:$0x64E0] =	vst v0  }
0x13a: {  	v0 =	vld [tilespmem:s0+$0x2C8];
	_ =	sdelay $0x3  }
0x13b: {  	s1 =	sadd.s32 $0x258, s0  }
0x13c: {  	s1 =	sand.u32 $0xFFF8, s1;
	[tilespmem:$0x64F0] =	vst v0  }
0x13d: {  	v0 =	vld [tilespmem:s1+$0x80];
	_ =	sdelay $0x4  }
0x13e: {  	[tilespmem:$0x6580] =	vst v0  }
0x13f: {  	v0 =	vld [tilespmem:s0+$0x2E8];
	_ =	sdelay $0x4  }
0x140: {  	[tilespmem:$0x6590] =	vst v0  }
0x141: {  	v0 =	vld [tilespmem:s0+$0x2F8];
	_ =	sdelay $0x4  }
0x142: {  	[tilespmem:$0x65A0] =	vst v0  }
0x143: {  	v0 =	vld [tilespmem:s0+$0x308];
	_ =	sdelay $0x4  }
0x144: {  	[tilespmem:$0x65B0] =	vst v0  }
0x145: {  	v0 =	vld [tilespmem:s0+$0x310];
	_ =	sdelay $0x3  }
.Ltmp7:
0x146: {  	_ = 	snop;
	(pc) =	sbr.rel .LBB2_6-.Ltmp7, $4  }
0x147: {  	[tilespmem:$0x65B8] =	vst v0  }
0x148: {  	[tilespmem:s21], [sflag:$0x2] =	stream.indirect.gather [hbm4b:s4+s14], $0x80, s20, s14, $0xb8;
	[tilespmem:$0x1F600] =	vst v63  }
0x149: {  	s30 =	sadd.s32 $0x1, s30  }
0x14a: {  	[tilespmem:s23], [sflag:$0x2] =	stream.indirect.gather [hbm4b:s4+s17], $0x80, s22, s17, $0xb8;
	[tilespmem:$0x1F600] =	vst v63  }
.LBB2_13:
0x14b: {  	_ =	sfence.sel $0x180000  }
0x14c: {  	[bflag:$0x0] =	sbarrier.arrive $0xFFFF  }
0x14d: {  	_ =	strace $0x90000047  }
0x14e: {  	s0 =	stileid.u32;
	[bflag:$0x2] =	sbarrier.arrive $0xFFFF  }
0x14f: {  	p0 =	sne.s32 s0, $0x0;
	s0 =	rddreg [dreg:$0x2]  }
0x150: {  	s0 =	sadd.s32 @!p0 $0x100000, s0  }
0x151: {  	[sflag:s0] =	ssyncadd.tile.s32 @!p0 $0x1;
	_ =	shalt  }
.Lfunc_end2:
_tile_overlayer_lowered:
.L_overlay_start_2:
0x152: {  	(tag) =	ssettag $0x2  }
0x153: {  	s0 =	rddreg [dreg:$0x0];
	s2 =	stileid.u32  }
0x154: {  	s1 =	rddreg [dreg:$0x1];
	p0 =	sne.s32 s2, $0x0  }
0x155: {  	s3 =	rddreg [dreg:$0x2];
	[bflag:$0x3] =	sbarrier.arrive $0xFFFF;
	s2 =	simm.s32 @!p0 $0x1C05  }
0x156: {  	[timem:s3], [sflag:s2] =	dma.local @!p0 [hbm:s0], s1  }
0x157: {  	s0 =	simm.s32 @!p0 $0x5  }
0x158: {  	_ =	swait.ge @!p0 [sflag:s0], s1  }
0x159: {  	s1 =	ssub.s32 @!p0 $0x0, s1;
	[sflag:s0] =	ssyncset.done @!p0 $0x0  }
0x15a: {  	[sflag:s0] =	ssyncadd.s32 @!p0 s1  }
0x15b: {  	[bflag:$0x3] =	sbarrier.arrive $0xFFFF  }
0x15c: {  	_ =	shalt  }

</sc_bundles>
